<compile_context>
chip_gen: v7x
topology: tpu7x:2x2x1
jax: 0.10.2.dev20260603
libtpu: 0.0.44.dev20260713+nightly
codegen_flags: <defaults>
</compile_context>

<pallas_src>
import functools

import jax
import jax.numpy as jnp
from jax import lax
from jax.experimental import pallas as pl
from jax.experimental.pallas import tpu as pltpu
from jax.experimental.pallas import tpu_sc as plsc

N = 10000
E = 320000
D_IN = 128
H1, H2, H3 = 128, 64, 32

NC = 2
NS = 16
NW = NC * NS
EPW = E // NW
NP = 10240
RPT = NP // NS
DEG_K = 80
DEG_NCH = EPW // DEG_K
DEGW = 16

_BN_EPS = 1e-5
_BR = 5000



_KCFG = {H1: 80, H2: 80, H3: 80}
_NBUFCFG = {H1: 2, H2: 3, H3: 3}


def _epwp(k, nbuf):
    n = -(-EPW // k)
    while n % nbuf != nbuf - 1:
        n += 1
    return n * k, n


def _make_propagate(D):
    k = _KCFG[D]
    nbuf = _NBUFCFG[D]
    epwp, nchp = _epwp(k, nbuf)
    assert nchp % nbuf == nbuf - 1
    mesh = plsc.VectorSubcoreMesh(core_axis_name="c", subcore_axis_name="s")

    @functools.partial(
        pl.kernel,
        out_type=jax.ShapeDtypeStruct((NC, NP, D), jnp.float32),
        mesh=mesh,
        scratch_types=(
            [pltpu.VMEM((nchp, k), jnp.int32),
             pltpu.VMEM((nchp, k), jnp.int32)]
            + [pltpu.VMEM((k, D), jnp.float32) for _ in range(nbuf)]
            + [pltpu.VMEM_SHARED((NP, D), jnp.float32)]
            + [pltpu.SemaphoreType.DMA for _ in range(nbuf)]
        ),
        compiler_params=pltpu.CompilerParams(use_tc_tiling_on_sc=False),
    )
    def prop(src_hbm, dst_hbm, y_hbm, out_hbm,
             src_v, dst_v, *bufs):
        rows = list(bufs[0:nbuf])
        acc_sh = bufs[nbuf]
        sems = list(bufs[nbuf + 1:2 * nbuf + 1])
        c = lax.axis_index("c")
        s = lax.axis_index("s")
        wid = s * NC + c
        pltpu.sync_copy(src_hbm.at[wid], src_v)
        pltpu.sync_copy(dst_hbm.at[wid], dst_v)

        z16 = jnp.zeros((16,), jnp.float32)

        def zrow(r, carry):
            for cc in range(D // 16):
                rows[0][r, pl.ds(cc * 16, 16)] = z16
            return carry

        lax.fori_loop(0, k, zrow, 0)
        for t in range(RPT // k):
            pltpu.sync_copy(rows[0], acc_sh.at[pl.ds(s * RPT + t * k, k)])
        plsc.subcore_barrier()

        for b in range(nbuf - 1):
            pltpu.async_copy(y_hbm.at[src_v.at[b]], rows[b], sems[b])

        def body(i, carry):
            for b in range(nbuf):
                j = nbuf * i + b
                kn = (b + nbuf - 1) % nbuf
                pltpu.async_copy(y_hbm.at[src_v.at[j + nbuf - 1]],
                                 rows[kn], sems[kn])
                pltpu.make_async_copy(y_hbm.at[src_v.at[j]], rows[b],
                                      sems[b]).wait()
                pltpu.sync_copy(rows[b], acc_sh.at[dst_v.at[j]], add=True)
            return carry

        lax.fori_loop(0, (nchp - (nbuf - 1)) // nbuf, body, 0)
        for t in range(nbuf - 1):
            j = nchp - (nbuf - 1) + t
            b = j % nbuf
            pltpu.make_async_copy(y_hbm.at[src_v.at[j]], rows[b],
                                  sems[b]).wait()
            pltpu.sync_copy(rows[b], acc_sh.at[dst_v.at[j]], add=True)
        plsc.subcore_barrier()
        pltpu.sync_copy(acc_sh.at[pl.ds(s * RPT, RPT)],
                        out_hbm.at[c, pl.ds(s * RPT, RPT)])

    return prop


_propagate = {D: _make_propagate(D) for D in (H1, H2, H3)}

_deg_mesh = plsc.VectorSubcoreMesh(core_axis_name="c", subcore_axis_name="s")


@functools.partial(
    pl.kernel,
    out_type=jax.ShapeDtypeStruct((NC, NP, DEGW), jnp.float32),
    mesh=_deg_mesh,
    scratch_types=[
        pltpu.VMEM((DEG_NCH, DEG_K), jnp.int32),
        pltpu.VMEM((DEG_K, DEGW), jnp.float32),
        pltpu.VMEM((DEG_K, DEGW), jnp.float32),
        pltpu.VMEM_SHARED((NP, DEGW), jnp.float32),
        pltpu.SemaphoreType.DMA,
    ],
    compiler_params=pltpu.CompilerParams(use_tc_tiling_on_sc=False),
)
def _deg_kernel(dst_hbm, out_hbm, dst_v, ones_v, zero_v, acc_sh, sem):
    c = lax.axis_index("c")
    s = lax.axis_index("s")
    wid = s * NC + c
    pltpu.sync_copy(dst_hbm.at[wid], dst_v)

    one16 = jnp.ones((16,), jnp.float32)
    z16 = jnp.zeros((16,), jnp.float32)

    def initrow(r, carry):
        ones_v[r, pl.ds(0, DEGW)] = one16
        zero_v[r, pl.ds(0, DEGW)] = z16
        return carry

    lax.fori_loop(0, DEG_K, initrow, 0)
    for t in range(RPT // DEG_K):
        pltpu.sync_copy(zero_v, acc_sh.at[pl.ds(s * RPT + t * DEG_K, DEG_K)])
    plsc.subcore_barrier()

    def fire(j, carry):
        pltpu.async_copy(ones_v, acc_sh.at[dst_v.at[j]], sem, add=True)
        return carry

    lax.fori_loop(0, DEG_NCH, fire, 0)

    def drain(j, carry):
        pltpu.make_async_copy(ones_v, acc_sh.at[dst_v.at[0]], sem).wait()
        return carry

    lax.fori_loop(0, DEG_NCH, drain, 0)
    plsc.subcore_barrier()
    pltpu.sync_copy(acc_sh.at[pl.ds(s * RPT, RPT)],
                    out_hbm.at[c, pl.ds(s * RPT, RPT)])



_NB = N // _BR


def _mm1_body(x_ref, w_ref, dp_ref, y_ref, dinv_ref):
    dinv = lax.rsqrt(dp_ref[0, :, 0:1] + dp_ref[1, :, 0:1] + 1.0)
    dinv_ref[...] = dinv
    y_ref[...] = jnp.dot(x_ref[...], w_ref[...],
                         preferred_element_type=jnp.float32) * dinv


def _mm1(x, w, degp):
    din, dout = w.shape
    return pl.pallas_call(
        _mm1_body,
        grid=(_NB,),
        in_specs=[
            pl.BlockSpec((_BR, din), lambda i: (i, 0)),
            pl.BlockSpec((din, dout), lambda i: (0, 0)),
            pl.BlockSpec((NC, _BR, DEGW), lambda i: (0, i, 0)),
        ],
        out_specs=[
            pl.BlockSpec((_BR, dout), lambda i: (i, 0)),
            pl.BlockSpec((_BR, 1), lambda i: (i, 0)),
        ],
        out_shape=[
            jax.ShapeDtypeStruct((N, dout), jnp.float32),
            jax.ShapeDtypeStruct((N, 1), jnp.float32),
        ],
    )(x, w, degp)


def _comb_bn_mm_body(p_ref, y_ref, dinva_ref, g_ref, be_ref, w_ref, b_ref,
                     dinvb_ref, o_ref, h_buf, s_ref):
    i = pl.program_id(0)

    @pl.when(i < _NB)
    def _phase0():
        h = (p_ref[0] + p_ref[1] + y_ref[...]) * dinva_ref[...]
        start = pl.multiple_of(i * _BR, _BR)
        h_buf[pl.ds(start, _BR), :] = h

        @pl.when(i == 0)
        def _init():
            s_ref[...] = jnp.zeros_like(s_ref)

        s0 = jnp.sum(h, axis=0, keepdims=True)
        s1 = jnp.sum(h * h, axis=0, keepdims=True)
        s_ref[...] += jnp.concatenate([s0, s1], axis=0)

    @pl.when(i >= _NB)
    def _phase1():
        mean = s_ref[0:1, :] * (1.0 / N)
        var = s_ref[1:2, :] * (1.0 / N) - mean * mean
        scale = g_ref[...] * lax.rsqrt(var + _BN_EPS)
        shift = be_ref[...] - mean * scale
        start = pl.multiple_of((i - _NB) * _BR, _BR)
        h = jnp.maximum(h_buf[pl.ds(start, _BR), :] * scale + shift, 0.0)
        o_ref[...] = (jnp.dot(h, w_ref[...],
                              preferred_element_type=jnp.float32)
                      + b_ref[...]) * dinvb_ref[...]


def _comb_bn_mm(p, y, dinv, g, be, w, b, dinv2):
    din, dout = w.shape
    blk = lambda i: jnp.minimum(i, _NB - 1)
    out_blk = lambda i: jnp.maximum(i - _NB, 0)
    return pl.pallas_call(
        _comb_bn_mm_body,
        grid=(2 * _NB,),
        in_specs=[
            pl.BlockSpec((NC, _BR, din), lambda i: (0, blk(i), 0)),
            pl.BlockSpec((_BR, din), lambda i: (blk(i), 0)),
            pl.BlockSpec((_BR, 1), lambda i: (blk(i), 0)),
            pl.BlockSpec((1, din), lambda i: (0, 0)),
            pl.BlockSpec((1, din), lambda i: (0, 0)),
            pl.BlockSpec((din, dout), lambda i: (0, 0)),
            pl.BlockSpec((1, dout), lambda i: (0, 0)),
            pl.BlockSpec((_BR, 1), lambda i: (out_blk(i), 0)),
        ],
        out_specs=pl.BlockSpec((_BR, dout), lambda i: (out_blk(i), 0)),
        out_shape=jax.ShapeDtypeStruct((N, dout), jnp.float32),
        scratch_shapes=[
            pltpu.VMEM((N, din), jnp.float32),
            pltpu.VMEM((2, din), jnp.float32),
        ],
    )(p, y, dinv, g, be, w, b, dinv2)



def kernel(x, edge_index, W1, b1, g1, be1, W2, b2, g2, be2, W3, b3, g3, be3,
           Wf, bf):
    def pad_edges(e_row, k, nbuf, is_dst):
        epwp, nchp = _epwp(k, nbuf)
        pad = epwp - EPW
        base = e_row.reshape(NW, EPW).astype(jnp.int32)
        if pad:
            if is_dst:
                padv = jnp.broadcast_to(
                    (N + jnp.arange(pad, dtype=jnp.int32))[None, :], (NW, pad))
            else:
                padv = jnp.zeros((NW, pad), jnp.int32)
            base = jnp.concatenate([base, padv], axis=1)
        return base.reshape(NW, nchp, k)

    src1 = pad_edges(edge_index[0], _KCFG[H1], _NBUFCFG[H1], False)
    dst1 = pad_edges(edge_index[1], _KCFG[H1], _NBUFCFG[H1], True)
    src2 = pad_edges(edge_index[0], _KCFG[H2], _NBUFCFG[H2], False)
    dst2 = pad_edges(edge_index[1], _KCFG[H2], _NBUFCFG[H2], True)
    dst_deg = edge_index[1].reshape(NW, DEG_NCH, DEG_K).astype(jnp.int32)

    degp = _deg_kernel(dst_deg)

    g1r, be1r = g1.reshape(1, H1), be1.reshape(1, H1)
    g2r, be2r = g2.reshape(1, H2), be2.reshape(1, H2)
    g3r, be3r = g3.reshape(1, H3), be3.reshape(1, H3)
    wf_pad = jnp.zeros((H3, 128), jnp.float32).at[:, 0:1].set(Wf)
    bf_pad = jnp.zeros((1, 128), jnp.float32).at[0, 0].set(bf[0])
    zeros2 = jnp.zeros((1, H2), jnp.float32)
    zeros3 = jnp.zeros((1, H3), jnp.float32)
    ones_n = jnp.ones((N, 1), jnp.float32)

    y1, dinv = _mm1(x, W1, degp)
    p1 = _propagate[H1](src1, dst1, y1)
    y2 = _comb_bn_mm(p1, y1, dinv, g1r, be1r, W2, zeros2, dinv)
    p2 = _propagate[H2](src2, dst2, y2)
    y3 = _comb_bn_mm(p2, y2, dinv, g2r, be2r, W3, zeros3, dinv)
    p3 = _propagate[H3](src2, dst2, y3)
    out = _comb_bn_mm(p3, y3, dinv, g3r, be3r, wf_pad, bf_pad, ones_n)
    return out[:, 0:1]

# --- scband reference (transcript-rebuilt; emitter-appended) ---
"""Pipeline reference for scband-improved-gcn-19026705121711 (READ-ONLY COPY).

The authoritative reference and input builder live on the scoring server;
editing this copy changes nothing except your own understanding.
"""

import jax, jax.numpy as jnp
import numpy as np

N = 10000
E = 320000
D_IN = 128
H1, H2, H3 = 128, 64, 32


def gcn_conv(x, src, dst, W, b, num_nodes):
    # PyG GCNConv (with self-loops already appended to src/dst):
    # out = D^{-1/2} (A+I) D^{-1/2} X W + b
    xw = x @ W
    deg = jnp.zeros((num_nodes,), dtype=x.dtype).at[dst].add(1.0)
    dinv = jnp.where(deg > 0, jax.lax.rsqrt(deg), 0.0)
    norm = dinv[src] * dinv[dst]
    msgs = jnp.take(xw, src, axis=0) * norm[:, None]
    out = jnp.zeros((num_nodes, W.shape[1]), dtype=x.dtype).at[dst].add(msgs)
    return out + b


def batchnorm(h, gamma, beta, eps=1e-5):
    # training-mode BatchNorm1d (batch statistics, biased variance)
    mean = jnp.mean(h, axis=0)
    var = jnp.mean((h - mean) ** 2, axis=0)
    return (h - mean) * jax.lax.rsqrt(var + eps) * gamma + beta


def setup_inputs(seed: int = 0) -> dict:
    key = jax.random.key(seed)
    ks = jax.random.split(key, 16)
    x = jax.random.normal(ks[0], (N, D_IN), dtype=jnp.float32)
    edge_index = jax.random.randint(ks[1], (2, E), 0, N)
    W1 = jax.random.normal(ks[2], (D_IN, H1), dtype=jnp.float32) * (1.0 / np.sqrt(D_IN))
    b1 = jnp.zeros((H1,), dtype=jnp.float32)
    g1 = jnp.ones((H1,), dtype=jnp.float32)
    be1 = jnp.zeros((H1,), dtype=jnp.float32)
    W2 = jax.random.normal(ks[3], (H1, H2), dtype=jnp.float32) * (1.0 / np.sqrt(H1))
    b2 = jnp.zeros((H2,), dtype=jnp.float32)
    g2 = jnp.ones((H2,), dtype=jnp.float32)
    be2 = jnp.zeros((H2,), dtype=jnp.float32)
    W3 = jax.random.normal(ks[4], (H2, H3), dtype=jnp.float32) * (1.0 / np.sqrt(H2))
    b3 = jnp.zeros((H3,), dtype=jnp.float32)
    g3 = jnp.ones((H3,), dtype=jnp.float32)
    be3 = jnp.zeros((H3,), dtype=jnp.float32)
    Wf = jax.random.normal(ks[5], (H3, 1), dtype=jnp.float32) * (1.0 / np.sqrt(H3))
    bf = jnp.zeros((1,), dtype=jnp.float32)
    return {"x": x, "edge_index": edge_index, "W1": W1, "b1": b1, "g1": g1, "be1": be1,
            "W2": W2, "b2": b2, "g2": g2, "be2": be2, "W3": W3, "b3": b3, "g3": g3,
            "be3": be3, "Wf": Wf, "bf": bf}


def reference(x, edge_index, W1, b1, g1, be1, W2, b2, g2, be2, W3, b3, g3, be3, Wf, bf):
    src = edge_index[0]
    dst = edge_index[1]
    loop = jnp.arange(N, dtype=src.dtype)
    src = jnp.concatenate([src, loop])
    dst = jnp.concatenate([dst, loop])
    h = jax.nn.relu(batchnorm(gcn_conv(x, src, dst, W1, b1, N), g1, be1))
    # dropout is identity in eval / omitted for deterministic reference
    h = jax.nn.relu(batchnorm(gcn_conv(h, src, dst, W2, b2, N), g2, be2))
    h = jax.nn.relu(batchnorm(gcn_conv(h, src, dst, W3, b3, N), g3, be3))
    out = h @ Wf + bf
    return out

if __name__ == "__main__":
    import jax
    _d = setup_inputs()
    print(jax.jit(kernel)(*tuple(_d.values())))

</pallas_src>

<mosaic_0001>
#map = affine_map<(d0, d1) -> (0, 0, 0)>
#map1 = affine_map<(d0, d1) -> (0, 0)>
module attributes {stable_mosaic.version = 14 : i64} {
  func.func @prop(%arg0: i32, %arg1: i32, %arg2: memref<32x125x80xi32, #tpu.memory_space<hbm>>, %arg3: memref<32x125x80xi32, #tpu.memory_space<hbm>>, %arg4: memref<10000x128xf32, #tpu.memory_space<hbm>>, %arg5: memref<2x10240x128xf32, #tpu.memory_space<hbm>>, %arg6: memref<125x80xi32, #tpu.memory_space<vmem>>, %arg7: memref<125x80xi32, #tpu.memory_space<vmem>>, %arg8: memref<80x128xf32, #tpu.memory_space<vmem>>, %arg9: memref<80x128xf32, #tpu.memory_space<vmem>>, %arg10: memref<10240x128xf32, #tpu.memory_space<vmem_shared>>, %arg11: memref<!tpu.dma_semaphore, #tpu.memory_space<semaphore_mem>>, %arg12: memref<!tpu.dma_semaphore, #tpu.memory_space<semaphore_mem>>) attributes {dimension_semantics = [#tpu.dimension_semantics<core_parallel>, #tpu.dimension_semantics<subcore_parallel>], iteration_bounds = array<i64: 2, 16>, scalar_prefetch = 0 : i64, scratch_operands = 7 : i64, tpu.core_type = #tpu.core_type<sc_vector_subcore>, window_params = [{transform_indices = #map}, {transform_indices = #map}, {transform_indices = #map1}, {transform_indices = #map}]} {
    %mul3A = arith.constant 2 : i32
    %mul3A_0 = arith.muli %arg1, %mul3A : i32
    %add3A = arith.addi %mul3A_0, %arg0 : i32
    "tpu.region"() ({
      %run_scoped3A_62 = tpu.sem_alloc : memref<!tpu.dma_semaphore, #tpu.memory_space<semaphore_mem>>
      %dma_start3A_63 = arith.constant 0 : i32
      %dma_start3A_64 = arith.constant 0 : i32
      %dma_start3A_65 = tpu.memref_slice %arg2[%add3A, %dma_start3A_63, %dma_start3A_64] : memref<32x125x80xi32, #tpu.memory_space<hbm>> -> memref<1x125x80xi32, #tpu.memory_space<hbm>>
      %dma_start3A_66 = tpu.memref_squeeze %dma_start3A_65 : memref<1x125x80xi32, #tpu.memory_space<hbm>> -> memref<125x80xi32, #tpu.memory_space<hbm>>
      %dma_start3A_67 = arith.constant 0 : i32
      %dma_start3A_68 = arith.constant 0 : i32
      %dma_start3A_69 = tpu.memref_slice %arg2[%add3A, %dma_start3A_67, %dma_start3A_68] : memref<32x125x80xi32, #tpu.memory_space<hbm>> -> memref<1x125x80xi32, #tpu.memory_space<hbm>>
      %dma_start3A_70 = tpu.memref_squeeze %dma_start3A_69 : memref<1x125x80xi32, #tpu.memory_space<hbm>> -> memref<125x80xi32, #tpu.memory_space<hbm>>
      tpu.enqueue_dma source(%dma_start3A_70 : memref<125x80xi32, #tpu.memory_space<hbm>>) target(%arg6 : memref<125x80xi32, #tpu.memory_space<vmem>>) target_semaphore(%run_scoped3A_62 : memref<!tpu.dma_semaphore, #tpu.memory_space<semaphore_mem>>)
      %dma_wait3A_71 = arith.constant 0 : i32
      %dma_wait3A_72 = arith.constant 0 : i32
      %dma_wait3A_73 = tpu.memref_slice %arg2[%add3A, %dma_wait3A_71, %dma_wait3A_72] : memref<32x125x80xi32, #tpu.memory_space<hbm>> -> memref<1x125x80xi32, #tpu.memory_space<hbm>>
      %dma_wait3A_74 = tpu.memref_squeeze %dma_wait3A_73 : memref<1x125x80xi32, #tpu.memory_space<hbm>> -> memref<125x80xi32, #tpu.memory_space<hbm>>
      %dma_wait3A_75 = arith.constant 0 : i32
      %dma_wait3A_76 = arith.constant 0 : i32
      %dma_wait3A_77 = tpu.memref_slice %arg2[%add3A, %dma_wait3A_75, %dma_wait3A_76] : memref<32x125x80xi32, #tpu.memory_space<hbm>> -> memref<1x125x80xi32, #tpu.memory_space<hbm>>
      %dma_wait3A_78 = tpu.memref_squeeze %dma_wait3A_77 : memref<1x125x80xi32, #tpu.memory_space<hbm>> -> memref<125x80xi32, #tpu.memory_space<hbm>>
      tpu.wait_dma2 semaphore(%run_scoped3A_62 : memref<!tpu.dma_semaphore, #tpu.memory_space<semaphore_mem>>) src(%dma_wait3A_78 : memref<125x80xi32, #tpu.memory_space<hbm>>) dst(%arg6 : memref<125x80xi32, #tpu.memory_space<vmem>>)
      tpu.yield
    }) : () -> ()
    "tpu.region"() ({
      %run_scoped3A_62 = tpu.sem_alloc : memref<!tpu.dma_semaphore, #tpu.memory_space<semaphore_mem>>
      %dma_start3A_63 = arith.constant 0 : i32
      %dma_start3A_64 = arith.constant 0 : i32
      %dma_start3A_65 = tpu.memref_slice %arg3[%add3A, %dma_start3A_63, %dma_start3A_64] : memref<32x125x80xi32, #tpu.memory_space<hbm>> -> memref<1x125x80xi32, #tpu.memory_space<hbm>>
      %dma_start3A_66 = tpu.memref_squeeze %dma_start3A_65 : memref<1x125x80xi32, #tpu.memory_space<hbm>> -> memref<125x80xi32, #tpu.memory_space<hbm>>
      %dma_start3A_67 = arith.constant 0 : i32
      %dma_start3A_68 = arith.constant 0 : i32
      %dma_start3A_69 = tpu.memref_slice %arg3[%add3A, %dma_start3A_67, %dma_start3A_68] : memref<32x125x80xi32, #tpu.memory_space<hbm>> -> memref<1x125x80xi32, #tpu.memory_space<hbm>>
      %dma_start3A_70 = tpu.memref_squeeze %dma_start3A_69 : memref<1x125x80xi32, #tpu.memory_space<hbm>> -> memref<125x80xi32, #tpu.memory_space<hbm>>
      tpu.enqueue_dma source(%dma_start3A_70 : memref<125x80xi32, #tpu.memory_space<hbm>>) target(%arg7 : memref<125x80xi32, #tpu.memory_space<vmem>>) target_semaphore(%run_scoped3A_62 : memref<!tpu.dma_semaphore, #tpu.memory_space<semaphore_mem>>)
      %dma_wait3A_71 = arith.constant 0 : i32
      %dma_wait3A_72 = arith.constant 0 : i32
      %dma_wait3A_73 = tpu.memref_slice %arg3[%add3A, %dma_wait3A_71, %dma_wait3A_72] : memref<32x125x80xi32, #tpu.memory_space<hbm>> -> memref<1x125x80xi32, #tpu.memory_space<hbm>>
      %dma_wait3A_74 = tpu.memref_squeeze %dma_wait3A_73 : memref<1x125x80xi32, #tpu.memory_space<hbm>> -> memref<125x80xi32, #tpu.memory_space<hbm>>
      %dma_wait3A_75 = arith.constant 0 : i32
      %dma_wait3A_76 = arith.constant 0 : i32
      %dma_wait3A_77 = tpu.memref_slice %arg3[%add3A, %dma_wait3A_75, %dma_wait3A_76] : memref<32x125x80xi32, #tpu.memory_space<hbm>> -> memref<1x125x80xi32, #tpu.memory_space<hbm>>
      %dma_wait3A_78 = tpu.memref_squeeze %dma_wait3A_77 : memref<1x125x80xi32, #tpu.memory_space<hbm>> -> memref<125x80xi32, #tpu.memory_space<hbm>>
      tpu.wait_dma2 semaphore(%run_scoped3A_62 : memref<!tpu.dma_semaphore, #tpu.memory_space<semaphore_mem>>) src(%dma_wait3A_78 : memref<125x80xi32, #tpu.memory_space<hbm>>) dst(%arg7 : memref<125x80xi32, #tpu.memory_space<vmem>>)
      tpu.yield
    }) : () -> ()
    %broadcast_in_dim3A = arith.constant 0.000000e+00 : f32
    %broadcast_in_dim3A_1 = vector.broadcast %broadcast_in_dim3A : f32 to vector<16xf32>
    %scan3A = arith.constant 0 : i32
    %scan3A_2 = arith.constant 0 : i32
    %scan3A_3 = arith.constant 80 : i32
    %scan3A_4 = arith.addi %scan3A_2, %scan3A_3 : i32
    %scan3A_5 = arith.constant 1 : i32
    scf.for %scan3A_62 = %scan3A_2 to %scan3A_4 step %scan3A_5  : i32 {
      %swap3A = arith.index_cast %scan3A_62 : i32 to index
      %swap3A_63 = arith.constant 0 : index
      %swap3A_64 = tpu.vector_load %arg8[%swap3A, %swap3A_63] {strides = array<i32>} : memref<80x128xf32, #tpu.memory_space<vmem>>, vector<1x16xf32>,
      %swap3A_65 = vector.shape_cast %swap3A_64 : vector<1x16xf32> to vector<16xf32>
      %swap3A_66 = vector.shape_cast %broadcast_in_dim3A_1 : vector<16xf32> to vector<1x16xf32>
      tpu.vector_store %arg8[%swap3A, %swap3A_63], %swap3A_66 {strides = array<i32>} : memref<80x128xf32, #tpu.memory_space<vmem>>, vector<1x16xf32>,
      %swap3A_67 = arith.index_cast %scan3A_62 : i32 to index
      %swap3A_68 = arith.constant 16 : index
      %swap3A_69 = tpu.vector_load %arg8[%swap3A_67, %swap3A_68] {strides = array<i32>} : memref<80x128xf32, #tpu.memory_space<vmem>>, vector<1x16xf32>,
      %swap3A_70 = vector.shape_cast %swap3A_69 : vector<1x16xf32> to vector<16xf32>
      %swap3A_71 = vector.shape_cast %broadcast_in_dim3A_1 : vector<16xf32> to vector<1x16xf32>
      tpu.vector_store %arg8[%swap3A_67, %swap3A_68], %swap3A_71 {strides = array<i32>} : memref<80x128xf32, #tpu.memory_space<vmem>>, vector<1x16xf32>,
      %swap3A_72 = arith.index_cast %scan3A_62 : i32 to index
      %swap3A_73 = arith.constant 32 : index
      %swap3A_74 = tpu.vector_load %arg8[%swap3A_72, %swap3A_73] {strides = array<i32>} : memref<80x128xf32, #tpu.memory_space<vmem>>, vector<1x16xf32>,
      %swap3A_75 = vector.shape_cast %swap3A_74 : vector<1x16xf32> to vector<16xf32>
      %swap3A_76 = vector.shape_cast %broadcast_in_dim3A_1 : vector<16xf32> to vector<1x16xf32>
      tpu.vector_store %arg8[%swap3A_72, %swap3A_73], %swap3A_76 {strides = array<i32>} : memref<80x128xf32, #tpu.memory_space<vmem>>, vector<1x16xf32>,
      %swap3A_77 = arith.index_cast %scan3A_62 : i32 to index
      %swap3A_78 = arith.constant 48 : index
      %swap3A_79 = tpu.vector_load %arg8[%swap3A_77, %swap3A_78] {strides = array<i32>} : memref<80x128xf32, #tpu.memory_space<vmem>>, vector<1x16xf32>,
      %swap3A_80 = vector.shape_cast %swap3A_79 : vector<1x16xf32> to vector<16xf32>
      %swap3A_81 = vector.shape_cast %broadcast_in_dim3A_1 : vector<16xf32> to vector<1x16xf32>
      tpu.vector_store %arg8[%swap3A_77, %swap3A_78], %swap3A_81 {strides = array<i32>} : memref<80x128xf32, #tpu.memory_space<vmem>>, vector<1x16xf32>,
      %swap3A_82 = arith.index_cast %scan3A_62 : i32 to index
      %swap3A_83 = arith.constant 64 : index
      %swap3A_84 = tpu.vector_load %arg8[%swap3A_82, %swap3A_83] {strides = array<i32>} : memref<80x128xf32, #tpu.memory_space<vmem>>, vector<1x16xf32>,
      %swap3A_85 = vector.shape_cast %swap3A_84 : vector<1x16xf32> to vector<16xf32>
      %swap3A_86 = vector.shape_cast %broadcast_in_dim3A_1 : vector<16xf32> to vector<1x16xf32>
      tpu.vector_store %arg8[%swap3A_82, %swap3A_83], %swap3A_86 {strides = array<i32>} : memref<80x128xf32, #tpu.memory_space<vmem>>, vector<1x16xf32>,
      %swap3A_87 = arith.index_cast %scan3A_62 : i32 to index
      %swap3A_88 = arith.constant 80 : index
      %swap3A_89 = tpu.vector_load %arg8[%swap3A_87, %swap3A_88] {strides = array<i32>} : memref<80x128xf32, #tpu.memory_space<vmem>>, vector<1x16xf32>,
      %swap3A_90 = vector.shape_cast %swap3A_89 : vector<1x16xf32> to vector<16xf32>
      %swap3A_91 = vector.shape_cast %broadcast_in_dim3A_1 : vector<16xf32> to vector<1x16xf32>
      tpu.vector_store %arg8[%swap3A_87, %swap3A_88], %swap3A_91 {strides = array<i32>} : memref<80x128xf32, #tpu.memory_space<vmem>>, vector<1x16xf32>,
      %swap3A_92 = arith.index_cast %scan3A_62 : i32 to index
      %swap3A_93 = arith.constant 96 : index
      %swap3A_94 = tpu.vector_load %arg8[%swap3A_92, %swap3A_93] {strides = array<i32>} : memref<80x128xf32, #tpu.memory_space<vmem>>, vector<1x16xf32>,
      %swap3A_95 = vector.shape_cast %swap3A_94 : vector<1x16xf32> to vector<16xf32>
      %swap3A_96 = vector.shape_cast %broadcast_in_dim3A_1 : vector<16xf32> to vector<1x16xf32>
      tpu.vector_store %arg8[%swap3A_92, %swap3A_93], %swap3A_96 {strides = array<i32>} : memref<80x128xf32, #tpu.memory_space<vmem>>, vector<1x16xf32>,
      %swap3A_97 = arith.index_cast %scan3A_62 : i32 to index
      %swap3A_98 = arith.constant 112 : index
      %swap3A_99 = tpu.vector_load %arg8[%swap3A_97, %swap3A_98] {strides = array<i32>} : memref<80x128xf32, #tpu.memory_space<vmem>>, vector<1x16xf32>,
      %swap3A_100 = vector.shape_cast %swap3A_99 : vector<1x16xf32> to vector<16xf32>
      %swap3A_101 = vector.shape_cast %broadcast_in_dim3A_1 : vector<16xf32> to vector<1x16xf32>
      tpu.vector_store %arg8[%swap3A_97, %swap3A_98], %swap3A_101 {strides = array<i32>} : memref<80x128xf32, #tpu.memory_space<vmem>>, vector<1x16xf32>,
    }
    %scan3A_6 = arith.constant 80 : i32
    %mul3A_7 = arith.constant 640 : i32
    %mul3A_8 = arith.muli %arg1, %mul3A_7 : i32
    %add3A_9 = arith.constant 0 : i32
    %add3A_10 = arith.addi %mul3A_8, %add3A_9 : i32
    "tpu.region"() ({
      %run_scoped3A_62 = tpu.sem_alloc : memref<!tpu.dma_semaphore, #tpu.memory_space<semaphore_mem>>
      %dma_start3A_63 = arith.constant 0 : i32
      %dma_start3A_64 = tpu.memref_slice %arg10[%add3A_10, %dma_start3A_63] : memref<10240x128xf32, #tpu.memory_space<vmem_shared>> -> memref<80x128xf32, #tpu.memory_space<vmem_shared>>
      %dma_start3A_65 = arith.constant 0 : i32
      %dma_start3A_66 = tpu.memref_slice %arg10[%add3A_10, %dma_start3A_65] : memref<10240x128xf32, #tpu.memory_space<vmem_shared>> -> memref<80x128xf32, #tpu.memory_space<vmem_shared>>
      tpu.enqueue_dma source(%arg8 : memref<80x128xf32, #tpu.memory_space<vmem>>) target(%dma_start3A_66 : memref<80x128xf32, #tpu.memory_space<vmem_shared>>) target_semaphore(%run_scoped3A_62 : memref<!tpu.dma_semaphore, #tpu.memory_space<semaphore_mem>>)
      %dma_wait3A_67 = arith.constant 0 : i32
      %dma_wait3A_68 = tpu.memref_slice %arg10[%add3A_10, %dma_wait3A_67] : memref<10240x128xf32, #tpu.memory_space<vmem_shared>> -> memref<80x128xf32, #tpu.memory_space<vmem_shared>>
      %dma_wait3A_69 = arith.constant 0 : i32
      %dma_wait3A_70 = tpu.memref_slice %arg10[%add3A_10, %dma_wait3A_69] : memref<10240x128xf32, #tpu.memory_space<vmem_shared>> -> memref<80x128xf32, #tpu.memory_space<vmem_shared>>
      tpu.wait_dma2 semaphore(%run_scoped3A_62 : memref<!tpu.dma_semaphore, #tpu.memory_space<semaphore_mem>>) src(%arg8 : memref<80x128xf32, #tpu.memory_space<vmem>>) dst(%dma_wait3A_70 : memref<80x128xf32, #tpu.memory_space<vmem_shared>>)
      tpu.yield
    }) : () -> ()
    %mul3A_11 = arith.constant 640 : i32
    %mul3A_12 = arith.muli %arg1, %mul3A_11 : i32
    %add3A_13 = arith.constant 80 : i32
    %add3A_14 = arith.addi %mul3A_12, %add3A_13 : i32
    "tpu.region"() ({
      %run_scoped3A_62 = tpu.sem_alloc : memref<!tpu.dma_semaphore, #tpu.memory_space<semaphore_mem>>
      %dma_start3A_63 = arith.constant 0 : i32
      %dma_start3A_64 = tpu.memref_slice %arg10[%add3A_14, %dma_start3A_63] : memref<10240x128xf32, #tpu.memory_space<vmem_shared>> -> memref<80x128xf32, #tpu.memory_space<vmem_shared>>
      %dma_start3A_65 = arith.constant 0 : i32
      %dma_start3A_66 = tpu.memref_slice %arg10[%add3A_14, %dma_start3A_65] : memref<10240x128xf32, #tpu.memory_space<vmem_shared>> -> memref<80x128xf32, #tpu.memory_space<vmem_shared>>
      tpu.enqueue_dma source(%arg8 : memref<80x128xf32, #tpu.memory_space<vmem>>) target(%dma_start3A_66 : memref<80x128xf32, #tpu.memory_space<vmem_shared>>) target_semaphore(%run_scoped3A_62 : memref<!tpu.dma_semaphore, #tpu.memory_space<semaphore_mem>>)
      %dma_wait3A_67 = arith.constant 0 : i32
      %dma_wait3A_68 = tpu.memref_slice %arg10[%add3A_14, %dma_wait3A_67] : memref<10240x128xf32, #tpu.memory_space<vmem_shared>> -> memref<80x128xf32, #tpu.memory_space<vmem_shared>>
      %dma_wait3A_69 = arith.constant 0 : i32
      %dma_wait3A_70 = tpu.memref_slice %arg10[%add3A_14, %dma_wait3A_69] : memref<10240x128xf32, #tpu.memory_space<vmem_shared>> -> memref<80x128xf32, #tpu.memory_space<vmem_shared>>
      tpu.wait_dma2 semaphore(%run_scoped3A_62 : memref<!tpu.dma_semaphore, #tpu.memory_space<semaphore_mem>>) src(%arg8 : memref<80x128xf32, #tpu.memory_space<vmem>>) dst(%dma_wait3A_70 : memref<80x128xf32, #tpu.memory_space<vmem_shared>>)
      tpu.yield
    }) : () -> ()
    %mul3A_15 = arith.constant 640 : i32
    %mul3A_16 = arith.muli %arg1, %mul3A_15 : i32
    %add3A_17 = arith.constant 160 : i32
    %add3A_18 = arith.addi %mul3A_16, %add3A_17 : i32
    "tpu.region"() ({
      %run_scoped3A_62 = tpu.sem_alloc : memref<!tpu.dma_semaphore, #tpu.memory_space<semaphore_mem>>
      %dma_start3A_63 = arith.constant 0 : i32
      %dma_start3A_64 = tpu.memref_slice %arg10[%add3A_18, %dma_start3A_63] : memref<10240x128xf32, #tpu.memory_space<vmem_shared>> -> memref<80x128xf32, #tpu.memory_space<vmem_shared>>
      %dma_start3A_65 = arith.constant 0 : i32
      %dma_start3A_66 = tpu.memref_slice %arg10[%add3A_18, %dma_start3A_65] : memref<10240x128xf32, #tpu.memory_space<vmem_shared>> -> memref<80x128xf32, #tpu.memory_space<vmem_shared>>
      tpu.enqueue_dma source(%arg8 : memref<80x128xf32, #tpu.memory_space<vmem>>) target(%dma_start3A_66 : memref<80x128xf32, #tpu.memory_space<vmem_shared>>) target_semaphore(%run_scoped3A_62 : memref<!tpu.dma_semaphore, #tpu.memory_space<semaphore_mem>>)
      %dma_wait3A_67 = arith.constant 0 : i32
      %dma_wait3A_68 = tpu.memref_slice %arg10[%add3A_18, %dma_wait3A_67] : memref<10240x128xf32, #tpu.memory_space<vmem_shared>> -> memref<80x128xf32, #tpu.memory_space<vmem_shared>>
      %dma_wait3A_69 = arith.constant 0 : i32
      %dma_wait3A_70 = tpu.memref_slice %arg10[%add3A_18, %dma_wait3A_69] : memref<10240x128xf32, #tpu.memory_space<vmem_shared>> -> memref<80x128xf32, #tpu.memory_space<vmem_shared>>
      tpu.wait_dma2 semaphore(%run_scoped3A_62 : memref<!tpu.dma_semaphore, #tpu.memory_space<semaphore_mem>>) src(%arg8 : memref<80x128xf32, #tpu.memory_space<vmem>>) dst(%dma_wait3A_70 : memref<80x128xf32, #tpu.memory_space<vmem_shared>>)
      tpu.yield
    }) : () -> ()
    %mul3A_19 = arith.constant 640 : i32
    %mul3A_20 = arith.muli %arg1, %mul3A_19 : i32
    %add3A_21 = arith.constant 240 : i32
    %add3A_22 = arith.addi %mul3A_20, %add3A_21 : i32
    "tpu.region"() ({
      %run_scoped3A_62 = tpu.sem_alloc : memref<!tpu.dma_semaphore, #tpu.memory_space<semaphore_mem>>
      %dma_start3A_63 = arith.constant 0 : i32
      %dma_start3A_64 = tpu.memref_slice %arg10[%add3A_22, %dma_start3A_63] : memref<10240x128xf32, #tpu.memory_space<vmem_shared>> -> memref<80x128xf32, #tpu.memory_space<vmem_shared>>
      %dma_start3A_65 = arith.constant 0 : i32
      %dma_start3A_66 = tpu.memref_slice %arg10[%add3A_22, %dma_start3A_65] : memref<10240x128xf32, #tpu.memory_space<vmem_shared>> -> memref<80x128xf32, #tpu.memory_space<vmem_shared>>
      tpu.enqueue_dma source(%arg8 : memref<80x128xf32, #tpu.memory_space<vmem>>) target(%dma_start3A_66 : memref<80x128xf32, #tpu.memory_space<vmem_shared>>) target_semaphore(%run_scoped3A_62 : memref<!tpu.dma_semaphore, #tpu.memory_space<semaphore_mem>>)
      %dma_wait3A_67 = arith.constant 0 : i32
      %dma_wait3A_68 = tpu.memref_slice %arg10[%add3A_22, %dma_wait3A_67] : memref<10240x128xf32, #tpu.memory_space<vmem_shared>> -> memref<80x128xf32, #tpu.memory_space<vmem_shared>>
      %dma_wait3A_69 = arith.constant 0 : i32
      %dma_wait3A_70 = tpu.memref_slice %arg10[%add3A_22, %dma_wait3A_69] : memref<10240x128xf32, #tpu.memory_space<vmem_shared>> -> memref<80x128xf32, #tpu.memory_space<vmem_shared>>
      tpu.wait_dma2 semaphore(%run_scoped3A_62 : memref<!tpu.dma_semaphore, #tpu.memory_space<semaphore_mem>>) src(%arg8 : memref<80x128xf32, #tpu.memory_space<vmem>>) dst(%dma_wait3A_70 : memref<80x128xf32, #tpu.memory_space<vmem_shared>>)
      tpu.yield
    }) : () -> ()
    %mul3A_23 = arith.constant 640 : i32
    %mul3A_24 = arith.muli %arg1, %mul3A_23 : i32
    %add3A_25 = arith.constant 320 : i32
    %add3A_26 = arith.addi %mul3A_24, %add3A_25 : i32
    "tpu.region"() ({
      %run_scoped3A_62 = tpu.sem_alloc : memref<!tpu.dma_semaphore, #tpu.memory_space<semaphore_mem>>
      %dma_start3A_63 = arith.constant 0 : i32
      %dma_start3A_64 = tpu.memref_slice %arg10[%add3A_26, %dma_start3A_63] : memref<10240x128xf32, #tpu.memory_space<vmem_shared>> -> memref<80x128xf32, #tpu.memory_space<vmem_shared>>
      %dma_start3A_65 = arith.constant 0 : i32
      %dma_start3A_66 = tpu.memref_slice %arg10[%add3A_26, %dma_start3A_65] : memref<10240x128xf32, #tpu.memory_space<vmem_shared>> -> memref<80x128xf32, #tpu.memory_space<vmem_shared>>
      tpu.enqueue_dma source(%arg8 : memref<80x128xf32, #tpu.memory_space<vmem>>) target(%dma_start3A_66 : memref<80x128xf32, #tpu.memory_space<vmem_shared>>) target_semaphore(%run_scoped3A_62 : memref<!tpu.dma_semaphore, #tpu.memory_space<semaphore_mem>>)
      %dma_wait3A_67 = arith.constant 0 : i32
      %dma_wait3A_68 = tpu.memref_slice %arg10[%add3A_26, %dma_wait3A_67] : memref<10240x128xf32, #tpu.memory_space<vmem_shared>> -> memref<80x128xf32, #tpu.memory_space<vmem_shared>>
      %dma_wait3A_69 = arith.constant 0 : i32
      %dma_wait3A_70 = tpu.memref_slice %arg10[%add3A_26, %dma_wait3A_69] : memref<10240x128xf32, #tpu.memory_space<vmem_shared>> -> memref<80x128xf32, #tpu.memory_space<vmem_shared>>
      tpu.wait_dma2 semaphore(%run_scoped3A_62 : memref<!tpu.dma_semaphore, #tpu.memory_space<semaphore_mem>>) src(%arg8 : memref<80x128xf32, #tpu.memory_space<vmem>>) dst(%dma_wait3A_70 : memref<80x128xf32, #tpu.memory_space<vmem_shared>>)
      tpu.yield
    }) : () -> ()
    %mul3A_27 = arith.constant 640 : i32
    %mul3A_28 = arith.muli %arg1, %mul3A_27 : i32
    %add3A_29 = arith.constant 400 : i32
    %add3A_30 = arith.addi %mul3A_28, %add3A_29 : i32
    "tpu.region"() ({
      %run_scoped3A_62 = tpu.sem_alloc : memref<!tpu.dma_semaphore, #tpu.memory_space<semaphore_mem>>
      %dma_start3A_63 = arith.constant 0 : i32
      %dma_start3A_64 = tpu.memref_slice %arg10[%add3A_30, %dma_start3A_63] : memref<10240x128xf32, #tpu.memory_space<vmem_shared>> -> memref<80x128xf32, #tpu.memory_space<vmem_shared>>
      %dma_start3A_65 = arith.constant 0 : i32
      %dma_start3A_66 = tpu.memref_slice %arg10[%add3A_30, %dma_start3A_65] : memref<10240x128xf32, #tpu.memory_space<vmem_shared>> -> memref<80x128xf32, #tpu.memory_space<vmem_shared>>
      tpu.enqueue_dma source(%arg8 : memref<80x128xf32, #tpu.memory_space<vmem>>) target(%dma_start3A_66 : memref<80x128xf32, #tpu.memory_space<vmem_shared>>) target_semaphore(%run_scoped3A_62 : memref<!tpu.dma_semaphore, #tpu.memory_space<semaphore_mem>>)
      %dma_wait3A_67 = arith.constant 0 : i32
      %dma_wait3A_68 = tpu.memref_slice %arg10[%add3A_30, %dma_wait3A_67] : memref<10240x128xf32, #tpu.memory_space<vmem_shared>> -> memref<80x128xf32, #tpu.memory_space<vmem_shared>>
      %dma_wait3A_69 = arith.constant 0 : i32
      %dma_wait3A_70 = tpu.memref_slice %arg10[%add3A_30, %dma_wait3A_69] : memref<10240x128xf32, #tpu.memory_space<vmem_shared>> -> memref<80x128xf32, #tpu.memory_space<vmem_shared>>
      tpu.wait_dma2 semaphore(%run_scoped3A_62 : memref<!tpu.dma_semaphore, #tpu.memory_space<semaphore_mem>>) src(%arg8 : memref<80x128xf32, #tpu.memory_space<vmem>>) dst(%dma_wait3A_70 : memref<80x128xf32, #tpu.memory_space<vmem_shared>>)
      tpu.yield
    }) : () -> ()
    %mul3A_31 = arith.constant 640 : i32
    %mul3A_32 = arith.muli %arg1, %mul3A_31 : i32
    %add3A_33 = arith.constant 480 : i32
    %add3A_34 = arith.addi %mul3A_32, %add3A_33 : i32
    "tpu.region"() ({
      %run_scoped3A_62 = tpu.sem_alloc : memref<!tpu.dma_semaphore, #tpu.memory_space<semaphore_mem>>
      %dma_start3A_63 = arith.constant 0 : i32
      %dma_start3A_64 = tpu.memref_slice %arg10[%add3A_34, %dma_start3A_63] : memref<10240x128xf32, #tpu.memory_space<vmem_shared>> -> memref<80x128xf32, #tpu.memory_space<vmem_shared>>
      %dma_start3A_65 = arith.constant 0 : i32
      %dma_start3A_66 = tpu.memref_slice %arg10[%add3A_34, %dma_start3A_65] : memref<10240x128xf32, #tpu.memory_space<vmem_shared>> -> memref<80x128xf32, #tpu.memory_space<vmem_shared>>
      tpu.enqueue_dma source(%arg8 : memref<80x128xf32, #tpu.memory_space<vmem>>) target(%dma_start3A_66 : memref<80x128xf32, #tpu.memory_space<vmem_shared>>) target_semaphore(%run_scoped3A_62 : memref<!tpu.dma_semaphore, #tpu.memory_space<semaphore_mem>>)
      %dma_wait3A_67 = arith.constant 0 : i32
      %dma_wait3A_68 = tpu.memref_slice %arg10[%add3A_34, %dma_wait3A_67] : memref<10240x128xf32, #tpu.memory_space<vmem_shared>> -> memref<80x128xf32, #tpu.memory_space<vmem_shared>>
      %dma_wait3A_69 = arith.constant 0 : i32
      %dma_wait3A_70 = tpu.memref_slice %arg10[%add3A_34, %dma_wait3A_69] : memref<10240x128xf32, #tpu.memory_space<vmem_shared>> -> memref<80x128xf32, #tpu.memory_space<vmem_shared>>
      tpu.wait_dma2 semaphore(%run_scoped3A_62 : memref<!tpu.dma_semaphore, #tpu.memory_space<semaphore_mem>>) src(%arg8 : memref<80x128xf32, #tpu.memory_space<vmem>>) dst(%dma_wait3A_70 : memref<80x128xf32, #tpu.memory_space<vmem_shared>>)
      tpu.yield
    }) : () -> ()
    %mul3A_35 = arith.constant 640 : i32
    %mul3A_36 = arith.muli %arg1, %mul3A_35 : i32
    %add3A_37 = arith.constant 560 : i32
    %add3A_38 = arith.addi %mul3A_36, %add3A_37 : i32
    "tpu.region"() ({
      %run_scoped3A_62 = tpu.sem_alloc : memref<!tpu.dma_semaphore, #tpu.memory_space<semaphore_mem>>
      %dma_start3A_63 = arith.constant 0 : i32
      %dma_start3A_64 = tpu.memref_slice %arg10[%add3A_38, %dma_start3A_63] : memref<10240x128xf32, #tpu.memory_space<vmem_shared>> -> memref<80x128xf32, #tpu.memory_space<vmem_shared>>
      %dma_start3A_65 = arith.constant 0 : i32
      %dma_start3A_66 = tpu.memref_slice %arg10[%add3A_38, %dma_start3A_65] : memref<10240x128xf32, #tpu.memory_space<vmem_shared>> -> memref<80x128xf32, #tpu.memory_space<vmem_shared>>
      tpu.enqueue_dma source(%arg8 : memref<80x128xf32, #tpu.memory_space<vmem>>) target(%dma_start3A_66 : memref<80x128xf32, #tpu.memory_space<vmem_shared>>) target_semaphore(%run_scoped3A_62 : memref<!tpu.dma_semaphore, #tpu.memory_space<semaphore_mem>>)
      %dma_wait3A_67 = arith.constant 0 : i32
      %dma_wait3A_68 = tpu.memref_slice %arg10[%add3A_38, %dma_wait3A_67] : memref<10240x128xf32, #tpu.memory_space<vmem_shared>> -> memref<80x128xf32, #tpu.memory_space<vmem_shared>>
      %dma_wait3A_69 = arith.constant 0 : i32
      %dma_wait3A_70 = tpu.memref_slice %arg10[%add3A_38, %dma_wait3A_69] : memref<10240x128xf32, #tpu.memory_space<vmem_shared>> -> memref<80x128xf32, #tpu.memory_space<vmem_shared>>
      tpu.wait_dma2 semaphore(%run_scoped3A_62 : memref<!tpu.dma_semaphore, #tpu.memory_space<semaphore_mem>>) src(%arg8 : memref<80x128xf32, #tpu.memory_space<vmem>>) dst(%dma_wait3A_70 : memref<80x128xf32, #tpu.memory_space<vmem_shared>>)
      tpu.yield
    }) : () -> ()
    %barrier3A = arith.constant 0 : index
    tpu.barrier barrier_id(%barrier3A)
    %dma_start3A = arith.constant 0 : i32
    %dma_start3A_39 = arith.constant 0 : i32
    %dma_start3A_40 = tpu.memref_slice %arg6[%dma_start3A, %dma_start3A_39] : memref<125x80xi32, #tpu.memory_space<vmem>> -> memref<1x80xi32, #tpu.memory_space<vmem>>
    %dma_start3A_41 = tpu.memref_squeeze %dma_start3A_40 : memref<1x80xi32, #tpu.memory_space<vmem>> -> memref<80xi32, #tpu.memory_space<vmem>>
    %dma_start3A_42 = arith.constant 0 : i32
    %dma_start3A_43 = arith.constant 0 : i32
    %dma_start3A_44 = tpu.memref_slice %arg4[%dma_start3A_42, %dma_start3A_43] : memref<10000x128xf32, #tpu.memory_space<hbm>> -> memref<10000x128xf32, #tpu.memory_space<hbm>>
    tpu.enqueue_indirect_dma source(%dma_start3A_44 : memref<10000x128xf32, #tpu.memory_space<hbm>>) target(%arg8 : memref<80x128xf32, #tpu.memory_space<vmem>>) offsets(%dma_start3A_41 : memref<80xi32, #tpu.memory_space<vmem>>) semaphore(%arg11 : memref<!tpu.dma_semaphore, #tpu.memory_space<semaphore_mem>>)
    %scan3A_45 = arith.constant 0 : i32
    %scan3A_46 = arith.constant 0 : i32
    %scan3A_47 = arith.constant 62 : i32
    %scan3A_48 = arith.addi %scan3A_46, %scan3A_47 : i32
    %scan3A_49 = arith.constant 1 : i32
    scf.for %scan3A_62 = %scan3A_46 to %scan3A_48 step %scan3A_49  : i32 {
      %mul3A_63 = arith.constant 2 : i32
      %mul3A_64 = arith.muli %mul3A_63, %scan3A_62 : i32
      %add3A_65 = arith.constant 0 : i32
      %add3A_66 = arith.addi %mul3A_64, %add3A_65 : i32
      %add3A_67 = arith.constant 2 : i32
      %add3A_68 = arith.addi %add3A_66, %add3A_67 : i32
      %sub3A = arith.constant 1 : i32
      %sub3A_69 = arith.subi %add3A_68, %sub3A : i32
      %dma_start3A_70 = arith.constant 0 : i32
      %dma_start3A_71 = tpu.memref_slice %arg6[%sub3A_69, %dma_start3A_70] : memref<125x80xi32, #tpu.memory_space<vmem>> -> memref<1x80xi32, #tpu.memory_space<vmem>>
      %dma_start3A_72 = tpu.memref_squeeze %dma_start3A_71 : memref<1x80xi32, #tpu.memory_space<vmem>> -> memref<80xi32, #tpu.memory_space<vmem>>
      %dma_start3A_73 = arith.constant 0 : i32
      %dma_start3A_74 = arith.constant 0 : i32
      %dma_start3A_75 = tpu.memref_slice %arg4[%dma_start3A_73, %dma_start3A_74] : memref<10000x128xf32, #tpu.memory_space<hbm>> -> memref<10000x128xf32, #tpu.memory_space<hbm>>
      tpu.enqueue_indirect_dma source(%dma_start3A_75 : memref<10000x128xf32, #tpu.memory_space<hbm>>) target(%arg9 : memref<80x128xf32, #tpu.memory_space<vmem>>) offsets(%dma_start3A_72 : memref<80xi32, #tpu.memory_space<vmem>>) semaphore(%arg12 : memref<!tpu.dma_semaphore, #tpu.memory_space<semaphore_mem>>)
      %dma_wait3A_76 = arith.constant 0 : i32
      %dma_wait3A_77 = tpu.memref_slice %arg6[%add3A_66, %dma_wait3A_76] : memref<125x80xi32, #tpu.memory_space<vmem>> -> memref<1x80xi32, #tpu.memory_space<vmem>>
      %dma_wait3A_78 = tpu.memref_squeeze %dma_wait3A_77 : memref<1x80xi32, #tpu.memory_space<vmem>> -> memref<80xi32, #tpu.memory_space<vmem>>
      %dma_wait3A_79 = arith.constant 0 : i32
      %dma_wait3A_80 = arith.constant 0 : i32
      %dma_wait3A_81 = tpu.memref_slice %arg4[%dma_wait3A_79, %dma_wait3A_80] : memref<10000x128xf32, #tpu.memory_space<hbm>> -> memref<10000x128xf32, #tpu.memory_space<hbm>>
      tpu.wait_indirect_dma semaphore(%arg11 : memref<!tpu.dma_semaphore, #tpu.memory_space<semaphore_mem>>) src(%dma_wait3A_81 : memref<10000x128xf32, #tpu.memory_space<hbm>>) dst(%arg8 : memref<80x128xf32, #tpu.memory_space<vmem>>)
      "tpu.region"() ({
        %run_scoped3A_102 = tpu.sem_alloc : memref<!tpu.dma_semaphore, #tpu.memory_space<semaphore_mem>>
        %dma_start3A_103 = arith.constant 0 : i32
        %dma_start3A_104 = tpu.memref_slice %arg7[%add3A_66, %dma_start3A_103] : memref<125x80xi32, #tpu.memory_space<vmem>> -> memref<1x80xi32, #tpu.memory_space<vmem>>
        %dma_start3A_105 = tpu.memref_squeeze %dma_start3A_104 : memref<1x80xi32, #tpu.memory_space<vmem>> -> memref<80xi32, #tpu.memory_space<vmem>>
        %dma_start3A_106 = arith.constant 0 : i32
        %dma_start3A_107 = arith.constant 0 : i32
        %dma_start3A_108 = tpu.memref_slice %arg10[%dma_start3A_106, %dma_start3A_107] : memref<10240x128xf32, #tpu.memory_space<vmem_shared>> -> memref<10240x128xf32, #tpu.memory_space<vmem_shared>>
        tpu.enqueue_indirect_dma source(%arg8 : memref<80x128xf32, #tpu.memory_space<vmem>>) target(%dma_start3A_108 : memref<10240x128xf32, #tpu.memory_space<vmem_shared>>) offsets(%dma_start3A_105 : memref<80xi32, #tpu.memory_space<vmem>>) semaphore(%run_scoped3A_102 : memref<!tpu.dma_semaphore, #tpu.memory_space<semaphore_mem>>) {add = true}
        %dma_wait3A_109 = arith.constant 0 : i32
        %dma_wait3A_110 = tpu.memref_slice %arg7[%add3A_66, %dma_wait3A_109] : memref<125x80xi32, #tpu.memory_space<vmem>> -> memref<1x80xi32, #tpu.memory_space<vmem>>
        %dma_wait3A_111 = tpu.memref_squeeze %dma_wait3A_110 : memref<1x80xi32, #tpu.memory_space<vmem>> -> memref<80xi32, #tpu.memory_space<vmem>>
        %dma_wait3A_112 = arith.constant 0 : i32
        %dma_wait3A_113 = arith.constant 0 : i32
        %dma_wait3A_114 = tpu.memref_slice %arg10[%dma_wait3A_112, %dma_wait3A_113] : memref<10240x128xf32, #tpu.memory_space<vmem_shared>> -> memref<10240x128xf32, #tpu.memory_space<vmem_shared>>
        tpu.wait_indirect_dma semaphore(%run_scoped3A_102 : memref<!tpu.dma_semaphore, #tpu.memory_space<semaphore_mem>>) src(%arg8 : memref<80x128xf32, #tpu.memory_space<vmem>>) dst(%dma_wait3A_114 : memref<10240x128xf32, #tpu.memory_space<vmem_shared>>)
        tpu.yield
      }) : () -> ()
      %mul3A_82 = arith.constant 2 : i32
      %mul3A_83 = arith.muli %mul3A_82, %scan3A_62 : i32
      %add3A_84 = arith.constant 1 : i32
      %add3A_85 = arith.addi %mul3A_83, %add3A_84 : i32
      %add3A_86 = arith.constant 2 : i32
      %add3A_87 = arith.addi %add3A_85, %add3A_86 : i32
      %sub3A_88 = arith.constant 1 : i32
      %sub3A_89 = arith.subi %add3A_87, %sub3A_88 : i32
      %dma_start3A_90 = arith.constant 0 : i32
      %dma_start3A_91 = tpu.memref_slice %arg6[%sub3A_89, %dma_start3A_90] : memref<125x80xi32, #tpu.memory_space<vmem>> -> memref<1x80xi32, #tpu.memory_space<vmem>>
      %dma_start3A_92 = tpu.memref_squeeze %dma_start3A_91 : memref<1x80xi32, #tpu.memory_space<vmem>> -> memref<80xi32, #tpu.memory_space<vmem>>
      %dma_start3A_93 = arith.constant 0 : i32
      %dma_start3A_94 = arith.constant 0 : i32
      %dma_start3A_95 = tpu.memref_slice %arg4[%dma_start3A_93, %dma_start3A_94] : memref<10000x128xf32, #tpu.memory_space<hbm>> -> memref<10000x128xf32, #tpu.memory_space<hbm>>
      tpu.enqueue_indirect_dma source(%dma_start3A_95 : memref<10000x128xf32, #tpu.memory_space<hbm>>) target(%arg8 : memref<80x128xf32, #tpu.memory_space<vmem>>) offsets(%dma_start3A_92 : memref<80xi32, #tpu.memory_space<vmem>>) semaphore(%arg11 : memref<!tpu.dma_semaphore, #tpu.memory_space<semaphore_mem>>)
      %dma_wait3A_96 = arith.constant 0 : i32
      %dma_wait3A_97 = tpu.memref_slice %arg6[%add3A_85, %dma_wait3A_96] : memref<125x80xi32, #tpu.memory_space<vmem>> -> memref<1x80xi32, #tpu.memory_space<vmem>>
      %dma_wait3A_98 = tpu.memref_squeeze %dma_wait3A_97 : memref<1x80xi32, #tpu.memory_space<vmem>> -> memref<80xi32, #tpu.memory_space<vmem>>
      %dma_wait3A_99 = arith.constant 0 : i32
      %dma_wait3A_100 = arith.constant 0 : i32
      %dma_wait3A_101 = tpu.memref_slice %arg4[%dma_wait3A_99, %dma_wait3A_100] : memref<10000x128xf32, #tpu.memory_space<hbm>> -> memref<10000x128xf32, #tpu.memory_space<hbm>>
      tpu.wait_indirect_dma semaphore(%arg12 : memref<!tpu.dma_semaphore, #tpu.memory_space<semaphore_mem>>) src(%dma_wait3A_101 : memref<10000x128xf32, #tpu.memory_space<hbm>>) dst(%arg9 : memref<80x128xf32, #tpu.memory_space<vmem>>)
      "tpu.region"() ({
        %run_scoped3A_102 = tpu.sem_alloc : memref<!tpu.dma_semaphore, #tpu.memory_space<semaphore_mem>>
        %dma_start3A_103 = arith.constant 0 : i32
        %dma_start3A_104 = tpu.memref_slice %arg7[%add3A_85, %dma_start3A_103] : memref<125x80xi32, #tpu.memory_space<vmem>> -> memref<1x80xi32, #tpu.memory_space<vmem>>
        %dma_start3A_105 = tpu.memref_squeeze %dma_start3A_104 : memref<1x80xi32, #tpu.memory_space<vmem>> -> memref<80xi32, #tpu.memory_space<vmem>>
        %dma_start3A_106 = arith.constant 0 : i32
        %dma_start3A_107 = arith.constant 0 : i32
        %dma_start3A_108 = tpu.memref_slice %arg10[%dma_start3A_106, %dma_start3A_107] : memref<10240x128xf32, #tpu.memory_space<vmem_shared>> -> memref<10240x128xf32, #tpu.memory_space<vmem_shared>>
        tpu.enqueue_indirect_dma source(%arg9 : memref<80x128xf32, #tpu.memory_space<vmem>>) target(%dma_start3A_108 : memref<10240x128xf32, #tpu.memory_space<vmem_shared>>) offsets(%dma_start3A_105 : memref<80xi32, #tpu.memory_space<vmem>>) semaphore(%run_scoped3A_102 : memref<!tpu.dma_semaphore, #tpu.memory_space<semaphore_mem>>) {add = true}
        %dma_wait3A_109 = arith.constant 0 : i32
        %dma_wait3A_110 = tpu.memref_slice %arg7[%add3A_85, %dma_wait3A_109] : memref<125x80xi32, #tpu.memory_space<vmem>> -> memref<1x80xi32, #tpu.memory_space<vmem>>
        %dma_wait3A_111 = tpu.memref_squeeze %dma_wait3A_110 : memref<1x80xi32, #tpu.memory_space<vmem>> -> memref<80xi32, #tpu.memory_space<vmem>>
        %dma_wait3A_112 = arith.constant 0 : i32
        %dma_wait3A_113 = arith.constant 0 : i32
        %dma_wait3A_114 = tpu.memref_slice %arg10[%dma_wait3A_112, %dma_wait3A_113] : memref<10240x128xf32, #tpu.memory_space<vmem_shared>> -> memref<10240x128xf32, #tpu.memory_space<vmem_shared>>
        tpu.wait_indirect_dma semaphore(%run_scoped3A_102 : memref<!tpu.dma_semaphore, #tpu.memory_space<semaphore_mem>>) src(%arg9 : memref<80x128xf32, #tpu.memory_space<vmem>>) dst(%dma_wait3A_114 : memref<10240x128xf32, #tpu.memory_space<vmem_shared>>)
        tpu.yield
      }) : () -> ()
    }
    %scan3A_50 = arith.constant 62 : i32
    %dma_wait3A = arith.constant 124 : i32
    %dma_wait3A_51 = arith.constant 0 : i32
    %dma_wait3A_52 = tpu.memref_slice %arg6[%dma_wait3A, %dma_wait3A_51] : memref<125x80xi32, #tpu.memory_space<vmem>> -> memref<1x80xi32, #tpu.memory_space<vmem>>
    %dma_wait3A_53 = tpu.memref_squeeze %dma_wait3A_52 : memref<1x80xi32, #tpu.memory_space<vmem>> -> memref<80xi32, #tpu.memory_space<vmem>>
    %dma_wait3A_54 = arith.constant 0 : i32
    %dma_wait3A_55 = arith.constant 0 : i32
    %dma_wait3A_56 = tpu.memref_slice %arg4[%dma_wait3A_54, %dma_wait3A_55] : memref<10000x128xf32, #tpu.memory_space<hbm>> -> memref<10000x128xf32, #tpu.memory_space<hbm>>
    tpu.wait_indirect_dma semaphore(%arg11 : memref<!tpu.dma_semaphore, #tpu.memory_space<semaphore_mem>>) src(%dma_wait3A_56 : memref<10000x128xf32, #tpu.memory_space<hbm>>) dst(%arg8 : memref<80x128xf32, #tpu.memory_space<vmem>>)
    %run_scoped3A = arith.constant 124 : i32
    "tpu.region"() ({
      %run_scoped3A_62 = tpu.sem_alloc : memref<!tpu.dma_semaphore, #tpu.memory_space<semaphore_mem>>
      %dma_start3A_63 = arith.constant 0 : i32
      %dma_start3A_64 = tpu.memref_slice %arg7[%run_scoped3A, %dma_start3A_63] : memref<125x80xi32, #tpu.memory_space<vmem>> -> memref<1x80xi32, #tpu.memory_space<vmem>>
      %dma_start3A_65 = tpu.memref_squeeze %dma_start3A_64 : memref<1x80xi32, #tpu.memory_space<vmem>> -> memref<80xi32, #tpu.memory_space<vmem>>
      %dma_start3A_66 = arith.constant 0 : i32
      %dma_start3A_67 = arith.constant 0 : i32
      %dma_start3A_68 = tpu.memref_slice %arg10[%dma_start3A_66, %dma_start3A_67] : memref<10240x128xf32, #tpu.memory_space<vmem_shared>> -> memref<10240x128xf32, #tpu.memory_space<vmem_shared>>
      tpu.enqueue_indirect_dma source(%arg8 : memref<80x128xf32, #tpu.memory_space<vmem>>) target(%dma_start3A_68 : memref<10240x128xf32, #tpu.memory_space<vmem_shared>>) offsets(%dma_start3A_65 : memref<80xi32, #tpu.memory_space<vmem>>) semaphore(%run_scoped3A_62 : memref<!tpu.dma_semaphore, #tpu.memory_space<semaphore_mem>>) {add = true}
      %dma_wait3A_69 = arith.constant 0 : i32
      %dma_wait3A_70 = tpu.memref_slice %arg7[%run_scoped3A, %dma_wait3A_69] : memref<125x80xi32, #tpu.memory_space<vmem>> -> memref<1x80xi32, #tpu.memory_space<vmem>>
      %dma_wait3A_71 = tpu.memref_squeeze %dma_wait3A_70 : memref<1x80xi32, #tpu.memory_space<vmem>> -> memref<80xi32, #tpu.memory_space<vmem>>
      %dma_wait3A_72 = arith.constant 0 : i32
      %dma_wait3A_73 = arith.constant 0 : i32
      %dma_wait3A_74 = tpu.memref_slice %arg10[%dma_wait3A_72, %dma_wait3A_73] : memref<10240x128xf32, #tpu.memory_space<vmem_shared>> -> memref<10240x128xf32, #tpu.memory_space<vmem_shared>>
      tpu.wait_indirect_dma semaphore(%run_scoped3A_62 : memref<!tpu.dma_semaphore, #tpu.memory_space<semaphore_mem>>) src(%arg8 : memref<80x128xf32, #tpu.memory_space<vmem>>) dst(%dma_wait3A_74 : memref<10240x128xf32, #tpu.memory_space<vmem_shared>>)
      tpu.yield
    }) : () -> ()
    %barrier3A_57 = arith.constant 0 : index
    tpu.barrier barrier_id(%barrier3A_57)
    %mul3A_58 = arith.constant 640 : i32
    %mul3A_59 = arith.muli %arg1, %mul3A_58 : i32
    %mul3A_60 = arith.constant 640 : i32
    %mul3A_61 = arith.muli %arg1, %mul3A_60 : i32
    "tpu.region"() ({
      %run_scoped3A_62 = tpu.sem_alloc : memref<!tpu.dma_semaphore, #tpu.memory_space<semaphore_mem>>
      %dma_start3A_63 = arith.constant 0 : i32
      %dma_start3A_64 = tpu.memref_slice %arg5[%arg0, %mul3A_61, %dma_start3A_63] : memref<2x10240x128xf32, #tpu.memory_space<hbm>> -> memref<1x640x128xf32, #tpu.memory_space<hbm>>
      %dma_start3A_65 = tpu.memref_squeeze %dma_start3A_64 : memref<1x640x128xf32, #tpu.memory_space<hbm>> -> memref<640x128xf32, #tpu.memory_space<hbm>>
      %dma_start3A_66 = arith.constant 0 : i32
      %dma_start3A_67 = tpu.memref_slice %arg10[%mul3A_59, %dma_start3A_66] : memref<10240x128xf32, #tpu.memory_space<vmem_shared>> -> memref<640x128xf32, #tpu.memory_space<vmem_shared>>
      tpu.enqueue_dma source(%dma_start3A_67 : memref<640x128xf32, #tpu.memory_space<vmem_shared>>) target(%dma_start3A_65 : memref<640x128xf32, #tpu.memory_space<hbm>>) target_semaphore(%run_scoped3A_62 : memref<!tpu.dma_semaphore, #tpu.memory_space<semaphore_mem>>)
      %dma_wait3A_68 = arith.constant 0 : i32
      %dma_wait3A_69 = tpu.memref_slice %arg5[%arg0, %mul3A_61, %dma_wait3A_68] : memref<2x10240x128xf32, #tpu.memory_space<hbm>> -> memref<1x640x128xf32, #tpu.memory_space<hbm>>
      %dma_wait3A_70 = tpu.memref_squeeze %dma_wait3A_69 : memref<1x640x128xf32, #tpu.memory_space<hbm>> -> memref<640x128xf32, #tpu.memory_space<hbm>>
      %dma_wait3A_71 = arith.constant 0 : i32
      %dma_wait3A_72 = tpu.memref_slice %arg10[%mul3A_59, %dma_wait3A_71] : memref<10240x128xf32, #tpu.memory_space<vmem_shared>> -> memref<640x128xf32, #tpu.memory_space<vmem_shared>>
      tpu.wait_dma2 semaphore(%run_scoped3A_62 : memref<!tpu.dma_semaphore, #tpu.memory_space<semaphore_mem>>) src(%dma_wait3A_72 : memref<640x128xf32, #tpu.memory_space<vmem_shared>>) dst(%dma_wait3A_70 : memref<640x128xf32, #tpu.memory_space<hbm>>)
      tpu.yield
    }) : () -> ()
    return
  }
}

#map = affine_map<(d0, d1) -> (0, 0, 0)>
module attributes {stable_mosaic.version = 14 : i64} {
  func.func @_deg_kernel(%arg0: i32, %arg1: i32, %arg2: memref<32x125x80xi32, #tpu.memory_space<hbm>>, %arg3: memref<2x10240x16xf32, #tpu.memory_space<hbm>>, %arg4: memref<125x80xi32, #tpu.memory_space<vmem>>, %arg5: memref<80x16xf32, #tpu.memory_space<vmem>>, %arg6: memref<80x16xf32, #tpu.memory_space<vmem>>, %arg7: memref<10240x16xf32, #tpu.memory_space<vmem_shared>>, %arg8: memref<!tpu.dma_semaphore, #tpu.memory_space<semaphore_mem>>) attributes {dimension_semantics = [#tpu.dimension_semantics<core_parallel>, #tpu.dimension_semantics<subcore_parallel>], iteration_bounds = array<i64: 2, 16>, scalar_prefetch = 0 : i64, scratch_operands = 5 : i64, tpu.core_type = #tpu.core_type<sc_vector_subcore>, window_params = [{transform_indices = #map}, {transform_indices = #map}]} {
    %mul3A = arith.constant 2 : i32
    %mul3A_0 = arith.muli %arg1, %mul3A : i32
    %add3A = arith.addi %mul3A_0, %arg0 : i32
    "tpu.region"() ({
      %run_scoped3A = tpu.sem_alloc : memref<!tpu.dma_semaphore, #tpu.memory_space<semaphore_mem>>
      %dma_start3A = arith.constant 0 : i32
      %dma_start3A_58 = arith.constant 0 : i32
      %dma_start3A_59 = tpu.memref_slice %arg2[%add3A, %dma_start3A, %dma_start3A_58] : memref<32x125x80xi32, #tpu.memory_space<hbm>> -> memref<1x125x80xi32, #tpu.memory_space<hbm>>
      %dma_start3A_60 = tpu.memref_squeeze %dma_start3A_59 : memref<1x125x80xi32, #tpu.memory_space<hbm>> -> memref<125x80xi32, #tpu.memory_space<hbm>>
      %dma_start3A_61 = arith.constant 0 : i32
      %dma_start3A_62 = arith.constant 0 : i32
      %dma_start3A_63 = tpu.memref_slice %arg2[%add3A, %dma_start3A_61, %dma_start3A_62] : memref<32x125x80xi32, #tpu.memory_space<hbm>> -> memref<1x125x80xi32, #tpu.memory_space<hbm>>
      %dma_start3A_64 = tpu.memref_squeeze %dma_start3A_63 : memref<1x125x80xi32, #tpu.memory_space<hbm>> -> memref<125x80xi32, #tpu.memory_space<hbm>>
      tpu.enqueue_dma source(%dma_start3A_64 : memref<125x80xi32, #tpu.memory_space<hbm>>) target(%arg4 : memref<125x80xi32, #tpu.memory_space<vmem>>) target_semaphore(%run_scoped3A : memref<!tpu.dma_semaphore, #tpu.memory_space<semaphore_mem>>)
      %dma_wait3A = arith.constant 0 : i32
      %dma_wait3A_65 = arith.constant 0 : i32
      %dma_wait3A_66 = tpu.memref_slice %arg2[%add3A, %dma_wait3A, %dma_wait3A_65] : memref<32x125x80xi32, #tpu.memory_space<hbm>> -> memref<1x125x80xi32, #tpu.memory_space<hbm>>
      %dma_wait3A_67 = tpu.memref_squeeze %dma_wait3A_66 : memref<1x125x80xi32, #tpu.memory_space<hbm>> -> memref<125x80xi32, #tpu.memory_space<hbm>>
      %dma_wait3A_68 = arith.constant 0 : i32
      %dma_wait3A_69 = arith.constant 0 : i32
      %dma_wait3A_70 = tpu.memref_slice %arg2[%add3A, %dma_wait3A_68, %dma_wait3A_69] : memref<32x125x80xi32, #tpu.memory_space<hbm>> -> memref<1x125x80xi32, #tpu.memory_space<hbm>>
      %dma_wait3A_71 = tpu.memref_squeeze %dma_wait3A_70 : memref<1x125x80xi32, #tpu.memory_space<hbm>> -> memref<125x80xi32, #tpu.memory_space<hbm>>
      tpu.wait_dma2 semaphore(%run_scoped3A : memref<!tpu.dma_semaphore, #tpu.memory_space<semaphore_mem>>) src(%dma_wait3A_71 : memref<125x80xi32, #tpu.memory_space<hbm>>) dst(%arg4 : memref<125x80xi32, #tpu.memory_space<vmem>>)
      tpu.yield
    }) : () -> ()
    %broadcast_in_dim3A = arith.constant 1.000000e+00 : f32
    %broadcast_in_dim3A_1 = vector.broadcast %broadcast_in_dim3A : f32 to vector<16xf32>
    %broadcast_in_dim3A_2 = arith.constant 0.000000e+00 : f32
    %broadcast_in_dim3A_3 = vector.broadcast %broadcast_in_dim3A_2 : f32 to vector<16xf32>
    %scan3A = arith.constant 0 : i32
    %scan3A_4 = arith.constant 0 : i32
    %scan3A_5 = arith.constant 80 : i32
    %scan3A_6 = arith.addi %scan3A_4, %scan3A_5 : i32
    %scan3A_7 = arith.constant 1 : i32
    scf.for %scan3A_58 = %scan3A_4 to %scan3A_6 step %scan3A_7  : i32 {
      %swap3A = arith.index_cast %scan3A_58 : i32 to index
      %swap3A_59 = arith.constant 0 : index
      %swap3A_60 = tpu.vector_load %arg5[%swap3A, %swap3A_59] {strides = array<i32>} : memref<80x16xf32, #tpu.memory_space<vmem>>, vector<1x16xf32>,
      %swap3A_61 = vector.shape_cast %swap3A_60 : vector<1x16xf32> to vector<16xf32>
      %swap3A_62 = vector.shape_cast %broadcast_in_dim3A_1 : vector<16xf32> to vector<1x16xf32>
      tpu.vector_store %arg5[%swap3A, %swap3A_59], %swap3A_62 {strides = array<i32>} : memref<80x16xf32, #tpu.memory_space<vmem>>, vector<1x16xf32>,
      %swap3A_63 = arith.index_cast %scan3A_58 : i32 to index
      %swap3A_64 = arith.constant 0 : index
      %swap3A_65 = tpu.vector_load %arg6[%swap3A_63, %swap3A_64] {strides = array<i32>} : memref<80x16xf32, #tpu.memory_space<vmem>>, vector<1x16xf32>,
      %swap3A_66 = vector.shape_cast %swap3A_65 : vector<1x16xf32> to vector<16xf32>
      %swap3A_67 = vector.shape_cast %broadcast_in_dim3A_3 : vector<16xf32> to vector<1x16xf32>
      tpu.vector_store %arg6[%swap3A_63, %swap3A_64], %swap3A_67 {strides = array<i32>} : memref<80x16xf32, #tpu.memory_space<vmem>>, vector<1x16xf32>,
    }
    %scan3A_8 = arith.constant 80 : i32
    %mul3A_9 = arith.constant 640 : i32
    %mul3A_10 = arith.muli %arg1, %mul3A_9 : i32
    %add3A_11 = arith.constant 0 : i32
    %add3A_12 = arith.addi %mul3A_10, %add3A_11 : i32
    "tpu.region"() ({
      %run_scoped3A = tpu.sem_alloc : memref<!tpu.dma_semaphore, #tpu.memory_space<semaphore_mem>>
      %dma_start3A = arith.constant 0 : i32
      %dma_start3A_58 = tpu.memref_slice %arg7[%add3A_12, %dma_start3A] : memref<10240x16xf32, #tpu.memory_space<vmem_shared>> -> memref<80x16xf32, #tpu.memory_space<vmem_shared>>
      %dma_start3A_59 = arith.constant 0 : i32
      %dma_start3A_60 = tpu.memref_slice %arg7[%add3A_12, %dma_start3A_59] : memref<10240x16xf32, #tpu.memory_space<vmem_shared>> -> memref<80x16xf32, #tpu.memory_space<vmem_shared>>
      tpu.enqueue_dma source(%arg6 : memref<80x16xf32, #tpu.memory_space<vmem>>) target(%dma_start3A_60 : memref<80x16xf32, #tpu.memory_space<vmem_shared>>) target_semaphore(%run_scoped3A : memref<!tpu.dma_semaphore, #tpu.memory_space<semaphore_mem>>)
      %dma_wait3A = arith.constant 0 : i32
      %dma_wait3A_61 = tpu.memref_slice %arg7[%add3A_12, %dma_wait3A] : memref<10240x16xf32, #tpu.memory_space<vmem_shared>> -> memref<80x16xf32, #tpu.memory_space<vmem_shared>>
      %dma_wait3A_62 = arith.constant 0 : i32
      %dma_wait3A_63 = tpu.memref_slice %arg7[%add3A_12, %dma_wait3A_62] : memref<10240x16xf32, #tpu.memory_space<vmem_shared>> -> memref<80x16xf32, #tpu.memory_space<vmem_shared>>
      tpu.wait_dma2 semaphore(%run_scoped3A : memref<!tpu.dma_semaphore, #tpu.memory_space<semaphore_mem>>) src(%arg6 : memref<80x16xf32, #tpu.memory_space<vmem>>) dst(%dma_wait3A_63 : memref<80x16xf32, #tpu.memory_space<vmem_shared>>)
      tpu.yield
    }) : () -> ()
    %mul3A_13 = arith.constant 640 : i32
    %mul3A_14 = arith.muli %arg1, %mul3A_13 : i32
    %add3A_15 = arith.constant 80 : i32
    %add3A_16 = arith.addi %mul3A_14, %add3A_15 : i32
    "tpu.region"() ({
      %run_scoped3A = tpu.sem_alloc : memref<!tpu.dma_semaphore, #tpu.memory_space<semaphore_mem>>
      %dma_start3A = arith.constant 0 : i32
      %dma_start3A_58 = tpu.memref_slice %arg7[%add3A_16, %dma_start3A] : memref<10240x16xf32, #tpu.memory_space<vmem_shared>> -> memref<80x16xf32, #tpu.memory_space<vmem_shared>>
      %dma_start3A_59 = arith.constant 0 : i32
      %dma_start3A_60 = tpu.memref_slice %arg7[%add3A_16, %dma_start3A_59] : memref<10240x16xf32, #tpu.memory_space<vmem_shared>> -> memref<80x16xf32, #tpu.memory_space<vmem_shared>>
      tpu.enqueue_dma source(%arg6 : memref<80x16xf32, #tpu.memory_space<vmem>>) target(%dma_start3A_60 : memref<80x16xf32, #tpu.memory_space<vmem_shared>>) target_semaphore(%run_scoped3A : memref<!tpu.dma_semaphore, #tpu.memory_space<semaphore_mem>>)
      %dma_wait3A = arith.constant 0 : i32
      %dma_wait3A_61 = tpu.memref_slice %arg7[%add3A_16, %dma_wait3A] : memref<10240x16xf32, #tpu.memory_space<vmem_shared>> -> memref<80x16xf32, #tpu.memory_space<vmem_shared>>
      %dma_wait3A_62 = arith.constant 0 : i32
      %dma_wait3A_63 = tpu.memref_slice %arg7[%add3A_16, %dma_wait3A_62] : memref<10240x16xf32, #tpu.memory_space<vmem_shared>> -> memref<80x16xf32, #tpu.memory_space<vmem_shared>>
      tpu.wait_dma2 semaphore(%run_scoped3A : memref<!tpu.dma_semaphore, #tpu.memory_space<semaphore_mem>>) src(%arg6 : memref<80x16xf32, #tpu.memory_space<vmem>>) dst(%dma_wait3A_63 : memref<80x16xf32, #tpu.memory_space<vmem_shared>>)
      tpu.yield
    }) : () -> ()
    %mul3A_17 = arith.constant 640 : i32
    %mul3A_18 = arith.muli %arg1, %mul3A_17 : i32
    %add3A_19 = arith.constant 160 : i32
    %add3A_20 = arith.addi %mul3A_18, %add3A_19 : i32
    "tpu.region"() ({
      %run_scoped3A = tpu.sem_alloc : memref<!tpu.dma_semaphore, #tpu.memory_space<semaphore_mem>>
      %dma_start3A = arith.constant 0 : i32
      %dma_start3A_58 = tpu.memref_slice %arg7[%add3A_20, %dma_start3A] : memref<10240x16xf32, #tpu.memory_space<vmem_shared>> -> memref<80x16xf32, #tpu.memory_space<vmem_shared>>
      %dma_start3A_59 = arith.constant 0 : i32
      %dma_start3A_60 = tpu.memref_slice %arg7[%add3A_20, %dma_start3A_59] : memref<10240x16xf32, #tpu.memory_space<vmem_shared>> -> memref<80x16xf32, #tpu.memory_space<vmem_shared>>
      tpu.enqueue_dma source(%arg6 : memref<80x16xf32, #tpu.memory_space<vmem>>) target(%dma_start3A_60 : memref<80x16xf32, #tpu.memory_space<vmem_shared>>) target_semaphore(%run_scoped3A : memref<!tpu.dma_semaphore, #tpu.memory_space<semaphore_mem>>)
      %dma_wait3A = arith.constant 0 : i32
      %dma_wait3A_61 = tpu.memref_slice %arg7[%add3A_20, %dma_wait3A] : memref<10240x16xf32, #tpu.memory_space<vmem_shared>> -> memref<80x16xf32, #tpu.memory_space<vmem_shared>>
      %dma_wait3A_62 = arith.constant 0 : i32
      %dma_wait3A_63 = tpu.memref_slice %arg7[%add3A_20, %dma_wait3A_62] : memref<10240x16xf32, #tpu.memory_space<vmem_shared>> -> memref<80x16xf32, #tpu.memory_space<vmem_shared>>
      tpu.wait_dma2 semaphore(%run_scoped3A : memref<!tpu.dma_semaphore, #tpu.memory_space<semaphore_mem>>) src(%arg6 : memref<80x16xf32, #tpu.memory_space<vmem>>) dst(%dma_wait3A_63 : memref<80x16xf32, #tpu.memory_space<vmem_shared>>)
      tpu.yield
    }) : () -> ()
    %mul3A_21 = arith.constant 640 : i32
    %mul3A_22 = arith.muli %arg1, %mul3A_21 : i32
    %add3A_23 = arith.constant 240 : i32
    %add3A_24 = arith.addi %mul3A_22, %add3A_23 : i32
    "tpu.region"() ({
      %run_scoped3A = tpu.sem_alloc : memref<!tpu.dma_semaphore, #tpu.memory_space<semaphore_mem>>
      %dma_start3A = arith.constant 0 : i32
      %dma_start3A_58 = tpu.memref_slice %arg7[%add3A_24, %dma_start3A] : memref<10240x16xf32, #tpu.memory_space<vmem_shared>> -> memref<80x16xf32, #tpu.memory_space<vmem_shared>>
      %dma_start3A_59 = arith.constant 0 : i32
      %dma_start3A_60 = tpu.memref_slice %arg7[%add3A_24, %dma_start3A_59] : memref<10240x16xf32, #tpu.memory_space<vmem_shared>> -> memref<80x16xf32, #tpu.memory_space<vmem_shared>>
      tpu.enqueue_dma source(%arg6 : memref<80x16xf32, #tpu.memory_space<vmem>>) target(%dma_start3A_60 : memref<80x16xf32, #tpu.memory_space<vmem_shared>>) target_semaphore(%run_scoped3A : memref<!tpu.dma_semaphore, #tpu.memory_space<semaphore_mem>>)
      %dma_wait3A = arith.constant 0 : i32
      %dma_wait3A_61 = tpu.memref_slice %arg7[%add3A_24, %dma_wait3A] : memref<10240x16xf32, #tpu.memory_space<vmem_shared>> -> memref<80x16xf32, #tpu.memory_space<vmem_shared>>
      %dma_wait3A_62 = arith.constant 0 : i32
      %dma_wait3A_63 = tpu.memref_slice %arg7[%add3A_24, %dma_wait3A_62] : memref<10240x16xf32, #tpu.memory_space<vmem_shared>> -> memref<80x16xf32, #tpu.memory_space<vmem_shared>>
      tpu.wait_dma2 semaphore(%run_scoped3A : memref<!tpu.dma_semaphore, #tpu.memory_space<semaphore_mem>>) src(%arg6 : memref<80x16xf32, #tpu.memory_space<vmem>>) dst(%dma_wait3A_63 : memref<80x16xf32, #tpu.memory_space<vmem_shared>>)
      tpu.yield
    }) : () -> ()
    %mul3A_25 = arith.constant 640 : i32
    %mul3A_26 = arith.muli %arg1, %mul3A_25 : i32
    %add3A_27 = arith.constant 320 : i32
    %add3A_28 = arith.addi %mul3A_26, %add3A_27 : i32
    "tpu.region"() ({
      %run_scoped3A = tpu.sem_alloc : memref<!tpu.dma_semaphore, #tpu.memory_space<semaphore_mem>>
      %dma_start3A = arith.constant 0 : i32
      %dma_start3A_58 = tpu.memref_slice %arg7[%add3A_28, %dma_start3A] : memref<10240x16xf32, #tpu.memory_space<vmem_shared>> -> memref<80x16xf32, #tpu.memory_space<vmem_shared>>
      %dma_start3A_59 = arith.constant 0 : i32
      %dma_start3A_60 = tpu.memref_slice %arg7[%add3A_28, %dma_start3A_59] : memref<10240x16xf32, #tpu.memory_space<vmem_shared>> -> memref<80x16xf32, #tpu.memory_space<vmem_shared>>
      tpu.enqueue_dma source(%arg6 : memref<80x16xf32, #tpu.memory_space<vmem>>) target(%dma_start3A_60 : memref<80x16xf32, #tpu.memory_space<vmem_shared>>) target_semaphore(%run_scoped3A : memref<!tpu.dma_semaphore, #tpu.memory_space<semaphore_mem>>)
      %dma_wait3A = arith.constant 0 : i32
      %dma_wait3A_61 = tpu.memref_slice %arg7[%add3A_28, %dma_wait3A] : memref<10240x16xf32, #tpu.memory_space<vmem_shared>> -> memref<80x16xf32, #tpu.memory_space<vmem_shared>>
      %dma_wait3A_62 = arith.constant 0 : i32
      %dma_wait3A_63 = tpu.memref_slice %arg7[%add3A_28, %dma_wait3A_62] : memref<10240x16xf32, #tpu.memory_space<vmem_shared>> -> memref<80x16xf32, #tpu.memory_space<vmem_shared>>
      tpu.wait_dma2 semaphore(%run_scoped3A : memref<!tpu.dma_semaphore, #tpu.memory_space<semaphore_mem>>) src(%arg6 : memref<80x16xf32, #tpu.memory_space<vmem>>) dst(%dma_wait3A_63 : memref<80x16xf32, #tpu.memory_space<vmem_shared>>)
      tpu.yield
    }) : () -> ()
    %mul3A_29 = arith.constant 640 : i32
    %mul3A_30 = arith.muli %arg1, %mul3A_29 : i32
    %add3A_31 = arith.constant 400 : i32
    %add3A_32 = arith.addi %mul3A_30, %add3A_31 : i32
    "tpu.region"() ({
      %run_scoped3A = tpu.sem_alloc : memref<!tpu.dma_semaphore, #tpu.memory_space<semaphore_mem>>
      %dma_start3A = arith.constant 0 : i32
      %dma_start3A_58 = tpu.memref_slice %arg7[%add3A_32, %dma_start3A] : memref<10240x16xf32, #tpu.memory_space<vmem_shared>> -> memref<80x16xf32, #tpu.memory_space<vmem_shared>>
      %dma_start3A_59 = arith.constant 0 : i32
      %dma_start3A_60 = tpu.memref_slice %arg7[%add3A_32, %dma_start3A_59] : memref<10240x16xf32, #tpu.memory_space<vmem_shared>> -> memref<80x16xf32, #tpu.memory_space<vmem_shared>>
      tpu.enqueue_dma source(%arg6 : memref<80x16xf32, #tpu.memory_space<vmem>>) target(%dma_start3A_60 : memref<80x16xf32, #tpu.memory_space<vmem_shared>>) target_semaphore(%run_scoped3A : memref<!tpu.dma_semaphore, #tpu.memory_space<semaphore_mem>>)
      %dma_wait3A = arith.constant 0 : i32
      %dma_wait3A_61 = tpu.memref_slice %arg7[%add3A_32, %dma_wait3A] : memref<10240x16xf32, #tpu.memory_space<vmem_shared>> -> memref<80x16xf32, #tpu.memory_space<vmem_shared>>
      %dma_wait3A_62 = arith.constant 0 : i32
      %dma_wait3A_63 = tpu.memref_slice %arg7[%add3A_32, %dma_wait3A_62] : memref<10240x16xf32, #tpu.memory_space<vmem_shared>> -> memref<80x16xf32, #tpu.memory_space<vmem_shared>>
      tpu.wait_dma2 semaphore(%run_scoped3A : memref<!tpu.dma_semaphore, #tpu.memory_space<semaphore_mem>>) src(%arg6 : memref<80x16xf32, #tpu.memory_space<vmem>>) dst(%dma_wait3A_63 : memref<80x16xf32, #tpu.memory_space<vmem_shared>>)
      tpu.yield
    }) : () -> ()
    %mul3A_33 = arith.constant 640 : i32
    %mul3A_34 = arith.muli %arg1, %mul3A_33 : i32
    %add3A_35 = arith.constant 480 : i32
    %add3A_36 = arith.addi %mul3A_34, %add3A_35 : i32
    "tpu.region"() ({
      %run_scoped3A = tpu.sem_alloc : memref<!tpu.dma_semaphore, #tpu.memory_space<semaphore_mem>>
      %dma_start3A = arith.constant 0 : i32
      %dma_start3A_58 = tpu.memref_slice %arg7[%add3A_36, %dma_start3A] : memref<10240x16xf32, #tpu.memory_space<vmem_shared>> -> memref<80x16xf32, #tpu.memory_space<vmem_shared>>
      %dma_start3A_59 = arith.constant 0 : i32
      %dma_start3A_60 = tpu.memref_slice %arg7[%add3A_36, %dma_start3A_59] : memref<10240x16xf32, #tpu.memory_space<vmem_shared>> -> memref<80x16xf32, #tpu.memory_space<vmem_shared>>
      tpu.enqueue_dma source(%arg6 : memref<80x16xf32, #tpu.memory_space<vmem>>) target(%dma_start3A_60 : memref<80x16xf32, #tpu.memory_space<vmem_shared>>) target_semaphore(%run_scoped3A : memref<!tpu.dma_semaphore, #tpu.memory_space<semaphore_mem>>)
      %dma_wait3A = arith.constant 0 : i32
      %dma_wait3A_61 = tpu.memref_slice %arg7[%add3A_36, %dma_wait3A] : memref<10240x16xf32, #tpu.memory_space<vmem_shared>> -> memref<80x16xf32, #tpu.memory_space<vmem_shared>>
      %dma_wait3A_62 = arith.constant 0 : i32
      %dma_wait3A_63 = tpu.memref_slice %arg7[%add3A_36, %dma_wait3A_62] : memref<10240x16xf32, #tpu.memory_space<vmem_shared>> -> memref<80x16xf32, #tpu.memory_space<vmem_shared>>
      tpu.wait_dma2 semaphore(%run_scoped3A : memref<!tpu.dma_semaphore, #tpu.memory_space<semaphore_mem>>) src(%arg6 : memref<80x16xf32, #tpu.memory_space<vmem>>) dst(%dma_wait3A_63 : memref<80x16xf32, #tpu.memory_space<vmem_shared>>)
      tpu.yield
    }) : () -> ()
    %mul3A_37 = arith.constant 640 : i32
    %mul3A_38 = arith.muli %arg1, %mul3A_37 : i32
    %add3A_39 = arith.constant 560 : i32
    %add3A_40 = arith.addi %mul3A_38, %add3A_39 : i32
    "tpu.region"() ({
      %run_scoped3A = tpu.sem_alloc : memref<!tpu.dma_semaphore, #tpu.memory_space<semaphore_mem>>
      %dma_start3A = arith.constant 0 : i32
      %dma_start3A_58 = tpu.memref_slice %arg7[%add3A_40, %dma_start3A] : memref<10240x16xf32, #tpu.memory_space<vmem_shared>> -> memref<80x16xf32, #tpu.memory_space<vmem_shared>>
      %dma_start3A_59 = arith.constant 0 : i32
      %dma_start3A_60 = tpu.memref_slice %arg7[%add3A_40, %dma_start3A_59] : memref<10240x16xf32, #tpu.memory_space<vmem_shared>> -> memref<80x16xf32, #tpu.memory_space<vmem_shared>>
      tpu.enqueue_dma source(%arg6 : memref<80x16xf32, #tpu.memory_space<vmem>>) target(%dma_start3A_60 : memref<80x16xf32, #tpu.memory_space<vmem_shared>>) target_semaphore(%run_scoped3A : memref<!tpu.dma_semaphore, #tpu.memory_space<semaphore_mem>>)
      %dma_wait3A = arith.constant 0 : i32
      %dma_wait3A_61 = tpu.memref_slice %arg7[%add3A_40, %dma_wait3A] : memref<10240x16xf32, #tpu.memory_space<vmem_shared>> -> memref<80x16xf32, #tpu.memory_space<vmem_shared>>
      %dma_wait3A_62 = arith.constant 0 : i32
      %dma_wait3A_63 = tpu.memref_slice %arg7[%add3A_40, %dma_wait3A_62] : memref<10240x16xf32, #tpu.memory_space<vmem_shared>> -> memref<80x16xf32, #tpu.memory_space<vmem_shared>>
      tpu.wait_dma2 semaphore(%run_scoped3A : memref<!tpu.dma_semaphore, #tpu.memory_space<semaphore_mem>>) src(%arg6 : memref<80x16xf32, #tpu.memory_space<vmem>>) dst(%dma_wait3A_63 : memref<80x16xf32, #tpu.memory_space<vmem_shared>>)
      tpu.yield
    }) : () -> ()
    %barrier3A = arith.constant 0 : index
    tpu.barrier barrier_id(%barrier3A)
    %scan3A_41 = arith.constant 0 : i32
    %scan3A_42 = arith.constant 0 : i32
    %scan3A_43 = arith.constant 125 : i32
    %scan3A_44 = arith.addi %scan3A_42, %scan3A_43 : i32
    %scan3A_45 = arith.constant 1 : i32
    scf.for %scan3A_58 = %scan3A_42 to %scan3A_44 step %scan3A_45  : i32 {
      %dma_start3A = arith.constant 0 : i32
      %dma_start3A_59 = tpu.memref_slice %arg4[%scan3A_58, %dma_start3A] : memref<125x80xi32, #tpu.memory_space<vmem>> -> memref<1x80xi32, #tpu.memory_space<vmem>>
      %dma_start3A_60 = tpu.memref_squeeze %dma_start3A_59 : memref<1x80xi32, #tpu.memory_space<vmem>> -> memref<80xi32, #tpu.memory_space<vmem>>
      %dma_start3A_61 = arith.constant 0 : i32
      %dma_start3A_62 = arith.constant 0 : i32
      %dma_start3A_63 = tpu.memref_slice %arg7[%dma_start3A_61, %dma_start3A_62] : memref<10240x16xf32, #tpu.memory_space<vmem_shared>> -> memref<10240x16xf32, #tpu.memory_space<vmem_shared>>
      tpu.enqueue_indirect_dma source(%arg5 : memref<80x16xf32, #tpu.memory_space<vmem>>) target(%dma_start3A_63 : memref<10240x16xf32, #tpu.memory_space<vmem_shared>>) offsets(%dma_start3A_60 : memref<80xi32, #tpu.memory_space<vmem>>) semaphore(%arg8 : memref<!tpu.dma_semaphore, #tpu.memory_space<semaphore_mem>>) {add = true}
    }
    %scan3A_46 = arith.constant 125 : i32
    %scan3A_47 = arith.constant 0 : i32
    %scan3A_48 = arith.constant 0 : i32
    %scan3A_49 = arith.constant 125 : i32
    %scan3A_50 = arith.addi %scan3A_48, %scan3A_49 : i32
    %scan3A_51 = arith.constant 1 : i32
    scf.for %scan3A_58 = %scan3A_48 to %scan3A_50 step %scan3A_51  : i32 {
      %dma_wait3A = arith.constant 0 : i32
      %dma_wait3A_59 = arith.constant 0 : i32
      %dma_wait3A_60 = tpu.memref_slice %arg4[%dma_wait3A, %dma_wait3A_59] : memref<125x80xi32, #tpu.memory_space<vmem>> -> memref<1x80xi32, #tpu.memory_space<vmem>>
      %dma_wait3A_61 = tpu.memref_squeeze %dma_wait3A_60 : memref<1x80xi32, #tpu.memory_space<vmem>> -> memref<80xi32, #tpu.memory_space<vmem>>
      %dma_wait3A_62 = arith.constant 0 : i32
      %dma_wait3A_63 = arith.constant 0 : i32
      %dma_wait3A_64 = tpu.memref_slice %arg7[%dma_wait3A_62, %dma_wait3A_63] : memref<10240x16xf32, #tpu.memory_space<vmem_shared>> -> memref<10240x16xf32, #tpu.memory_space<vmem_shared>>
      tpu.wait_indirect_dma semaphore(%arg8 : memref<!tpu.dma_semaphore, #tpu.memory_space<semaphore_mem>>) src(%arg5 : memref<80x16xf32, #tpu.memory_space<vmem>>) dst(%dma_wait3A_64 : memref<10240x16xf32, #tpu.memory_space<vmem_shared>>)
    }
    %scan3A_52 = arith.constant 125 : i32
    %barrier3A_53 = arith.constant 0 : index
    tpu.barrier barrier_id(%barrier3A_53)
    %mul3A_54 = arith.constant 640 : i32
    %mul3A_55 = arith.muli %arg1, %mul3A_54 : i32
    %mul3A_56 = arith.constant 640 : i32
    %mul3A_57 = arith.muli %arg1, %mul3A_56 : i32
    "tpu.region"() ({
      %run_scoped3A = tpu.sem_alloc : memref<!tpu.dma_semaphore, #tpu.memory_space<semaphore_mem>>
      %dma_start3A = arith.constant 0 : i32
      %dma_start3A_58 = tpu.memref_slice %arg3[%arg0, %mul3A_57, %dma_start3A] : memref<2x10240x16xf32, #tpu.memory_space<hbm>> -> memref<1x640x16xf32, #tpu.memory_space<hbm>>
      %dma_start3A_59 = tpu.memref_squeeze %dma_start3A_58 : memref<1x640x16xf32, #tpu.memory_space<hbm>> -> memref<640x16xf32, #tpu.memory_space<hbm>>
      %dma_start3A_60 = arith.constant 0 : i32
      %dma_start3A_61 = tpu.memref_slice %arg7[%mul3A_55, %dma_start3A_60] : memref<10240x16xf32, #tpu.memory_space<vmem_shared>> -> memref<640x16xf32, #tpu.memory_space<vmem_shared>>
      tpu.enqueue_dma source(%dma_start3A_61 : memref<640x16xf32, #tpu.memory_space<vmem_shared>>) target(%dma_start3A_59 : memref<640x16xf32, #tpu.memory_space<hbm>>) target_semaphore(%run_scoped3A : memref<!tpu.dma_semaphore, #tpu.memory_space<semaphore_mem>>)
      %dma_wait3A = arith.constant 0 : i32
      %dma_wait3A_62 = tpu.memref_slice %arg3[%arg0, %mul3A_57, %dma_wait3A] : memref<2x10240x16xf32, #tpu.memory_space<hbm>> -> memref<1x640x16xf32, #tpu.memory_space<hbm>>
      %dma_wait3A_63 = tpu.memref_squeeze %dma_wait3A_62 : memref<1x640x16xf32, #tpu.memory_space<hbm>> -> memref<640x16xf32, #tpu.memory_space<hbm>>
      %dma_wait3A_64 = arith.constant 0 : i32
      %dma_wait3A_65 = tpu.memref_slice %arg7[%mul3A_55, %dma_wait3A_64] : memref<10240x16xf32, #tpu.memory_space<vmem_shared>> -> memref<640x16xf32, #tpu.memory_space<vmem_shared>>
      tpu.wait_dma2 semaphore(%run_scoped3A : memref<!tpu.dma_semaphore, #tpu.memory_space<semaphore_mem>>) src(%dma_wait3A_65 : memref<640x16xf32, #tpu.memory_space<vmem_shared>>) dst(%dma_wait3A_63 : memref<640x16xf32, #tpu.memory_space<hbm>>)
      tpu.yield
    }) : () -> ()
    return
  }
}

#map = affine_map<(d0, d1) -> (0, 0, 0)>
#map1 = affine_map<(d0, d1) -> (0, 0)>
module attributes {stable_mosaic.version = 14 : i64} {
  func.func @prop(%arg0: i32, %arg1: i32, %arg2: memref<32x125x80xi32, #tpu.memory_space<hbm>>, %arg3: memref<32x125x80xi32, #tpu.memory_space<hbm>>, %arg4: memref<10000x32xf32, #tpu.memory_space<hbm>>, %arg5: memref<2x10240x32xf32, #tpu.memory_space<hbm>>, %arg6: memref<125x80xi32, #tpu.memory_space<vmem>>, %arg7: memref<125x80xi32, #tpu.memory_space<vmem>>, %arg8: memref<80x32xf32, #tpu.memory_space<vmem>>, %arg9: memref<80x32xf32, #tpu.memory_space<vmem>>, %arg10: memref<80x32xf32, #tpu.memory_space<vmem>>, %arg11: memref<10240x32xf32, #tpu.memory_space<vmem_shared>>, %arg12: memref<!tpu.dma_semaphore, #tpu.memory_space<semaphore_mem>>, %arg13: memref<!tpu.dma_semaphore, #tpu.memory_space<semaphore_mem>>, %arg14: memref<!tpu.dma_semaphore, #tpu.memory_space<semaphore_mem>>) attributes {dimension_semantics = [#tpu.dimension_semantics<core_parallel>, #tpu.dimension_semantics<subcore_parallel>], iteration_bounds = array<i64: 2, 16>, scalar_prefetch = 0 : i64, scratch_operands = 9 : i64, tpu.core_type = #tpu.core_type<sc_vector_subcore>, window_params = [{transform_indices = #map}, {transform_indices = #map}, {transform_indices = #map1}, {transform_indices = #map}]} {
    %mul3A = arith.constant 2 : i32
    %mul3A_0 = arith.muli %arg1, %mul3A : i32
    %add3A = arith.addi %mul3A_0, %arg0 : i32
    "tpu.region"() ({
      %run_scoped3A_77 = tpu.sem_alloc : memref<!tpu.dma_semaphore, #tpu.memory_space<semaphore_mem>>
      %dma_start3A_78 = arith.constant 0 : i32
      %dma_start3A_79 = arith.constant 0 : i32
      %dma_start3A_80 = tpu.memref_slice %arg2[%add3A, %dma_start3A_78, %dma_start3A_79] : memref<32x125x80xi32, #tpu.memory_space<hbm>> -> memref<1x125x80xi32, #tpu.memory_space<hbm>>
      %dma_start3A_81 = tpu.memref_squeeze %dma_start3A_80 : memref<1x125x80xi32, #tpu.memory_space<hbm>> -> memref<125x80xi32, #tpu.memory_space<hbm>>
      %dma_start3A_82 = arith.constant 0 : i32
      %dma_start3A_83 = arith.constant 0 : i32
      %dma_start3A_84 = tpu.memref_slice %arg2[%add3A, %dma_start3A_82, %dma_start3A_83] : memref<32x125x80xi32, #tpu.memory_space<hbm>> -> memref<1x125x80xi32, #tpu.memory_space<hbm>>
      %dma_start3A_85 = tpu.memref_squeeze %dma_start3A_84 : memref<1x125x80xi32, #tpu.memory_space<hbm>> -> memref<125x80xi32, #tpu.memory_space<hbm>>
      tpu.enqueue_dma source(%dma_start3A_85 : memref<125x80xi32, #tpu.memory_space<hbm>>) target(%arg6 : memref<125x80xi32, #tpu.memory_space<vmem>>) target_semaphore(%run_scoped3A_77 : memref<!tpu.dma_semaphore, #tpu.memory_space<semaphore_mem>>)
      %dma_wait3A_86 = arith.constant 0 : i32
      %dma_wait3A_87 = arith.constant 0 : i32
      %dma_wait3A_88 = tpu.memref_slice %arg2[%add3A, %dma_wait3A_86, %dma_wait3A_87] : memref<32x125x80xi32, #tpu.memory_space<hbm>> -> memref<1x125x80xi32, #tpu.memory_space<hbm>>
      %dma_wait3A_89 = tpu.memref_squeeze %dma_wait3A_88 : memref<1x125x80xi32, #tpu.memory_space<hbm>> -> memref<125x80xi32, #tpu.memory_space<hbm>>
      %dma_wait3A_90 = arith.constant 0 : i32
      %dma_wait3A_91 = arith.constant 0 : i32
      %dma_wait3A_92 = tpu.memref_slice %arg2[%add3A, %dma_wait3A_90, %dma_wait3A_91] : memref<32x125x80xi32, #tpu.memory_space<hbm>> -> memref<1x125x80xi32, #tpu.memory_space<hbm>>
      %dma_wait3A_93 = tpu.memref_squeeze %dma_wait3A_92 : memref<1x125x80xi32, #tpu.memory_space<hbm>> -> memref<125x80xi32, #tpu.memory_space<hbm>>
      tpu.wait_dma2 semaphore(%run_scoped3A_77 : memref<!tpu.dma_semaphore, #tpu.memory_space<semaphore_mem>>) src(%dma_wait3A_93 : memref<125x80xi32, #tpu.memory_space<hbm>>) dst(%arg6 : memref<125x80xi32, #tpu.memory_space<vmem>>)
      tpu.yield
    }) : () -> ()
    "tpu.region"() ({
      %run_scoped3A_77 = tpu.sem_alloc : memref<!tpu.dma_semaphore, #tpu.memory_space<semaphore_mem>>
      %dma_start3A_78 = arith.constant 0 : i32
      %dma_start3A_79 = arith.constant 0 : i32
      %dma_start3A_80 = tpu.memref_slice %arg3[%add3A, %dma_start3A_78, %dma_start3A_79] : memref<32x125x80xi32, #tpu.memory_space<hbm>> -> memref<1x125x80xi32, #tpu.memory_space<hbm>>
      %dma_start3A_81 = tpu.memref_squeeze %dma_start3A_80 : memref<1x125x80xi32, #tpu.memory_space<hbm>> -> memref<125x80xi32, #tpu.memory_space<hbm>>
      %dma_start3A_82 = arith.constant 0 : i32
      %dma_start3A_83 = arith.constant 0 : i32
      %dma_start3A_84 = tpu.memref_slice %arg3[%add3A, %dma_start3A_82, %dma_start3A_83] : memref<32x125x80xi32, #tpu.memory_space<hbm>> -> memref<1x125x80xi32, #tpu.memory_space<hbm>>
      %dma_start3A_85 = tpu.memref_squeeze %dma_start3A_84 : memref<1x125x80xi32, #tpu.memory_space<hbm>> -> memref<125x80xi32, #tpu.memory_space<hbm>>
      tpu.enqueue_dma source(%dma_start3A_85 : memref<125x80xi32, #tpu.memory_space<hbm>>) target(%arg7 : memref<125x80xi32, #tpu.memory_space<vmem>>) target_semaphore(%run_scoped3A_77 : memref<!tpu.dma_semaphore, #tpu.memory_space<semaphore_mem>>)
      %dma_wait3A_86 = arith.constant 0 : i32
      %dma_wait3A_87 = arith.constant 0 : i32
      %dma_wait3A_88 = tpu.memref_slice %arg3[%add3A, %dma_wait3A_86, %dma_wait3A_87] : memref<32x125x80xi32, #tpu.memory_space<hbm>> -> memref<1x125x80xi32, #tpu.memory_space<hbm>>
      %dma_wait3A_89 = tpu.memref_squeeze %dma_wait3A_88 : memref<1x125x80xi32, #tpu.memory_space<hbm>> -> memref<125x80xi32, #tpu.memory_space<hbm>>
      %dma_wait3A_90 = arith.constant 0 : i32
      %dma_wait3A_91 = arith.constant 0 : i32
      %dma_wait3A_92 = tpu.memref_slice %arg3[%add3A, %dma_wait3A_90, %dma_wait3A_91] : memref<32x125x80xi32, #tpu.memory_space<hbm>> -> memref<1x125x80xi32, #tpu.memory_space<hbm>>
      %dma_wait3A_93 = tpu.memref_squeeze %dma_wait3A_92 : memref<1x125x80xi32, #tpu.memory_space<hbm>> -> memref<125x80xi32, #tpu.memory_space<hbm>>
      tpu.wait_dma2 semaphore(%run_scoped3A_77 : memref<!tpu.dma_semaphore, #tpu.memory_space<semaphore_mem>>) src(%dma_wait3A_93 : memref<125x80xi32, #tpu.memory_space<hbm>>) dst(%arg7 : memref<125x80xi32, #tpu.memory_space<vmem>>)
      tpu.yield
    }) : () -> ()
    %broadcast_in_dim3A = arith.constant 0.000000e+00 : f32
    %broadcast_in_dim3A_1 = vector.broadcast %broadcast_in_dim3A : f32 to vector<16xf32>
    %scan3A = arith.constant 0 : i32
    %scan3A_2 = arith.constant 0 : i32
    %scan3A_3 = arith.constant 80 : i32
    %scan3A_4 = arith.addi %scan3A_2, %scan3A_3 : i32
    %scan3A_5 = arith.constant 1 : i32
    scf.for %scan3A_77 = %scan3A_2 to %scan3A_4 step %scan3A_5  : i32 {
      %swap3A = arith.index_cast %scan3A_77 : i32 to index
      %swap3A_78 = arith.constant 0 : index
      %swap3A_79 = tpu.vector_load %arg8[%swap3A, %swap3A_78] {strides = array<i32>} : memref<80x32xf32, #tpu.memory_space<vmem>>, vector<1x16xf32>,
      %swap3A_80 = vector.shape_cast %swap3A_79 : vector<1x16xf32> to vector<16xf32>
      %swap3A_81 = vector.shape_cast %broadcast_in_dim3A_1 : vector<16xf32> to vector<1x16xf32>
      tpu.vector_store %arg8[%swap3A, %swap3A_78], %swap3A_81 {strides = array<i32>} : memref<80x32xf32, #tpu.memory_space<vmem>>, vector<1x16xf32>,
      %swap3A_82 = arith.index_cast %scan3A_77 : i32 to index
      %swap3A_83 = arith.constant 16 : index
      %swap3A_84 = tpu.vector_load %arg8[%swap3A_82, %swap3A_83] {strides = array<i32>} : memref<80x32xf32, #tpu.memory_space<vmem>>, vector<1x16xf32>,
      %swap3A_85 = vector.shape_cast %swap3A_84 : vector<1x16xf32> to vector<16xf32>
      %swap3A_86 = vector.shape_cast %broadcast_in_dim3A_1 : vector<16xf32> to vector<1x16xf32>
      tpu.vector_store %arg8[%swap3A_82, %swap3A_83], %swap3A_86 {strides = array<i32>} : memref<80x32xf32, #tpu.memory_space<vmem>>, vector<1x16xf32>,
    }
    %scan3A_6 = arith.constant 80 : i32
    %mul3A_7 = arith.constant 640 : i32
    %mul3A_8 = arith.muli %arg1, %mul3A_7 : i32
    %add3A_9 = arith.constant 0 : i32
    %add3A_10 = arith.addi %mul3A_8, %add3A_9 : i32
    "tpu.region"() ({
      %run_scoped3A_77 = tpu.sem_alloc : memref<!tpu.dma_semaphore, #tpu.memory_space<semaphore_mem>>
      %dma_start3A_78 = arith.constant 0 : i32
      %dma_start3A_79 = tpu.memref_slice %arg11[%add3A_10, %dma_start3A_78] : memref<10240x32xf32, #tpu.memory_space<vmem_shared>> -> memref<80x32xf32, #tpu.memory_space<vmem_shared>>
      %dma_start3A_80 = arith.constant 0 : i32
      %dma_start3A_81 = tpu.memref_slice %arg11[%add3A_10, %dma_start3A_80] : memref<10240x32xf32, #tpu.memory_space<vmem_shared>> -> memref<80x32xf32, #tpu.memory_space<vmem_shared>>
      tpu.enqueue_dma source(%arg8 : memref<80x32xf32, #tpu.memory_space<vmem>>) target(%dma_start3A_81 : memref<80x32xf32, #tpu.memory_space<vmem_shared>>) target_semaphore(%run_scoped3A_77 : memref<!tpu.dma_semaphore, #tpu.memory_space<semaphore_mem>>)
      %dma_wait3A_82 = arith.constant 0 : i32
      %dma_wait3A_83 = tpu.memref_slice %arg11[%add3A_10, %dma_wait3A_82] : memref<10240x32xf32, #tpu.memory_space<vmem_shared>> -> memref<80x32xf32, #tpu.memory_space<vmem_shared>>
      %dma_wait3A_84 = arith.constant 0 : i32
      %dma_wait3A_85 = tpu.memref_slice %arg11[%add3A_10, %dma_wait3A_84] : memref<10240x32xf32, #tpu.memory_space<vmem_shared>> -> memref<80x32xf32, #tpu.memory_space<vmem_shared>>
      tpu.wait_dma2 semaphore(%run_scoped3A_77 : memref<!tpu.dma_semaphore, #tpu.memory_space<semaphore_mem>>) src(%arg8 : memref<80x32xf32, #tpu.memory_space<vmem>>) dst(%dma_wait3A_85 : memref<80x32xf32, #tpu.memory_space<vmem_shared>>)
      tpu.yield
    }) : () -> ()
    %mul3A_11 = arith.constant 640 : i32
    %mul3A_12 = arith.muli %arg1, %mul3A_11 : i32
    %add3A_13 = arith.constant 80 : i32
    %add3A_14 = arith.addi %mul3A_12, %add3A_13 : i32
    "tpu.region"() ({
      %run_scoped3A_77 = tpu.sem_alloc : memref<!tpu.dma_semaphore, #tpu.memory_space<semaphore_mem>>
      %dma_start3A_78 = arith.constant 0 : i32
      %dma_start3A_79 = tpu.memref_slice %arg11[%add3A_14, %dma_start3A_78] : memref<10240x32xf32, #tpu.memory_space<vmem_shared>> -> memref<80x32xf32, #tpu.memory_space<vmem_shared>>
      %dma_start3A_80 = arith.constant 0 : i32
      %dma_start3A_81 = tpu.memref_slice %arg11[%add3A_14, %dma_start3A_80] : memref<10240x32xf32, #tpu.memory_space<vmem_shared>> -> memref<80x32xf32, #tpu.memory_space<vmem_shared>>
      tpu.enqueue_dma source(%arg8 : memref<80x32xf32, #tpu.memory_space<vmem>>) target(%dma_start3A_81 : memref<80x32xf32, #tpu.memory_space<vmem_shared>>) target_semaphore(%run_scoped3A_77 : memref<!tpu.dma_semaphore, #tpu.memory_space<semaphore_mem>>)
      %dma_wait3A_82 = arith.constant 0 : i32
      %dma_wait3A_83 = tpu.memref_slice %arg11[%add3A_14, %dma_wait3A_82] : memref<10240x32xf32, #tpu.memory_space<vmem_shared>> -> memref<80x32xf32, #tpu.memory_space<vmem_shared>>
      %dma_wait3A_84 = arith.constant 0 : i32
      %dma_wait3A_85 = tpu.memref_slice %arg11[%add3A_14, %dma_wait3A_84] : memref<10240x32xf32, #tpu.memory_space<vmem_shared>> -> memref<80x32xf32, #tpu.memory_space<vmem_shared>>
      tpu.wait_dma2 semaphore(%run_scoped3A_77 : memref<!tpu.dma_semaphore, #tpu.memory_space<semaphore_mem>>) src(%arg8 : memref<80x32xf32, #tpu.memory_space<vmem>>) dst(%dma_wait3A_85 : memref<80x32xf32, #tpu.memory_space<vmem_shared>>)
      tpu.yield
    }) : () -> ()
    %mul3A_15 = arith.constant 640 : i32
    %mul3A_16 = arith.muli %arg1, %mul3A_15 : i32
    %add3A_17 = arith.constant 160 : i32
    %add3A_18 = arith.addi %mul3A_16, %add3A_17 : i32
    "tpu.region"() ({
      %run_scoped3A_77 = tpu.sem_alloc : memref<!tpu.dma_semaphore, #tpu.memory_space<semaphore_mem>>
      %dma_start3A_78 = arith.constant 0 : i32
      %dma_start3A_79 = tpu.memref_slice %arg11[%add3A_18, %dma_start3A_78] : memref<10240x32xf32, #tpu.memory_space<vmem_shared>> -> memref<80x32xf32, #tpu.memory_space<vmem_shared>>
      %dma_start3A_80 = arith.constant 0 : i32
      %dma_start3A_81 = tpu.memref_slice %arg11[%add3A_18, %dma_start3A_80] : memref<10240x32xf32, #tpu.memory_space<vmem_shared>> -> memref<80x32xf32, #tpu.memory_space<vmem_shared>>
      tpu.enqueue_dma source(%arg8 : memref<80x32xf32, #tpu.memory_space<vmem>>) target(%dma_start3A_81 : memref<80x32xf32, #tpu.memory_space<vmem_shared>>) target_semaphore(%run_scoped3A_77 : memref<!tpu.dma_semaphore, #tpu.memory_space<semaphore_mem>>)
      %dma_wait3A_82 = arith.constant 0 : i32
      %dma_wait3A_83 = tpu.memref_slice %arg11[%add3A_18, %dma_wait3A_82] : memref<10240x32xf32, #tpu.memory_space<vmem_shared>> -> memref<80x32xf32, #tpu.memory_space<vmem_shared>>
      %dma_wait3A_84 = arith.constant 0 : i32
      %dma_wait3A_85 = tpu.memref_slice %arg11[%add3A_18, %dma_wait3A_84] : memref<10240x32xf32, #tpu.memory_space<vmem_shared>> -> memref<80x32xf32, #tpu.memory_space<vmem_shared>>
      tpu.wait_dma2 semaphore(%run_scoped3A_77 : memref<!tpu.dma_semaphore, #tpu.memory_space<semaphore_mem>>) src(%arg8 : memref<80x32xf32, #tpu.memory_space<vmem>>) dst(%dma_wait3A_85 : memref<80x32xf32, #tpu.memory_space<vmem_shared>>)
      tpu.yield
    }) : () -> ()
    %mul3A_19 = arith.constant 640 : i32
    %mul3A_20 = arith.muli %arg1, %mul3A_19 : i32
    %add3A_21 = arith.constant 240 : i32
    %add3A_22 = arith.addi %mul3A_20, %add3A_21 : i32
    "tpu.region"() ({
      %run_scoped3A_77 = tpu.sem_alloc : memref<!tpu.dma_semaphore, #tpu.memory_space<semaphore_mem>>
      %dma_start3A_78 = arith.constant 0 : i32
      %dma_start3A_79 = tpu.memref_slice %arg11[%add3A_22, %dma_start3A_78] : memref<10240x32xf32, #tpu.memory_space<vmem_shared>> -> memref<80x32xf32, #tpu.memory_space<vmem_shared>>
      %dma_start3A_80 = arith.constant 0 : i32
      %dma_start3A_81 = tpu.memref_slice %arg11[%add3A_22, %dma_start3A_80] : memref<10240x32xf32, #tpu.memory_space<vmem_shared>> -> memref<80x32xf32, #tpu.memory_space<vmem_shared>>
      tpu.enqueue_dma source(%arg8 : memref<80x32xf32, #tpu.memory_space<vmem>>) target(%dma_start3A_81 : memref<80x32xf32, #tpu.memory_space<vmem_shared>>) target_semaphore(%run_scoped3A_77 : memref<!tpu.dma_semaphore, #tpu.memory_space<semaphore_mem>>)
      %dma_wait3A_82 = arith.constant 0 : i32
      %dma_wait3A_83 = tpu.memref_slice %arg11[%add3A_22, %dma_wait3A_82] : memref<10240x32xf32, #tpu.memory_space<vmem_shared>> -> memref<80x32xf32, #tpu.memory_space<vmem_shared>>
      %dma_wait3A_84 = arith.constant 0 : i32
      %dma_wait3A_85 = tpu.memref_slice %arg11[%add3A_22, %dma_wait3A_84] : memref<10240x32xf32, #tpu.memory_space<vmem_shared>> -> memref<80x32xf32, #tpu.memory_space<vmem_shared>>
      tpu.wait_dma2 semaphore(%run_scoped3A_77 : memref<!tpu.dma_semaphore, #tpu.memory_space<semaphore_mem>>) src(%arg8 : memref<80x32xf32, #tpu.memory_space<vmem>>) dst(%dma_wait3A_85 : memref<80x32xf32, #tpu.memory_space<vmem_shared>>)
      tpu.yield
    }) : () -> ()
    %mul3A_23 = arith.constant 640 : i32
    %mul3A_24 = arith.muli %arg1, %mul3A_23 : i32
    %add3A_25 = arith.constant 320 : i32
    %add3A_26 = arith.addi %mul3A_24, %add3A_25 : i32
    "tpu.region"() ({
      %run_scoped3A_77 = tpu.sem_alloc : memref<!tpu.dma_semaphore, #tpu.memory_space<semaphore_mem>>
      %dma_start3A_78 = arith.constant 0 : i32
      %dma_start3A_79 = tpu.memref_slice %arg11[%add3A_26, %dma_start3A_78] : memref<10240x32xf32, #tpu.memory_space<vmem_shared>> -> memref<80x32xf32, #tpu.memory_space<vmem_shared>>
      %dma_start3A_80 = arith.constant 0 : i32
      %dma_start3A_81 = tpu.memref_slice %arg11[%add3A_26, %dma_start3A_80] : memref<10240x32xf32, #tpu.memory_space<vmem_shared>> -> memref<80x32xf32, #tpu.memory_space<vmem_shared>>
      tpu.enqueue_dma source(%arg8 : memref<80x32xf32, #tpu.memory_space<vmem>>) target(%dma_start3A_81 : memref<80x32xf32, #tpu.memory_space<vmem_shared>>) target_semaphore(%run_scoped3A_77 : memref<!tpu.dma_semaphore, #tpu.memory_space<semaphore_mem>>)
      %dma_wait3A_82 = arith.constant 0 : i32
      %dma_wait3A_83 = tpu.memref_slice %arg11[%add3A_26, %dma_wait3A_82] : memref<10240x32xf32, #tpu.memory_space<vmem_shared>> -> memref<80x32xf32, #tpu.memory_space<vmem_shared>>
      %dma_wait3A_84 = arith.constant 0 : i32
      %dma_wait3A_85 = tpu.memref_slice %arg11[%add3A_26, %dma_wait3A_84] : memref<10240x32xf32, #tpu.memory_space<vmem_shared>> -> memref<80x32xf32, #tpu.memory_space<vmem_shared>>
      tpu.wait_dma2 semaphore(%run_scoped3A_77 : memref<!tpu.dma_semaphore, #tpu.memory_space<semaphore_mem>>) src(%arg8 : memref<80x32xf32, #tpu.memory_space<vmem>>) dst(%dma_wait3A_85 : memref<80x32xf32, #tpu.memory_space<vmem_shared>>)
      tpu.yield
    }) : () -> ()
    %mul3A_27 = arith.constant 640 : i32
    %mul3A_28 = arith.muli %arg1, %mul3A_27 : i32
    %add3A_29 = arith.constant 400 : i32
    %add3A_30 = arith.addi %mul3A_28, %add3A_29 : i32
    "tpu.region"() ({
      %run_scoped3A_77 = tpu.sem_alloc : memref<!tpu.dma_semaphore, #tpu.memory_space<semaphore_mem>>
      %dma_start3A_78 = arith.constant 0 : i32
      %dma_start3A_79 = tpu.memref_slice %arg11[%add3A_30, %dma_start3A_78] : memref<10240x32xf32, #tpu.memory_space<vmem_shared>> -> memref<80x32xf32, #tpu.memory_space<vmem_shared>>
      %dma_start3A_80 = arith.constant 0 : i32
      %dma_start3A_81 = tpu.memref_slice %arg11[%add3A_30, %dma_start3A_80] : memref<10240x32xf32, #tpu.memory_space<vmem_shared>> -> memref<80x32xf32, #tpu.memory_space<vmem_shared>>
      tpu.enqueue_dma source(%arg8 : memref<80x32xf32, #tpu.memory_space<vmem>>) target(%dma_start3A_81 : memref<80x32xf32, #tpu.memory_space<vmem_shared>>) target_semaphore(%run_scoped3A_77 : memref<!tpu.dma_semaphore, #tpu.memory_space<semaphore_mem>>)
      %dma_wait3A_82 = arith.constant 0 : i32
      %dma_wait3A_83 = tpu.memref_slice %arg11[%add3A_30, %dma_wait3A_82] : memref<10240x32xf32, #tpu.memory_space<vmem_shared>> -> memref<80x32xf32, #tpu.memory_space<vmem_shared>>
      %dma_wait3A_84 = arith.constant 0 : i32
      %dma_wait3A_85 = tpu.memref_slice %arg11[%add3A_30, %dma_wait3A_84] : memref<10240x32xf32, #tpu.memory_space<vmem_shared>> -> memref<80x32xf32, #tpu.memory_space<vmem_shared>>
      tpu.wait_dma2 semaphore(%run_scoped3A_77 : memref<!tpu.dma_semaphore, #tpu.memory_space<semaphore_mem>>) src(%arg8 : memref<80x32xf32, #tpu.memory_space<vmem>>) dst(%dma_wait3A_85 : memref<80x32xf32, #tpu.memory_space<vmem_shared>>)
      tpu.yield
    }) : () -> ()
    %mul3A_31 = arith.constant 640 : i32
    %mul3A_32 = arith.muli %arg1, %mul3A_31 : i32
    %add3A_33 = arith.constant 480 : i32
    %add3A_34 = arith.addi %mul3A_32, %add3A_33 : i32
    "tpu.region"() ({
      %run_scoped3A_77 = tpu.sem_alloc : memref<!tpu.dma_semaphore, #tpu.memory_space<semaphore_mem>>
      %dma_start3A_78 = arith.constant 0 : i32
      %dma_start3A_79 = tpu.memref_slice %arg11[%add3A_34, %dma_start3A_78] : memref<10240x32xf32, #tpu.memory_space<vmem_shared>> -> memref<80x32xf32, #tpu.memory_space<vmem_shared>>
      %dma_start3A_80 = arith.constant 0 : i32
      %dma_start3A_81 = tpu.memref_slice %arg11[%add3A_34, %dma_start3A_80] : memref<10240x32xf32, #tpu.memory_space<vmem_shared>> -> memref<80x32xf32, #tpu.memory_space<vmem_shared>>
      tpu.enqueue_dma source(%arg8 : memref<80x32xf32, #tpu.memory_space<vmem>>) target(%dma_start3A_81 : memref<80x32xf32, #tpu.memory_space<vmem_shared>>) target_semaphore(%run_scoped3A_77 : memref<!tpu.dma_semaphore, #tpu.memory_space<semaphore_mem>>)
      %dma_wait3A_82 = arith.constant 0 : i32
      %dma_wait3A_83 = tpu.memref_slice %arg11[%add3A_34, %dma_wait3A_82] : memref<10240x32xf32, #tpu.memory_space<vmem_shared>> -> memref<80x32xf32, #tpu.memory_space<vmem_shared>>
      %dma_wait3A_84 = arith.constant 0 : i32
      %dma_wait3A_85 = tpu.memref_slice %arg11[%add3A_34, %dma_wait3A_84] : memref<10240x32xf32, #tpu.memory_space<vmem_shared>> -> memref<80x32xf32, #tpu.memory_space<vmem_shared>>
      tpu.wait_dma2 semaphore(%run_scoped3A_77 : memref<!tpu.dma_semaphore, #tpu.memory_space<semaphore_mem>>) src(%arg8 : memref<80x32xf32, #tpu.memory_space<vmem>>) dst(%dma_wait3A_85 : memref<80x32xf32, #tpu.memory_space<vmem_shared>>)
      tpu.yield
    }) : () -> ()
    %mul3A_35 = arith.constant 640 : i32
    %mul3A_36 = arith.muli %arg1, %mul3A_35 : i32
    %add3A_37 = arith.constant 560 : i32
    %add3A_38 = arith.addi %mul3A_36, %add3A_37 : i32
    "tpu.region"() ({
      %run_scoped3A_77 = tpu.sem_alloc : memref<!tpu.dma_semaphore, #tpu.memory_space<semaphore_mem>>
      %dma_start3A_78 = arith.constant 0 : i32
      %dma_start3A_79 = tpu.memref_slice %arg11[%add3A_38, %dma_start3A_78] : memref<10240x32xf32, #tpu.memory_space<vmem_shared>> -> memref<80x32xf32, #tpu.memory_space<vmem_shared>>
      %dma_start3A_80 = arith.constant 0 : i32
      %dma_start3A_81 = tpu.memref_slice %arg11[%add3A_38, %dma_start3A_80] : memref<10240x32xf32, #tpu.memory_space<vmem_shared>> -> memref<80x32xf32, #tpu.memory_space<vmem_shared>>
      tpu.enqueue_dma source(%arg8 : memref<80x32xf32, #tpu.memory_space<vmem>>) target(%dma_start3A_81 : memref<80x32xf32, #tpu.memory_space<vmem_shared>>) target_semaphore(%run_scoped3A_77 : memref<!tpu.dma_semaphore, #tpu.memory_space<semaphore_mem>>)
      %dma_wait3A_82 = arith.constant 0 : i32
      %dma_wait3A_83 = tpu.memref_slice %arg11[%add3A_38, %dma_wait3A_82] : memref<10240x32xf32, #tpu.memory_space<vmem_shared>> -> memref<80x32xf32, #tpu.memory_space<vmem_shared>>
      %dma_wait3A_84 = arith.constant 0 : i32
      %dma_wait3A_85 = tpu.memref_slice %arg11[%add3A_38, %dma_wait3A_84] : memref<10240x32xf32, #tpu.memory_space<vmem_shared>> -> memref<80x32xf32, #tpu.memory_space<vmem_shared>>
      tpu.wait_dma2 semaphore(%run_scoped3A_77 : memref<!tpu.dma_semaphore, #tpu.memory_space<semaphore_mem>>) src(%arg8 : memref<80x32xf32, #tpu.memory_space<vmem>>) dst(%dma_wait3A_85 : memref<80x32xf32, #tpu.memory_space<vmem_shared>>)
      tpu.yield
    }) : () -> ()
    %barrier3A = arith.constant 0 : index
    tpu.barrier barrier_id(%barrier3A)
    %dma_start3A = arith.constant 0 : i32
    %dma_start3A_39 = arith.constant 0 : i32
    %dma_start3A_40 = tpu.memref_slice %arg6[%dma_start3A, %dma_start3A_39] : memref<125x80xi32, #tpu.memory_space<vmem>> -> memref<1x80xi32, #tpu.memory_space<vmem>>
    %dma_start3A_41 = tpu.memref_squeeze %dma_start3A_40 : memref<1x80xi32, #tpu.memory_space<vmem>> -> memref<80xi32, #tpu.memory_space<vmem>>
    %dma_start3A_42 = arith.constant 0 : i32
    %dma_start3A_43 = arith.constant 0 : i32
    %dma_start3A_44 = tpu.memref_slice %arg4[%dma_start3A_42, %dma_start3A_43] : memref<10000x32xf32, #tpu.memory_space<hbm>> -> memref<10000x32xf32, #tpu.memory_space<hbm>>
    tpu.enqueue_indirect_dma source(%dma_start3A_44 : memref<10000x32xf32, #tpu.memory_space<hbm>>) target(%arg8 : memref<80x32xf32, #tpu.memory_space<vmem>>) offsets(%dma_start3A_41 : memref<80xi32, #tpu.memory_space<vmem>>) semaphore(%arg12 : memref<!tpu.dma_semaphore, #tpu.memory_space<semaphore_mem>>)
    %dma_start3A_45 = arith.constant 1 : i32
    %dma_start3A_46 = arith.constant 0 : i32
    %dma_start3A_47 = tpu.memref_slice %arg6[%dma_start3A_45, %dma_start3A_46] : memref<125x80xi32, #tpu.memory_space<vmem>> -> memref<1x80xi32, #tpu.memory_space<vmem>>
    %dma_start3A_48 = tpu.memref_squeeze %dma_start3A_47 : memref<1x80xi32, #tpu.memory_space<vmem>> -> memref<80xi32, #tpu.memory_space<vmem>>
    %dma_start3A_49 = arith.constant 0 : i32
    %dma_start3A_50 = arith.constant 0 : i32
    %dma_start3A_51 = tpu.memref_slice %arg4[%dma_start3A_49, %dma_start3A_50] : memref<10000x32xf32, #tpu.memory_space<hbm>> -> memref<10000x32xf32, #tpu.memory_space<hbm>>
    tpu.enqueue_indirect_dma source(%dma_start3A_51 : memref<10000x32xf32, #tpu.memory_space<hbm>>) target(%arg9 : memref<80x32xf32, #tpu.memory_space<vmem>>) offsets(%dma_start3A_48 : memref<80xi32, #tpu.memory_space<vmem>>) semaphore(%arg13 : memref<!tpu.dma_semaphore, #tpu.memory_space<semaphore_mem>>)
    %scan3A_52 = arith.constant 0 : i32
    %scan3A_53 = arith.constant 0 : i32
    %scan3A_54 = arith.constant 41 : i32
    %scan3A_55 = arith.addi %scan3A_53, %scan3A_54 : i32
    %scan3A_56 = arith.constant 1 : i32
    scf.for %scan3A_77 = %scan3A_53 to %scan3A_55 step %scan3A_56  : i32 {
      %mul3A_78 = arith.constant 3 : i32
      %mul3A_79 = arith.muli %mul3A_78, %scan3A_77 : i32
      %add3A_80 = arith.constant 0 : i32
      %add3A_81 = arith.addi %mul3A_79, %add3A_80 : i32
      %add3A_82 = arith.constant 3 : i32
      %add3A_83 = arith.addi %add3A_81, %add3A_82 : i32
      %sub3A = arith.constant 1 : i32
      %sub3A_84 = arith.subi %add3A_83, %sub3A : i32
      %dma_start3A_85 = arith.constant 0 : i32
      %dma_start3A_86 = tpu.memref_slice %arg6[%sub3A_84, %dma_start3A_85] : memref<125x80xi32, #tpu.memory_space<vmem>> -> memref<1x80xi32, #tpu.memory_space<vmem>>
      %dma_start3A_87 = tpu.memref_squeeze %dma_start3A_86 : memref<1x80xi32, #tpu.memory_space<vmem>> -> memref<80xi32, #tpu.memory_space<vmem>>
      %dma_start3A_88 = arith.constant 0 : i32
      %dma_start3A_89 = arith.constant 0 : i32
      %dma_start3A_90 = tpu.memref_slice %arg4[%dma_start3A_88, %dma_start3A_89] : memref<10000x32xf32, #tpu.memory_space<hbm>> -> memref<10000x32xf32, #tpu.memory_space<hbm>>
      tpu.enqueue_indirect_dma source(%dma_start3A_90 : memref<10000x32xf32, #tpu.memory_space<hbm>>) target(%arg10 : memref<80x32xf32, #tpu.memory_space<vmem>>) offsets(%dma_start3A_87 : memref<80xi32, #tpu.memory_space<vmem>>) semaphore(%arg14 : memref<!tpu.dma_semaphore, #tpu.memory_space<semaphore_mem>>)
      %dma_wait3A_91 = arith.constant 0 : i32
      %dma_wait3A_92 = tpu.memref_slice %arg6[%add3A_81, %dma_wait3A_91] : memref<125x80xi32, #tpu.memory_space<vmem>> -> memref<1x80xi32, #tpu.memory_space<vmem>>
      %dma_wait3A_93 = tpu.memref_squeeze %dma_wait3A_92 : memref<1x80xi32, #tpu.memory_space<vmem>> -> memref<80xi32, #tpu.memory_space<vmem>>
      %dma_wait3A_94 = arith.constant 0 : i32
      %dma_wait3A_95 = arith.constant 0 : i32
      %dma_wait3A_96 = tpu.memref_slice %arg4[%dma_wait3A_94, %dma_wait3A_95] : memref<10000x32xf32, #tpu.memory_space<hbm>> -> memref<10000x32xf32, #tpu.memory_space<hbm>>
      tpu.wait_indirect_dma semaphore(%arg12 : memref<!tpu.dma_semaphore, #tpu.memory_space<semaphore_mem>>) src(%dma_wait3A_96 : memref<10000x32xf32, #tpu.memory_space<hbm>>) dst(%arg8 : memref<80x32xf32, #tpu.memory_space<vmem>>)
      "tpu.region"() ({
        %run_scoped3A_137 = tpu.sem_alloc : memref<!tpu.dma_semaphore, #tpu.memory_space<semaphore_mem>>
        %dma_start3A_138 = arith.constant 0 : i32
        %dma_start3A_139 = tpu.memref_slice %arg7[%add3A_81, %dma_start3A_138] : memref<125x80xi32, #tpu.memory_space<vmem>> -> memref<1x80xi32, #tpu.memory_space<vmem>>
        %dma_start3A_140 = tpu.memref_squeeze %dma_start3A_139 : memref<1x80xi32, #tpu.memory_space<vmem>> -> memref<80xi32, #tpu.memory_space<vmem>>
        %dma_start3A_141 = arith.constant 0 : i32
        %dma_start3A_142 = arith.constant 0 : i32
        %dma_start3A_143 = tpu.memref_slice %arg11[%dma_start3A_141, %dma_start3A_142] : memref<10240x32xf32, #tpu.memory_space<vmem_shared>> -> memref<10240x32xf32, #tpu.memory_space<vmem_shared>>
        tpu.enqueue_indirect_dma source(%arg8 : memref<80x32xf32, #tpu.memory_space<vmem>>) target(%dma_start3A_143 : memref<10240x32xf32, #tpu.memory_space<vmem_shared>>) offsets(%dma_start3A_140 : memref<80xi32, #tpu.memory_space<vmem>>) semaphore(%run_scoped3A_137 : memref<!tpu.dma_semaphore, #tpu.memory_space<semaphore_mem>>) {add = true}
        %dma_wait3A_144 = arith.constant 0 : i32
        %dma_wait3A_145 = tpu.memref_slice %arg7[%add3A_81, %dma_wait3A_144] : memref<125x80xi32, #tpu.memory_space<vmem>> -> memref<1x80xi32, #tpu.memory_space<vmem>>
        %dma_wait3A_146 = tpu.memref_squeeze %dma_wait3A_145 : memref<1x80xi32, #tpu.memory_space<vmem>> -> memref<80xi32, #tpu.memory_space<vmem>>
        %dma_wait3A_147 = arith.constant 0 : i32
        %dma_wait3A_148 = arith.constant 0 : i32
        %dma_wait3A_149 = tpu.memref_slice %arg11[%dma_wait3A_147, %dma_wait3A_148] : memref<10240x32xf32, #tpu.memory_space<vmem_shared>> -> memref<10240x32xf32, #tpu.memory_space<vmem_shared>>
        tpu.wait_indirect_dma semaphore(%run_scoped3A_137 : memref<!tpu.dma_semaphore, #tpu.memory_space<semaphore_mem>>) src(%arg8 : memref<80x32xf32, #tpu.memory_space<vmem>>) dst(%dma_wait3A_149 : memref<10240x32xf32, #tpu.memory_space<vmem_shared>>)
        tpu.yield
      }) : () -> ()
      %mul3A_97 = arith.constant 3 : i32
      %mul3A_98 = arith.muli %mul3A_97, %scan3A_77 : i32
      %add3A_99 = arith.constant 1 : i32
      %add3A_100 = arith.addi %mul3A_98, %add3A_99 : i32
      %add3A_101 = arith.constant 3 : i32
      %add3A_102 = arith.addi %add3A_100, %add3A_101 : i32
      %sub3A_103 = arith.constant 1 : i32
      %sub3A_104 = arith.subi %add3A_102, %sub3A_103 : i32
      %dma_start3A_105 = arith.constant 0 : i32
      %dma_start3A_106 = tpu.memref_slice %arg6[%sub3A_104, %dma_start3A_105] : memref<125x80xi32, #tpu.memory_space<vmem>> -> memref<1x80xi32, #tpu.memory_space<vmem>>
      %dma_start3A_107 = tpu.memref_squeeze %dma_start3A_106 : memref<1x80xi32, #tpu.memory_space<vmem>> -> memref<80xi32, #tpu.memory_space<vmem>>
      %dma_start3A_108 = arith.constant 0 : i32
      %dma_start3A_109 = arith.constant 0 : i32
      %dma_start3A_110 = tpu.memref_slice %arg4[%dma_start3A_108, %dma_start3A_109] : memref<10000x32xf32, #tpu.memory_space<hbm>> -> memref<10000x32xf32, #tpu.memory_space<hbm>>
      tpu.enqueue_indirect_dma source(%dma_start3A_110 : memref<10000x32xf32, #tpu.memory_space<hbm>>) target(%arg8 : memref<80x32xf32, #tpu.memory_space<vmem>>) offsets(%dma_start3A_107 : memref<80xi32, #tpu.memory_space<vmem>>) semaphore(%arg12 : memref<!tpu.dma_semaphore, #tpu.memory_space<semaphore_mem>>)
      %dma_wait3A_111 = arith.constant 0 : i32
      %dma_wait3A_112 = tpu.memref_slice %arg6[%add3A_100, %dma_wait3A_111] : memref<125x80xi32, #tpu.memory_space<vmem>> -> memref<1x80xi32, #tpu.memory_space<vmem>>
      %dma_wait3A_113 = tpu.memref_squeeze %dma_wait3A_112 : memref<1x80xi32, #tpu.memory_space<vmem>> -> memref<80xi32, #tpu.memory_space<vmem>>
      %dma_wait3A_114 = arith.constant 0 : i32
      %dma_wait3A_115 = arith.constant 0 : i32
      %dma_wait3A_116 = tpu.memref_slice %arg4[%dma_wait3A_114, %dma_wait3A_115] : memref<10000x32xf32, #tpu.memory_space<hbm>> -> memref<10000x32xf32, #tpu.memory_space<hbm>>
      tpu.wait_indirect_dma semaphore(%arg13 : memref<!tpu.dma_semaphore, #tpu.memory_space<semaphore_mem>>) src(%dma_wait3A_116 : memref<10000x32xf32, #tpu.memory_space<hbm>>) dst(%arg9 : memref<80x32xf32, #tpu.memory_space<vmem>>)
      "tpu.region"() ({
        %run_scoped3A_137 = tpu.sem_alloc : memref<!tpu.dma_semaphore, #tpu.memory_space<semaphore_mem>>
        %dma_start3A_138 = arith.constant 0 : i32
        %dma_start3A_139 = tpu.memref_slice %arg7[%add3A_100, %dma_start3A_138] : memref<125x80xi32, #tpu.memory_space<vmem>> -> memref<1x80xi32, #tpu.memory_space<vmem>>
        %dma_start3A_140 = tpu.memref_squeeze %dma_start3A_139 : memref<1x80xi32, #tpu.memory_space<vmem>> -> memref<80xi32, #tpu.memory_space<vmem>>
        %dma_start3A_141 = arith.constant 0 : i32
        %dma_start3A_142 = arith.constant 0 : i32
        %dma_start3A_143 = tpu.memref_slice %arg11[%dma_start3A_141, %dma_start3A_142] : memref<10240x32xf32, #tpu.memory_space<vmem_shared>> -> memref<10240x32xf32, #tpu.memory_space<vmem_shared>>
        tpu.enqueue_indirect_dma source(%arg9 : memref<80x32xf32, #tpu.memory_space<vmem>>) target(%dma_start3A_143 : memref<10240x32xf32, #tpu.memory_space<vmem_shared>>) offsets(%dma_start3A_140 : memref<80xi32, #tpu.memory_space<vmem>>) semaphore(%run_scoped3A_137 : memref<!tpu.dma_semaphore, #tpu.memory_space<semaphore_mem>>) {add = true}
        %dma_wait3A_144 = arith.constant 0 : i32
        %dma_wait3A_145 = tpu.memref_slice %arg7[%add3A_100, %dma_wait3A_144] : memref<125x80xi32, #tpu.memory_space<vmem>> -> memref<1x80xi32, #tpu.memory_space<vmem>>
        %dma_wait3A_146 = tpu.memref_squeeze %dma_wait3A_145 : memref<1x80xi32, #tpu.memory_space<vmem>> -> memref<80xi32, #tpu.memory_space<vmem>>
        %dma_wait3A_147 = arith.constant 0 : i32
        %dma_wait3A_148 = arith.constant 0 : i32
        %dma_wait3A_149 = tpu.memref_slice %arg11[%dma_wait3A_147, %dma_wait3A_148] : memref<10240x32xf32, #tpu.memory_space<vmem_shared>> -> memref<10240x32xf32, #tpu.memory_space<vmem_shared>>
        tpu.wait_indirect_dma semaphore(%run_scoped3A_137 : memref<!tpu.dma_semaphore, #tpu.memory_space<semaphore_mem>>) src(%arg9 : memref<80x32xf32, #tpu.memory_space<vmem>>) dst(%dma_wait3A_149 : memref<10240x32xf32, #tpu.memory_space<vmem_shared>>)
        tpu.yield
      }) : () -> ()
      %mul3A_117 = arith.constant 3 : i32
      %mul3A_118 = arith.muli %mul3A_117, %scan3A_77 : i32
      %add3A_119 = arith.constant 2 : i32
      %add3A_120 = arith.addi %mul3A_118, %add3A_119 : i32
      %add3A_121 = arith.constant 3 : i32
      %add3A_122 = arith.addi %add3A_120, %add3A_121 : i32
      %sub3A_123 = arith.constant 1 : i32
      %sub3A_124 = arith.subi %add3A_122, %sub3A_123 : i32
      %dma_start3A_125 = arith.constant 0 : i32
      %dma_start3A_126 = tpu.memref_slice %arg6[%sub3A_124, %dma_start3A_125] : memref<125x80xi32, #tpu.memory_space<vmem>> -> memref<1x80xi32, #tpu.memory_space<vmem>>
      %dma_start3A_127 = tpu.memref_squeeze %dma_start3A_126 : memref<1x80xi32, #tpu.memory_space<vmem>> -> memref<80xi32, #tpu.memory_space<vmem>>
      %dma_start3A_128 = arith.constant 0 : i32
      %dma_start3A_129 = arith.constant 0 : i32
      %dma_start3A_130 = tpu.memref_slice %arg4[%dma_start3A_128, %dma_start3A_129] : memref<10000x32xf32, #tpu.memory_space<hbm>> -> memref<10000x32xf32, #tpu.memory_space<hbm>>
      tpu.enqueue_indirect_dma source(%dma_start3A_130 : memref<10000x32xf32, #tpu.memory_space<hbm>>) target(%arg9 : memref<80x32xf32, #tpu.memory_space<vmem>>) offsets(%dma_start3A_127 : memref<80xi32, #tpu.memory_space<vmem>>) semaphore(%arg13 : memref<!tpu.dma_semaphore, #tpu.memory_space<semaphore_mem>>)
      %dma_wait3A_131 = arith.constant 0 : i32
      %dma_wait3A_132 = tpu.memref_slice %arg6[%add3A_120, %dma_wait3A_131] : memref<125x80xi32, #tpu.memory_space<vmem>> -> memref<1x80xi32, #tpu.memory_space<vmem>>
      %dma_wait3A_133 = tpu.memref_squeeze %dma_wait3A_132 : memref<1x80xi32, #tpu.memory_space<vmem>> -> memref<80xi32, #tpu.memory_space<vmem>>
      %dma_wait3A_134 = arith.constant 0 : i32
      %dma_wait3A_135 = arith.constant 0 : i32
      %dma_wait3A_136 = tpu.memref_slice %arg4[%dma_wait3A_134, %dma_wait3A_135] : memref<10000x32xf32, #tpu.memory_space<hbm>> -> memref<10000x32xf32, #tpu.memory_space<hbm>>
      tpu.wait_indirect_dma semaphore(%arg14 : memref<!tpu.dma_semaphore, #tpu.memory_space<semaphore_mem>>) src(%dma_wait3A_136 : memref<10000x32xf32, #tpu.memory_space<hbm>>) dst(%arg10 : memref<80x32xf32, #tpu.memory_space<vmem>>)
      "tpu.region"() ({
        %run_scoped3A_137 = tpu.sem_alloc : memref<!tpu.dma_semaphore, #tpu.memory_space<semaphore_mem>>
        %dma_start3A_138 = arith.constant 0 : i32
        %dma_start3A_139 = tpu.memref_slice %arg7[%add3A_120, %dma_start3A_138] : memref<125x80xi32, #tpu.memory_space<vmem>> -> memref<1x80xi32, #tpu.memory_space<vmem>>
        %dma_start3A_140 = tpu.memref_squeeze %dma_start3A_139 : memref<1x80xi32, #tpu.memory_space<vmem>> -> memref<80xi32, #tpu.memory_space<vmem>>
        %dma_start3A_141 = arith.constant 0 : i32
        %dma_start3A_142 = arith.constant 0 : i32
        %dma_start3A_143 = tpu.memref_slice %arg11[%dma_start3A_141, %dma_start3A_142] : memref<10240x32xf32, #tpu.memory_space<vmem_shared>> -> memref<10240x32xf32, #tpu.memory_space<vmem_shared>>
        tpu.enqueue_indirect_dma source(%arg10 : memref<80x32xf32, #tpu.memory_space<vmem>>) target(%dma_start3A_143 : memref<10240x32xf32, #tpu.memory_space<vmem_shared>>) offsets(%dma_start3A_140 : memref<80xi32, #tpu.memory_space<vmem>>) semaphore(%run_scoped3A_137 : memref<!tpu.dma_semaphore, #tpu.memory_space<semaphore_mem>>) {add = true}
        %dma_wait3A_144 = arith.constant 0 : i32
        %dma_wait3A_145 = tpu.memref_slice %arg7[%add3A_120, %dma_wait3A_144] : memref<125x80xi32, #tpu.memory_space<vmem>> -> memref<1x80xi32, #tpu.memory_space<vmem>>
        %dma_wait3A_146 = tpu.memref_squeeze %dma_wait3A_145 : memref<1x80xi32, #tpu.memory_space<vmem>> -> memref<80xi32, #tpu.memory_space<vmem>>
        %dma_wait3A_147 = arith.constant 0 : i32
        %dma_wait3A_148 = arith.constant 0 : i32
        %dma_wait3A_149 = tpu.memref_slice %arg11[%dma_wait3A_147, %dma_wait3A_148] : memref<10240x32xf32, #tpu.memory_space<vmem_shared>> -> memref<10240x32xf32, #tpu.memory_space<vmem_shared>>
        tpu.wait_indirect_dma semaphore(%run_scoped3A_137 : memref<!tpu.dma_semaphore, #tpu.memory_space<semaphore_mem>>) src(%arg10 : memref<80x32xf32, #tpu.memory_space<vmem>>) dst(%dma_wait3A_149 : memref<10240x32xf32, #tpu.memory_space<vmem_shared>>)
        tpu.yield
      }) : () -> ()
    }
    %scan3A_57 = arith.constant 41 : i32
    %dma_wait3A = arith.constant 123 : i32
    %dma_wait3A_58 = arith.constant 0 : i32
    %dma_wait3A_59 = tpu.memref_slice %arg6[%dma_wait3A, %dma_wait3A_58] : memref<125x80xi32, #tpu.memory_space<vmem>> -> memref<1x80xi32, #tpu.memory_space<vmem>>
    %dma_wait3A_60 = tpu.memref_squeeze %dma_wait3A_59 : memref<1x80xi32, #tpu.memory_space<vmem>> -> memref<80xi32, #tpu.memory_space<vmem>>
    %dma_wait3A_61 = arith.constant 0 : i32
    %dma_wait3A_62 = arith.constant 0 : i32
    %dma_wait3A_63 = tpu.memref_slice %arg4[%dma_wait3A_61, %dma_wait3A_62] : memref<10000x32xf32, #tpu.memory_space<hbm>> -> memref<10000x32xf32, #tpu.memory_space<hbm>>
    tpu.wait_indirect_dma semaphore(%arg12 : memref<!tpu.dma_semaphore, #tpu.memory_space<semaphore_mem>>) src(%dma_wait3A_63 : memref<10000x32xf32, #tpu.memory_space<hbm>>) dst(%arg8 : memref<80x32xf32, #tpu.memory_space<vmem>>)
    %run_scoped3A = arith.constant 123 : i32
    "tpu.region"() ({
      %run_scoped3A_77 = tpu.sem_alloc : memref<!tpu.dma_semaphore, #tpu.memory_space<semaphore_mem>>
      %dma_start3A_78 = arith.constant 0 : i32
      %dma_start3A_79 = tpu.memref_slice %arg7[%run_scoped3A, %dma_start3A_78] : memref<125x80xi32, #tpu.memory_space<vmem>> -> memref<1x80xi32, #tpu.memory_space<vmem>>
      %dma_start3A_80 = tpu.memref_squeeze %dma_start3A_79 : memref<1x80xi32, #tpu.memory_space<vmem>> -> memref<80xi32, #tpu.memory_space<vmem>>
      %dma_start3A_81 = arith.constant 0 : i32
      %dma_start3A_82 = arith.constant 0 : i32
      %dma_start3A_83 = tpu.memref_slice %arg11[%dma_start3A_81, %dma_start3A_82] : memref<10240x32xf32, #tpu.memory_space<vmem_shared>> -> memref<10240x32xf32, #tpu.memory_space<vmem_shared>>
      tpu.enqueue_indirect_dma source(%arg8 : memref<80x32xf32, #tpu.memory_space<vmem>>) target(%dma_start3A_83 : memref<10240x32xf32, #tpu.memory_space<vmem_shared>>) offsets(%dma_start3A_80 : memref<80xi32, #tpu.memory_space<vmem>>) semaphore(%run_scoped3A_77 : memref<!tpu.dma_semaphore, #tpu.memory_space<semaphore_mem>>) {add = true}
      %dma_wait3A_84 = arith.constant 0 : i32
      %dma_wait3A_85 = tpu.memref_slice %arg7[%run_scoped3A, %dma_wait3A_84] : memref<125x80xi32, #tpu.memory_space<vmem>> -> memref<1x80xi32, #tpu.memory_space<vmem>>
      %dma_wait3A_86 = tpu.memref_squeeze %dma_wait3A_85 : memref<1x80xi32, #tpu.memory_space<vmem>> -> memref<80xi32, #tpu.memory_space<vmem>>
      %dma_wait3A_87 = arith.constant 0 : i32
      %dma_wait3A_88 = arith.constant 0 : i32
      %dma_wait3A_89 = tpu.memref_slice %arg11[%dma_wait3A_87, %dma_wait3A_88] : memref<10240x32xf32, #tpu.memory_space<vmem_shared>> -> memref<10240x32xf32, #tpu.memory_space<vmem_shared>>
      tpu.wait_indirect_dma semaphore(%run_scoped3A_77 : memref<!tpu.dma_semaphore, #tpu.memory_space<semaphore_mem>>) src(%arg8 : memref<80x32xf32, #tpu.memory_space<vmem>>) dst(%dma_wait3A_89 : memref<10240x32xf32, #tpu.memory_space<vmem_shared>>)
      tpu.yield
    }) : () -> ()
    %dma_wait3A_64 = arith.constant 124 : i32
    %dma_wait3A_65 = arith.constant 0 : i32
    %dma_wait3A_66 = tpu.memref_slice %arg6[%dma_wait3A_64, %dma_wait3A_65] : memref<125x80xi32, #tpu.memory_space<vmem>> -> memref<1x80xi32, #tpu.memory_space<vmem>>
    %dma_wait3A_67 = tpu.memref_squeeze %dma_wait3A_66 : memref<1x80xi32, #tpu.memory_space<vmem>> -> memref<80xi32, #tpu.memory_space<vmem>>
    %dma_wait3A_68 = arith.constant 0 : i32
    %dma_wait3A_69 = arith.constant 0 : i32
    %dma_wait3A_70 = tpu.memref_slice %arg4[%dma_wait3A_68, %dma_wait3A_69] : memref<10000x32xf32, #tpu.memory_space<hbm>> -> memref<10000x32xf32, #tpu.memory_space<hbm>>
    tpu.wait_indirect_dma semaphore(%arg13 : memref<!tpu.dma_semaphore, #tpu.memory_space<semaphore_mem>>) src(%dma_wait3A_70 : memref<10000x32xf32, #tpu.memory_space<hbm>>) dst(%arg9 : memref<80x32xf32, #tpu.memory_space<vmem>>)
    %run_scoped3A_71 = arith.constant 124 : i32
    "tpu.region"() ({
      %run_scoped3A_77 = tpu.sem_alloc : memref<!tpu.dma_semaphore, #tpu.memory_space<semaphore_mem>>
      %dma_start3A_78 = arith.constant 0 : i32
      %dma_start3A_79 = tpu.memref_slice %arg7[%run_scoped3A_71, %dma_start3A_78] : memref<125x80xi32, #tpu.memory_space<vmem>> -> memref<1x80xi32, #tpu.memory_space<vmem>>
      %dma_start3A_80 = tpu.memref_squeeze %dma_start3A_79 : memref<1x80xi32, #tpu.memory_space<vmem>> -> memref<80xi32, #tpu.memory_space<vmem>>
      %dma_start3A_81 = arith.constant 0 : i32
      %dma_start3A_82 = arith.constant 0 : i32
      %dma_start3A_83 = tpu.memref_slice %arg11[%dma_start3A_81, %dma_start3A_82] : memref<10240x32xf32, #tpu.memory_space<vmem_shared>> -> memref<10240x32xf32, #tpu.memory_space<vmem_shared>>
      tpu.enqueue_indirect_dma source(%arg9 : memref<80x32xf32, #tpu.memory_space<vmem>>) target(%dma_start3A_83 : memref<10240x32xf32, #tpu.memory_space<vmem_shared>>) offsets(%dma_start3A_80 : memref<80xi32, #tpu.memory_space<vmem>>) semaphore(%run_scoped3A_77 : memref<!tpu.dma_semaphore, #tpu.memory_space<semaphore_mem>>) {add = true}
      %dma_wait3A_84 = arith.constant 0 : i32
      %dma_wait3A_85 = tpu.memref_slice %arg7[%run_scoped3A_71, %dma_wait3A_84] : memref<125x80xi32, #tpu.memory_space<vmem>> -> memref<1x80xi32, #tpu.memory_space<vmem>>
      %dma_wait3A_86 = tpu.memref_squeeze %dma_wait3A_85 : memref<1x80xi32, #tpu.memory_space<vmem>> -> memref<80xi32, #tpu.memory_space<vmem>>
      %dma_wait3A_87 = arith.constant 0 : i32
      %dma_wait3A_88 = arith.constant 0 : i32
      %dma_wait3A_89 = tpu.memref_slice %arg11[%dma_wait3A_87, %dma_wait3A_88] : memref<10240x32xf32, #tpu.memory_space<vmem_shared>> -> memref<10240x32xf32, #tpu.memory_space<vmem_shared>>
      tpu.wait_indirect_dma semaphore(%run_scoped3A_77 : memref<!tpu.dma_semaphore, #tpu.memory_space<semaphore_mem>>) src(%arg9 : memref<80x32xf32, #tpu.memory_space<vmem>>) dst(%dma_wait3A_89 : memref<10240x32xf32, #tpu.memory_space<vmem_shared>>)
      tpu.yield
    }) : () -> ()
    %barrier3A_72 = arith.constant 0 : index
    tpu.barrier barrier_id(%barrier3A_72)
    %mul3A_73 = arith.constant 640 : i32
    %mul3A_74 = arith.muli %arg1, %mul3A_73 : i32
    %mul3A_75 = arith.constant 640 : i32
    %mul3A_76 = arith.muli %arg1, %mul3A_75 : i32
    "tpu.region"() ({
      %run_scoped3A_77 = tpu.sem_alloc : memref<!tpu.dma_semaphore, #tpu.memory_space<semaphore_mem>>
      %dma_start3A_78 = arith.constant 0 : i32
      %dma_start3A_79 = tpu.memref_slice %arg5[%arg0, %mul3A_76, %dma_start3A_78] : memref<2x10240x32xf32, #tpu.memory_space<hbm>> -> memref<1x640x32xf32, #tpu.memory_space<hbm>>
      %dma_start3A_80 = tpu.memref_squeeze %dma_start3A_79 : memref<1x640x32xf32, #tpu.memory_space<hbm>> -> memref<640x32xf32, #tpu.memory_space<hbm>>
      %dma_start3A_81 = arith.constant 0 : i32
      %dma_start3A_82 = tpu.memref_slice %arg11[%mul3A_74, %dma_start3A_81] : memref<10240x32xf32, #tpu.memory_space<vmem_shared>> -> memref<640x32xf32, #tpu.memory_space<vmem_shared>>
      tpu.enqueue_dma source(%dma_start3A_82 : memref<640x32xf32, #tpu.memory_space<vmem_shared>>) target(%dma_start3A_80 : memref<640x32xf32, #tpu.memory_space<hbm>>) target_semaphore(%run_scoped3A_77 : memref<!tpu.dma_semaphore, #tpu.memory_space<semaphore_mem>>)
      %dma_wait3A_83 = arith.constant 0 : i32
      %dma_wait3A_84 = tpu.memref_slice %arg5[%arg0, %mul3A_76, %dma_wait3A_83] : memref<2x10240x32xf32, #tpu.memory_space<hbm>> -> memref<1x640x32xf32, #tpu.memory_space<hbm>>
      %dma_wait3A_85 = tpu.memref_squeeze %dma_wait3A_84 : memref<1x640x32xf32, #tpu.memory_space<hbm>> -> memref<640x32xf32, #tpu.memory_space<hbm>>
      %dma_wait3A_86 = arith.constant 0 : i32
      %dma_wait3A_87 = tpu.memref_slice %arg11[%mul3A_74, %dma_wait3A_86] : memref<10240x32xf32, #tpu.memory_space<vmem_shared>> -> memref<640x32xf32, #tpu.memory_space<vmem_shared>>
      tpu.wait_dma2 semaphore(%run_scoped3A_77 : memref<!tpu.dma_semaphore, #tpu.memory_space<semaphore_mem>>) src(%dma_wait3A_87 : memref<640x32xf32, #tpu.memory_space<vmem_shared>>) dst(%dma_wait3A_85 : memref<640x32xf32, #tpu.memory_space<hbm>>)
      tpu.yield
    }) : () -> ()
    return
  }
}

#map = affine_map<(d0, d1) -> (0, 0, 0)>
#map1 = affine_map<(d0, d1) -> (0, 0)>
module attributes {stable_mosaic.version = 14 : i64} {
  func.func @prop(%arg0: i32, %arg1: i32, %arg2: memref<32x125x80xi32, #tpu.memory_space<hbm>>, %arg3: memref<32x125x80xi32, #tpu.memory_space<hbm>>, %arg4: memref<10000x64xf32, #tpu.memory_space<hbm>>, %arg5: memref<2x10240x64xf32, #tpu.memory_space<hbm>>, %arg6: memref<125x80xi32, #tpu.memory_space<vmem>>, %arg7: memref<125x80xi32, #tpu.memory_space<vmem>>, %arg8: memref<80x64xf32, #tpu.memory_space<vmem>>, %arg9: memref<80x64xf32, #tpu.memory_space<vmem>>, %arg10: memref<80x64xf32, #tpu.memory_space<vmem>>, %arg11: memref<10240x64xf32, #tpu.memory_space<vmem_shared>>, %arg12: memref<!tpu.dma_semaphore, #tpu.memory_space<semaphore_mem>>, %arg13: memref<!tpu.dma_semaphore, #tpu.memory_space<semaphore_mem>>, %arg14: memref<!tpu.dma_semaphore, #tpu.memory_space<semaphore_mem>>) attributes {dimension_semantics = [#tpu.dimension_semantics<core_parallel>, #tpu.dimension_semantics<subcore_parallel>], iteration_bounds = array<i64: 2, 16>, scalar_prefetch = 0 : i64, scratch_operands = 9 : i64, tpu.core_type = #tpu.core_type<sc_vector_subcore>, window_params = [{transform_indices = #map}, {transform_indices = #map}, {transform_indices = #map1}, {transform_indices = #map}]} {
    %mul3A = arith.constant 2 : i32
    %mul3A_0 = arith.muli %arg1, %mul3A : i32
    %add3A = arith.addi %mul3A_0, %arg0 : i32
    "tpu.region"() ({
      %run_scoped3A_77 = tpu.sem_alloc : memref<!tpu.dma_semaphore, #tpu.memory_space<semaphore_mem>>
      %dma_start3A_78 = arith.constant 0 : i32
      %dma_start3A_79 = arith.constant 0 : i32
      %dma_start3A_80 = tpu.memref_slice %arg2[%add3A, %dma_start3A_78, %dma_start3A_79] : memref<32x125x80xi32, #tpu.memory_space<hbm>> -> memref<1x125x80xi32, #tpu.memory_space<hbm>>
      %dma_start3A_81 = tpu.memref_squeeze %dma_start3A_80 : memref<1x125x80xi32, #tpu.memory_space<hbm>> -> memref<125x80xi32, #tpu.memory_space<hbm>>
      %dma_start3A_82 = arith.constant 0 : i32
      %dma_start3A_83 = arith.constant 0 : i32
      %dma_start3A_84 = tpu.memref_slice %arg2[%add3A, %dma_start3A_82, %dma_start3A_83] : memref<32x125x80xi32, #tpu.memory_space<hbm>> -> memref<1x125x80xi32, #tpu.memory_space<hbm>>
      %dma_start3A_85 = tpu.memref_squeeze %dma_start3A_84 : memref<1x125x80xi32, #tpu.memory_space<hbm>> -> memref<125x80xi32, #tpu.memory_space<hbm>>
      tpu.enqueue_dma source(%dma_start3A_85 : memref<125x80xi32, #tpu.memory_space<hbm>>) target(%arg6 : memref<125x80xi32, #tpu.memory_space<vmem>>) target_semaphore(%run_scoped3A_77 : memref<!tpu.dma_semaphore, #tpu.memory_space<semaphore_mem>>)
      %dma_wait3A_86 = arith.constant 0 : i32
      %dma_wait3A_87 = arith.constant 0 : i32
      %dma_wait3A_88 = tpu.memref_slice %arg2[%add3A, %dma_wait3A_86, %dma_wait3A_87] : memref<32x125x80xi32, #tpu.memory_space<hbm>> -> memref<1x125x80xi32, #tpu.memory_space<hbm>>
      %dma_wait3A_89 = tpu.memref_squeeze %dma_wait3A_88 : memref<1x125x80xi32, #tpu.memory_space<hbm>> -> memref<125x80xi32, #tpu.memory_space<hbm>>
      %dma_wait3A_90 = arith.constant 0 : i32
      %dma_wait3A_91 = arith.constant 0 : i32
      %dma_wait3A_92 = tpu.memref_slice %arg2[%add3A, %dma_wait3A_90, %dma_wait3A_91] : memref<32x125x80xi32, #tpu.memory_space<hbm>> -> memref<1x125x80xi32, #tpu.memory_space<hbm>>
      %dma_wait3A_93 = tpu.memref_squeeze %dma_wait3A_92 : memref<1x125x80xi32, #tpu.memory_space<hbm>> -> memref<125x80xi32, #tpu.memory_space<hbm>>
      tpu.wait_dma2 semaphore(%run_scoped3A_77 : memref<!tpu.dma_semaphore, #tpu.memory_space<semaphore_mem>>) src(%dma_wait3A_93 : memref<125x80xi32, #tpu.memory_space<hbm>>) dst(%arg6 : memref<125x80xi32, #tpu.memory_space<vmem>>)
      tpu.yield
    }) : () -> ()
    "tpu.region"() ({
      %run_scoped3A_77 = tpu.sem_alloc : memref<!tpu.dma_semaphore, #tpu.memory_space<semaphore_mem>>
      %dma_start3A_78 = arith.constant 0 : i32
      %dma_start3A_79 = arith.constant 0 : i32
      %dma_start3A_80 = tpu.memref_slice %arg3[%add3A, %dma_start3A_78, %dma_start3A_79] : memref<32x125x80xi32, #tpu.memory_space<hbm>> -> memref<1x125x80xi32, #tpu.memory_space<hbm>>
      %dma_start3A_81 = tpu.memref_squeeze %dma_start3A_80 : memref<1x125x80xi32, #tpu.memory_space<hbm>> -> memref<125x80xi32, #tpu.memory_space<hbm>>
      %dma_start3A_82 = arith.constant 0 : i32
      %dma_start3A_83 = arith.constant 0 : i32
      %dma_start3A_84 = tpu.memref_slice %arg3[%add3A, %dma_start3A_82, %dma_start3A_83] : memref<32x125x80xi32, #tpu.memory_space<hbm>> -> memref<1x125x80xi32, #tpu.memory_space<hbm>>
      %dma_start3A_85 = tpu.memref_squeeze %dma_start3A_84 : memref<1x125x80xi32, #tpu.memory_space<hbm>> -> memref<125x80xi32, #tpu.memory_space<hbm>>
      tpu.enqueue_dma source(%dma_start3A_85 : memref<125x80xi32, #tpu.memory_space<hbm>>) target(%arg7 : memref<125x80xi32, #tpu.memory_space<vmem>>) target_semaphore(%run_scoped3A_77 : memref<!tpu.dma_semaphore, #tpu.memory_space<semaphore_mem>>)
      %dma_wait3A_86 = arith.constant 0 : i32
      %dma_wait3A_87 = arith.constant 0 : i32
      %dma_wait3A_88 = tpu.memref_slice %arg3[%add3A, %dma_wait3A_86, %dma_wait3A_87] : memref<32x125x80xi32, #tpu.memory_space<hbm>> -> memref<1x125x80xi32, #tpu.memory_space<hbm>>
      %dma_wait3A_89 = tpu.memref_squeeze %dma_wait3A_88 : memref<1x125x80xi32, #tpu.memory_space<hbm>> -> memref<125x80xi32, #tpu.memory_space<hbm>>
      %dma_wait3A_90 = arith.constant 0 : i32
      %dma_wait3A_91 = arith.constant 0 : i32
      %dma_wait3A_92 = tpu.memref_slice %arg3[%add3A, %dma_wait3A_90, %dma_wait3A_91] : memref<32x125x80xi32, #tpu.memory_space<hbm>> -> memref<1x125x80xi32, #tpu.memory_space<hbm>>
      %dma_wait3A_93 = tpu.memref_squeeze %dma_wait3A_92 : memref<1x125x80xi32, #tpu.memory_space<hbm>> -> memref<125x80xi32, #tpu.memory_space<hbm>>
      tpu.wait_dma2 semaphore(%run_scoped3A_77 : memref<!tpu.dma_semaphore, #tpu.memory_space<semaphore_mem>>) src(%dma_wait3A_93 : memref<125x80xi32, #tpu.memory_space<hbm>>) dst(%arg7 : memref<125x80xi32, #tpu.memory_space<vmem>>)
      tpu.yield
    }) : () -> ()
    %broadcast_in_dim3A = arith.constant 0.000000e+00 : f32
    %broadcast_in_dim3A_1 = vector.broadcast %broadcast_in_dim3A : f32 to vector<16xf32>
    %scan3A = arith.constant 0 : i32
    %scan3A_2 = arith.constant 0 : i32
    %scan3A_3 = arith.constant 80 : i32
    %scan3A_4 = arith.addi %scan3A_2, %scan3A_3 : i32
    %scan3A_5 = arith.constant 1 : i32
    scf.for %scan3A_77 = %scan3A_2 to %scan3A_4 step %scan3A_5  : i32 {
      %swap3A = arith.index_cast %scan3A_77 : i32 to index
      %swap3A_78 = arith.constant 0 : index
      %swap3A_79 = tpu.vector_load %arg8[%swap3A, %swap3A_78] {strides = array<i32>} : memref<80x64xf32, #tpu.memory_space<vmem>>, vector<1x16xf32>,
      %swap3A_80 = vector.shape_cast %swap3A_79 : vector<1x16xf32> to vector<16xf32>
      %swap3A_81 = vector.shape_cast %broadcast_in_dim3A_1 : vector<16xf32> to vector<1x16xf32>
      tpu.vector_store %arg8[%swap3A, %swap3A_78], %swap3A_81 {strides = array<i32>} : memref<80x64xf32, #tpu.memory_space<vmem>>, vector<1x16xf32>,
      %swap3A_82 = arith.index_cast %scan3A_77 : i32 to index
      %swap3A_83 = arith.constant 16 : index
      %swap3A_84 = tpu.vector_load %arg8[%swap3A_82, %swap3A_83] {strides = array<i32>} : memref<80x64xf32, #tpu.memory_space<vmem>>, vector<1x16xf32>,
      %swap3A_85 = vector.shape_cast %swap3A_84 : vector<1x16xf32> to vector<16xf32>
      %swap3A_86 = vector.shape_cast %broadcast_in_dim3A_1 : vector<16xf32> to vector<1x16xf32>
      tpu.vector_store %arg8[%swap3A_82, %swap3A_83], %swap3A_86 {strides = array<i32>} : memref<80x64xf32, #tpu.memory_space<vmem>>, vector<1x16xf32>,
      %swap3A_87 = arith.index_cast %scan3A_77 : i32 to index
      %swap3A_88 = arith.constant 32 : index
      %swap3A_89 = tpu.vector_load %arg8[%swap3A_87, %swap3A_88] {strides = array<i32>} : memref<80x64xf32, #tpu.memory_space<vmem>>, vector<1x16xf32>,
      %swap3A_90 = vector.shape_cast %swap3A_89 : vector<1x16xf32> to vector<16xf32>
      %swap3A_91 = vector.shape_cast %broadcast_in_dim3A_1 : vector<16xf32> to vector<1x16xf32>
      tpu.vector_store %arg8[%swap3A_87, %swap3A_88], %swap3A_91 {strides = array<i32>} : memref<80x64xf32, #tpu.memory_space<vmem>>, vector<1x16xf32>,
      %swap3A_92 = arith.index_cast %scan3A_77 : i32 to index
      %swap3A_93 = arith.constant 48 : index
      %swap3A_94 = tpu.vector_load %arg8[%swap3A_92, %swap3A_93] {strides = array<i32>} : memref<80x64xf32, #tpu.memory_space<vmem>>, vector<1x16xf32>,
      %swap3A_95 = vector.shape_cast %swap3A_94 : vector<1x16xf32> to vector<16xf32>
      %swap3A_96 = vector.shape_cast %broadcast_in_dim3A_1 : vector<16xf32> to vector<1x16xf32>
      tpu.vector_store %arg8[%swap3A_92, %swap3A_93], %swap3A_96 {strides = array<i32>} : memref<80x64xf32, #tpu.memory_space<vmem>>, vector<1x16xf32>,
    }
    %scan3A_6 = arith.constant 80 : i32
    %mul3A_7 = arith.constant 640 : i32
    %mul3A_8 = arith.muli %arg1, %mul3A_7 : i32
    %add3A_9 = arith.constant 0 : i32
    %add3A_10 = arith.addi %mul3A_8, %add3A_9 : i32
    "tpu.region"() ({
      %run_scoped3A_77 = tpu.sem_alloc : memref<!tpu.dma_semaphore, #tpu.memory_space<semaphore_mem>>
      %dma_start3A_78 = arith.constant 0 : i32
      %dma_start3A_79 = tpu.memref_slice %arg11[%add3A_10, %dma_start3A_78] : memref<10240x64xf32, #tpu.memory_space<vmem_shared>> -> memref<80x64xf32, #tpu.memory_space<vmem_shared>>
      %dma_start3A_80 = arith.constant 0 : i32
      %dma_start3A_81 = tpu.memref_slice %arg11[%add3A_10, %dma_start3A_80] : memref<10240x64xf32, #tpu.memory_space<vmem_shared>> -> memref<80x64xf32, #tpu.memory_space<vmem_shared>>
      tpu.enqueue_dma source(%arg8 : memref<80x64xf32, #tpu.memory_space<vmem>>) target(%dma_start3A_81 : memref<80x64xf32, #tpu.memory_space<vmem_shared>>) target_semaphore(%run_scoped3A_77 : memref<!tpu.dma_semaphore, #tpu.memory_space<semaphore_mem>>)
      %dma_wait3A_82 = arith.constant 0 : i32
      %dma_wait3A_83 = tpu.memref_slice %arg11[%add3A_10, %dma_wait3A_82] : memref<10240x64xf32, #tpu.memory_space<vmem_shared>> -> memref<80x64xf32, #tpu.memory_space<vmem_shared>>
      %dma_wait3A_84 = arith.constant 0 : i32
      %dma_wait3A_85 = tpu.memref_slice %arg11[%add3A_10, %dma_wait3A_84] : memref<10240x64xf32, #tpu.memory_space<vmem_shared>> -> memref<80x64xf32, #tpu.memory_space<vmem_shared>>
      tpu.wait_dma2 semaphore(%run_scoped3A_77 : memref<!tpu.dma_semaphore, #tpu.memory_space<semaphore_mem>>) src(%arg8 : memref<80x64xf32, #tpu.memory_space<vmem>>) dst(%dma_wait3A_85 : memref<80x64xf32, #tpu.memory_space<vmem_shared>>)
      tpu.yield
    }) : () -> ()
    %mul3A_11 = arith.constant 640 : i32
    %mul3A_12 = arith.muli %arg1, %mul3A_11 : i32
    %add3A_13 = arith.constant 80 : i32
    %add3A_14 = arith.addi %mul3A_12, %add3A_13 : i32
    "tpu.region"() ({
      %run_scoped3A_77 = tpu.sem_alloc : memref<!tpu.dma_semaphore, #tpu.memory_space<semaphore_mem>>
      %dma_start3A_78 = arith.constant 0 : i32
      %dma_start3A_79 = tpu.memref_slice %arg11[%add3A_14, %dma_start3A_78] : memref<10240x64xf32, #tpu.memory_space<vmem_shared>> -> memref<80x64xf32, #tpu.memory_space<vmem_shared>>
      %dma_start3A_80 = arith.constant 0 : i32
      %dma_start3A_81 = tpu.memref_slice %arg11[%add3A_14, %dma_start3A_80] : memref<10240x64xf32, #tpu.memory_space<vmem_shared>> -> memref<80x64xf32, #tpu.memory_space<vmem_shared>>
      tpu.enqueue_dma source(%arg8 : memref<80x64xf32, #tpu.memory_space<vmem>>) target(%dma_start3A_81 : memref<80x64xf32, #tpu.memory_space<vmem_shared>>) target_semaphore(%run_scoped3A_77 : memref<!tpu.dma_semaphore, #tpu.memory_space<semaphore_mem>>)
      %dma_wait3A_82 = arith.constant 0 : i32
      %dma_wait3A_83 = tpu.memref_slice %arg11[%add3A_14, %dma_wait3A_82] : memref<10240x64xf32, #tpu.memory_space<vmem_shared>> -> memref<80x64xf32, #tpu.memory_space<vmem_shared>>
      %dma_wait3A_84 = arith.constant 0 : i32
      %dma_wait3A_85 = tpu.memref_slice %arg11[%add3A_14, %dma_wait3A_84] : memref<10240x64xf32, #tpu.memory_space<vmem_shared>> -> memref<80x64xf32, #tpu.memory_space<vmem_shared>>
      tpu.wait_dma2 semaphore(%run_scoped3A_77 : memref<!tpu.dma_semaphore, #tpu.memory_space<semaphore_mem>>) src(%arg8 : memref<80x64xf32, #tpu.memory_space<vmem>>) dst(%dma_wait3A_85 : memref<80x64xf32, #tpu.memory_space<vmem_shared>>)
      tpu.yield
    }) : () -> ()
    %mul3A_15 = arith.constant 640 : i32
    %mul3A_16 = arith.muli %arg1, %mul3A_15 : i32
    %add3A_17 = arith.constant 160 : i32
    %add3A_18 = arith.addi %mul3A_16, %add3A_17 : i32
    "tpu.region"() ({
      %run_scoped3A_77 = tpu.sem_alloc : memref<!tpu.dma_semaphore, #tpu.memory_space<semaphore_mem>>
      %dma_start3A_78 = arith.constant 0 : i32
      %dma_start3A_79 = tpu.memref_slice %arg11[%add3A_18, %dma_start3A_78] : memref<10240x64xf32, #tpu.memory_space<vmem_shared>> -> memref<80x64xf32, #tpu.memory_space<vmem_shared>>
      %dma_start3A_80 = arith.constant 0 : i32
      %dma_start3A_81 = tpu.memref_slice %arg11[%add3A_18, %dma_start3A_80] : memref<10240x64xf32, #tpu.memory_space<vmem_shared>> -> memref<80x64xf32, #tpu.memory_space<vmem_shared>>
      tpu.enqueue_dma source(%arg8 : memref<80x64xf32, #tpu.memory_space<vmem>>) target(%dma_start3A_81 : memref<80x64xf32, #tpu.memory_space<vmem_shared>>) target_semaphore(%run_scoped3A_77 : memref<!tpu.dma_semaphore, #tpu.memory_space<semaphore_mem>>)
      %dma_wait3A_82 = arith.constant 0 : i32
      %dma_wait3A_83 = tpu.memref_slice %arg11[%add3A_18, %dma_wait3A_82] : memref<10240x64xf32, #tpu.memory_space<vmem_shared>> -> memref<80x64xf32, #tpu.memory_space<vmem_shared>>
      %dma_wait3A_84 = arith.constant 0 : i32
      %dma_wait3A_85 = tpu.memref_slice %arg11[%add3A_18, %dma_wait3A_84] : memref<10240x64xf32, #tpu.memory_space<vmem_shared>> -> memref<80x64xf32, #tpu.memory_space<vmem_shared>>
      tpu.wait_dma2 semaphore(%run_scoped3A_77 : memref<!tpu.dma_semaphore, #tpu.memory_space<semaphore_mem>>) src(%arg8 : memref<80x64xf32, #tpu.memory_space<vmem>>) dst(%dma_wait3A_85 : memref<80x64xf32, #tpu.memory_space<vmem_shared>>)
      tpu.yield
    }) : () -> ()
    %mul3A_19 = arith.constant 640 : i32
    %mul3A_20 = arith.muli %arg1, %mul3A_19 : i32
    %add3A_21 = arith.constant 240 : i32
    %add3A_22 = arith.addi %mul3A_20, %add3A_21 : i32
    "tpu.region"() ({
      %run_scoped3A_77 = tpu.sem_alloc : memref<!tpu.dma_semaphore, #tpu.memory_space<semaphore_mem>>
      %dma_start3A_78 = arith.constant 0 : i32
      %dma_start3A_79 = tpu.memref_slice %arg11[%add3A_22, %dma_start3A_78] : memref<10240x64xf32, #tpu.memory_space<vmem_shared>> -> memref<80x64xf32, #tpu.memory_space<vmem_shared>>
      %dma_start3A_80 = arith.constant 0 : i32
      %dma_start3A_81 = tpu.memref_slice %arg11[%add3A_22, %dma_start3A_80] : memref<10240x64xf32, #tpu.memory_space<vmem_shared>> -> memref<80x64xf32, #tpu.memory_space<vmem_shared>>
      tpu.enqueue_dma source(%arg8 : memref<80x64xf32, #tpu.memory_space<vmem>>) target(%dma_start3A_81 : memref<80x64xf32, #tpu.memory_space<vmem_shared>>) target_semaphore(%run_scoped3A_77 : memref<!tpu.dma_semaphore, #tpu.memory_space<semaphore_mem>>)
      %dma_wait3A_82 = arith.constant 0 : i32
      %dma_wait3A_83 = tpu.memref_slice %arg11[%add3A_22, %dma_wait3A_82] : memref<10240x64xf32, #tpu.memory_space<vmem_shared>> -> memref<80x64xf32, #tpu.memory_space<vmem_shared>>
      %dma_wait3A_84 = arith.constant 0 : i32
      %dma_wait3A_85 = tpu.memref_slice %arg11[%add3A_22, %dma_wait3A_84] : memref<10240x64xf32, #tpu.memory_space<vmem_shared>> -> memref<80x64xf32, #tpu.memory_space<vmem_shared>>
      tpu.wait_dma2 semaphore(%run_scoped3A_77 : memref<!tpu.dma_semaphore, #tpu.memory_space<semaphore_mem>>) src(%arg8 : memref<80x64xf32, #tpu.memory_space<vmem>>) dst(%dma_wait3A_85 : memref<80x64xf32, #tpu.memory_space<vmem_shared>>)
      tpu.yield
    }) : () -> ()
    %mul3A_23 = arith.constant 640 : i32
    %mul3A_24 = arith.muli %arg1, %mul3A_23 : i32
    %add3A_25 = arith.constant 320 : i32
    %add3A_26 = arith.addi %mul3A_24, %add3A_25 : i32
    "tpu.region"() ({
      %run_scoped3A_77 = tpu.sem_alloc : memref<!tpu.dma_semaphore, #tpu.memory_space<semaphore_mem>>
      %dma_start3A_78 = arith.constant 0 : i32
      %dma_start3A_79 = tpu.memref_slice %arg11[%add3A_26, %dma_start3A_78] : memref<10240x64xf32, #tpu.memory_space<vmem_shared>> -> memref<80x64xf32, #tpu.memory_space<vmem_shared>>
      %dma_start3A_80 = arith.constant 0 : i32
      %dma_start3A_81 = tpu.memref_slice %arg11[%add3A_26, %dma_start3A_80] : memref<10240x64xf32, #tpu.memory_space<vmem_shared>> -> memref<80x64xf32, #tpu.memory_space<vmem_shared>>
      tpu.enqueue_dma source(%arg8 : memref<80x64xf32, #tpu.memory_space<vmem>>) target(%dma_start3A_81 : memref<80x64xf32, #tpu.memory_space<vmem_shared>>) target_semaphore(%run_scoped3A_77 : memref<!tpu.dma_semaphore, #tpu.memory_space<semaphore_mem>>)
      %dma_wait3A_82 = arith.constant 0 : i32
      %dma_wait3A_83 = tpu.memref_slice %arg11[%add3A_26, %dma_wait3A_82] : memref<10240x64xf32, #tpu.memory_space<vmem_shared>> -> memref<80x64xf32, #tpu.memory_space<vmem_shared>>
      %dma_wait3A_84 = arith.constant 0 : i32
      %dma_wait3A_85 = tpu.memref_slice %arg11[%add3A_26, %dma_wait3A_84] : memref<10240x64xf32, #tpu.memory_space<vmem_shared>> -> memref<80x64xf32, #tpu.memory_space<vmem_shared>>
      tpu.wait_dma2 semaphore(%run_scoped3A_77 : memref<!tpu.dma_semaphore, #tpu.memory_space<semaphore_mem>>) src(%arg8 : memref<80x64xf32, #tpu.memory_space<vmem>>) dst(%dma_wait3A_85 : memref<80x64xf32, #tpu.memory_space<vmem_shared>>)
      tpu.yield
    }) : () -> ()
    %mul3A_27 = arith.constant 640 : i32
    %mul3A_28 = arith.muli %arg1, %mul3A_27 : i32
    %add3A_29 = arith.constant 400 : i32
    %add3A_30 = arith.addi %mul3A_28, %add3A_29 : i32
    "tpu.region"() ({
      %run_scoped3A_77 = tpu.sem_alloc : memref<!tpu.dma_semaphore, #tpu.memory_space<semaphore_mem>>
      %dma_start3A_78 = arith.constant 0 : i32
      %dma_start3A_79 = tpu.memref_slice %arg11[%add3A_30, %dma_start3A_78] : memref<10240x64xf32, #tpu.memory_space<vmem_shared>> -> memref<80x64xf32, #tpu.memory_space<vmem_shared>>
      %dma_start3A_80 = arith.constant 0 : i32
      %dma_start3A_81 = tpu.memref_slice %arg11[%add3A_30, %dma_start3A_80] : memref<10240x64xf32, #tpu.memory_space<vmem_shared>> -> memref<80x64xf32, #tpu.memory_space<vmem_shared>>
      tpu.enqueue_dma source(%arg8 : memref<80x64xf32, #tpu.memory_space<vmem>>) target(%dma_start3A_81 : memref<80x64xf32, #tpu.memory_space<vmem_shared>>) target_semaphore(%run_scoped3A_77 : memref<!tpu.dma_semaphore, #tpu.memory_space<semaphore_mem>>)
      %dma_wait3A_82 = arith.constant 0 : i32
      %dma_wait3A_83 = tpu.memref_slice %arg11[%add3A_30, %dma_wait3A_82] : memref<10240x64xf32, #tpu.memory_space<vmem_shared>> -> memref<80x64xf32, #tpu.memory_space<vmem_shared>>
      %dma_wait3A_84 = arith.constant 0 : i32
      %dma_wait3A_85 = tpu.memref_slice %arg11[%add3A_30, %dma_wait3A_84] : memref<10240x64xf32, #tpu.memory_space<vmem_shared>> -> memref<80x64xf32, #tpu.memory_space<vmem_shared>>
      tpu.wait_dma2 semaphore(%run_scoped3A_77 : memref<!tpu.dma_semaphore, #tpu.memory_space<semaphore_mem>>) src(%arg8 : memref<80x64xf32, #tpu.memory_space<vmem>>) dst(%dma_wait3A_85 : memref<80x64xf32, #tpu.memory_space<vmem_shared>>)
      tpu.yield
    }) : () -> ()
    %mul3A_31 = arith.constant 640 : i32
    %mul3A_32 = arith.muli %arg1, %mul3A_31 : i32
    %add3A_33 = arith.constant 480 : i32
    %add3A_34 = arith.addi %mul3A_32, %add3A_33 : i32
    "tpu.region"() ({
      %run_scoped3A_77 = tpu.sem_alloc : memref<!tpu.dma_semaphore, #tpu.memory_space<semaphore_mem>>
      %dma_start3A_78 = arith.constant 0 : i32
      %dma_start3A_79 = tpu.memref_slice %arg11[%add3A_34, %dma_start3A_78] : memref<10240x64xf32, #tpu.memory_space<vmem_shared>> -> memref<80x64xf32, #tpu.memory_space<vmem_shared>>
      %dma_start3A_80 = arith.constant 0 : i32
      %dma_start3A_81 = tpu.memref_slice %arg11[%add3A_34, %dma_start3A_80] : memref<10240x64xf32, #tpu.memory_space<vmem_shared>> -> memref<80x64xf32, #tpu.memory_space<vmem_shared>>
      tpu.enqueue_dma source(%arg8 : memref<80x64xf32, #tpu.memory_space<vmem>>) target(%dma_start3A_81 : memref<80x64xf32, #tpu.memory_space<vmem_shared>>) target_semaphore(%run_scoped3A_77 : memref<!tpu.dma_semaphore, #tpu.memory_space<semaphore_mem>>)
      %dma_wait3A_82 = arith.constant 0 : i32
      %dma_wait3A_83 = tpu.memref_slice %arg11[%add3A_34, %dma_wait3A_82] : memref<10240x64xf32, #tpu.memory_space<vmem_shared>> -> memref<80x64xf32, #tpu.memory_space<vmem_shared>>
      %dma_wait3A_84 = arith.constant 0 : i32
      %dma_wait3A_85 = tpu.memref_slice %arg11[%add3A_34, %dma_wait3A_84] : memref<10240x64xf32, #tpu.memory_space<vmem_shared>> -> memref<80x64xf32, #tpu.memory_space<vmem_shared>>
      tpu.wait_dma2 semaphore(%run_scoped3A_77 : memref<!tpu.dma_semaphore, #tpu.memory_space<semaphore_mem>>) src(%arg8 : memref<80x64xf32, #tpu.memory_space<vmem>>) dst(%dma_wait3A_85 : memref<80x64xf32, #tpu.memory_space<vmem_shared>>)
      tpu.yield
    }) : () -> ()
    %mul3A_35 = arith.constant 640 : i32
    %mul3A_36 = arith.muli %arg1, %mul3A_35 : i32
    %add3A_37 = arith.constant 560 : i32
    %add3A_38 = arith.addi %mul3A_36, %add3A_37 : i32
    "tpu.region"() ({
      %run_scoped3A_77 = tpu.sem_alloc : memref<!tpu.dma_semaphore, #tpu.memory_space<semaphore_mem>>
      %dma_start3A_78 = arith.constant 0 : i32
      %dma_start3A_79 = tpu.memref_slice %arg11[%add3A_38, %dma_start3A_78] : memref<10240x64xf32, #tpu.memory_space<vmem_shared>> -> memref<80x64xf32, #tpu.memory_space<vmem_shared>>
      %dma_start3A_80 = arith.constant 0 : i32
      %dma_start3A_81 = tpu.memref_slice %arg11[%add3A_38, %dma_start3A_80] : memref<10240x64xf32, #tpu.memory_space<vmem_shared>> -> memref<80x64xf32, #tpu.memory_space<vmem_shared>>
      tpu.enqueue_dma source(%arg8 : memref<80x64xf32, #tpu.memory_space<vmem>>) target(%dma_start3A_81 : memref<80x64xf32, #tpu.memory_space<vmem_shared>>) target_semaphore(%run_scoped3A_77 : memref<!tpu.dma_semaphore, #tpu.memory_space<semaphore_mem>>)
      %dma_wait3A_82 = arith.constant 0 : i32
      %dma_wait3A_83 = tpu.memref_slice %arg11[%add3A_38, %dma_wait3A_82] : memref<10240x64xf32, #tpu.memory_space<vmem_shared>> -> memref<80x64xf32, #tpu.memory_space<vmem_shared>>
      %dma_wait3A_84 = arith.constant 0 : i32
      %dma_wait3A_85 = tpu.memref_slice %arg11[%add3A_38, %dma_wait3A_84] : memref<10240x64xf32, #tpu.memory_space<vmem_shared>> -> memref<80x64xf32, #tpu.memory_space<vmem_shared>>
      tpu.wait_dma2 semaphore(%run_scoped3A_77 : memref<!tpu.dma_semaphore, #tpu.memory_space<semaphore_mem>>) src(%arg8 : memref<80x64xf32, #tpu.memory_space<vmem>>) dst(%dma_wait3A_85 : memref<80x64xf32, #tpu.memory_space<vmem_shared>>)
      tpu.yield
    }) : () -> ()
    %barrier3A = arith.constant 0 : index
    tpu.barrier barrier_id(%barrier3A)
    %dma_start3A = arith.constant 0 : i32
    %dma_start3A_39 = arith.constant 0 : i32
    %dma_start3A_40 = tpu.memref_slice %arg6[%dma_start3A, %dma_start3A_39] : memref<125x80xi32, #tpu.memory_space<vmem>> -> memref<1x80xi32, #tpu.memory_space<vmem>>
    %dma_start3A_41 = tpu.memref_squeeze %dma_start3A_40 : memref<1x80xi32, #tpu.memory_space<vmem>> -> memref<80xi32, #tpu.memory_space<vmem>>
    %dma_start3A_42 = arith.constant 0 : i32
    %dma_start3A_43 = arith.constant 0 : i32
    %dma_start3A_44 = tpu.memref_slice %arg4[%dma_start3A_42, %dma_start3A_43] : memref<10000x64xf32, #tpu.memory_space<hbm>> -> memref<10000x64xf32, #tpu.memory_space<hbm>>
    tpu.enqueue_indirect_dma source(%dma_start3A_44 : memref<10000x64xf32, #tpu.memory_space<hbm>>) target(%arg8 : memref<80x64xf32, #tpu.memory_space<vmem>>) offsets(%dma_start3A_41 : memref<80xi32, #tpu.memory_space<vmem>>) semaphore(%arg12 : memref<!tpu.dma_semaphore, #tpu.memory_space<semaphore_mem>>)
    %dma_start3A_45 = arith.constant 1 : i32
    %dma_start3A_46 = arith.constant 0 : i32
    %dma_start3A_47 = tpu.memref_slice %arg6[%dma_start3A_45, %dma_start3A_46] : memref<125x80xi32, #tpu.memory_space<vmem>> -> memref<1x80xi32, #tpu.memory_space<vmem>>
    %dma_start3A_48 = tpu.memref_squeeze %dma_start3A_47 : memref<1x80xi32, #tpu.memory_space<vmem>> -> memref<80xi32, #tpu.memory_space<vmem>>
    %dma_start3A_49 = arith.constant 0 : i32
    %dma_start3A_50 = arith.constant 0 : i32
    %dma_start3A_51 = tpu.memref_slice %arg4[%dma_start3A_49, %dma_start3A_50] : memref<10000x64xf32, #tpu.memory_space<hbm>> -> memref<10000x64xf32, #tpu.memory_space<hbm>>
    tpu.enqueue_indirect_dma source(%dma_start3A_51 : memref<10000x64xf32, #tpu.memory_space<hbm>>) target(%arg9 : memref<80x64xf32, #tpu.memory_space<vmem>>) offsets(%dma_start3A_48 : memref<80xi32, #tpu.memory_space<vmem>>) semaphore(%arg13 : memref<!tpu.dma_semaphore, #tpu.memory_space<semaphore_mem>>)
    %scan3A_52 = arith.constant 0 : i32
    %scan3A_53 = arith.constant 0 : i32
    %scan3A_54 = arith.constant 41 : i32
    %scan3A_55 = arith.addi %scan3A_53, %scan3A_54 : i32
    %scan3A_56 = arith.constant 1 : i32
    scf.for %scan3A_77 = %scan3A_53 to %scan3A_55 step %scan3A_56  : i32 {
      %mul3A_78 = arith.constant 3 : i32
      %mul3A_79 = arith.muli %mul3A_78, %scan3A_77 : i32
      %add3A_80 = arith.constant 0 : i32
      %add3A_81 = arith.addi %mul3A_79, %add3A_80 : i32
      %add3A_82 = arith.constant 3 : i32
      %add3A_83 = arith.addi %add3A_81, %add3A_82 : i32
      %sub3A = arith.constant 1 : i32
      %sub3A_84 = arith.subi %add3A_83, %sub3A : i32
      %dma_start3A_85 = arith.constant 0 : i32
      %dma_start3A_86 = tpu.memref_slice %arg6[%sub3A_84, %dma_start3A_85] : memref<125x80xi32, #tpu.memory_space<vmem>> -> memref<1x80xi32, #tpu.memory_space<vmem>>
      %dma_start3A_87 = tpu.memref_squeeze %dma_start3A_86 : memref<1x80xi32, #tpu.memory_space<vmem>> -> memref<80xi32, #tpu.memory_space<vmem>>
      %dma_start3A_88 = arith.constant 0 : i32
      %dma_start3A_89 = arith.constant 0 : i32
      %dma_start3A_90 = tpu.memref_slice %arg4[%dma_start3A_88, %dma_start3A_89] : memref<10000x64xf32, #tpu.memory_space<hbm>> -> memref<10000x64xf32, #tpu.memory_space<hbm>>
      tpu.enqueue_indirect_dma source(%dma_start3A_90 : memref<10000x64xf32, #tpu.memory_space<hbm>>) target(%arg10 : memref<80x64xf32, #tpu.memory_space<vmem>>) offsets(%dma_start3A_87 : memref<80xi32, #tpu.memory_space<vmem>>) semaphore(%arg14 : memref<!tpu.dma_semaphore, #tpu.memory_space<semaphore_mem>>)
      %dma_wait3A_91 = arith.constant 0 : i32
      %dma_wait3A_92 = tpu.memref_slice %arg6[%add3A_81, %dma_wait3A_91] : memref<125x80xi32, #tpu.memory_space<vmem>> -> memref<1x80xi32, #tpu.memory_space<vmem>>
      %dma_wait3A_93 = tpu.memref_squeeze %dma_wait3A_92 : memref<1x80xi32, #tpu.memory_space<vmem>> -> memref<80xi32, #tpu.memory_space<vmem>>
      %dma_wait3A_94 = arith.constant 0 : i32
      %dma_wait3A_95 = arith.constant 0 : i32
      %dma_wait3A_96 = tpu.memref_slice %arg4[%dma_wait3A_94, %dma_wait3A_95] : memref<10000x64xf32, #tpu.memory_space<hbm>> -> memref<10000x64xf32, #tpu.memory_space<hbm>>
      tpu.wait_indirect_dma semaphore(%arg12 : memref<!tpu.dma_semaphore, #tpu.memory_space<semaphore_mem>>) src(%dma_wait3A_96 : memref<10000x64xf32, #tpu.memory_space<hbm>>) dst(%arg8 : memref<80x64xf32, #tpu.memory_space<vmem>>)
      "tpu.region"() ({
        %run_scoped3A_137 = tpu.sem_alloc : memref<!tpu.dma_semaphore, #tpu.memory_space<semaphore_mem>>
        %dma_start3A_138 = arith.constant 0 : i32
        %dma_start3A_139 = tpu.memref_slice %arg7[%add3A_81, %dma_start3A_138] : memref<125x80xi32, #tpu.memory_space<vmem>> -> memref<1x80xi32, #tpu.memory_space<vmem>>
        %dma_start3A_140 = tpu.memref_squeeze %dma_start3A_139 : memref<1x80xi32, #tpu.memory_space<vmem>> -> memref<80xi32, #tpu.memory_space<vmem>>
        %dma_start3A_141 = arith.constant 0 : i32
        %dma_start3A_142 = arith.constant 0 : i32
        %dma_start3A_143 = tpu.memref_slice %arg11[%dma_start3A_141, %dma_start3A_142] : memref<10240x64xf32, #tpu.memory_space<vmem_shared>> -> memref<10240x64xf32, #tpu.memory_space<vmem_shared>>
        tpu.enqueue_indirect_dma source(%arg8 : memref<80x64xf32, #tpu.memory_space<vmem>>) target(%dma_start3A_143 : memref<10240x64xf32, #tpu.memory_space<vmem_shared>>) offsets(%dma_start3A_140 : memref<80xi32, #tpu.memory_space<vmem>>) semaphore(%run_scoped3A_137 : memref<!tpu.dma_semaphore, #tpu.memory_space<semaphore_mem>>) {add = true}
        %dma_wait3A_144 = arith.constant 0 : i32
        %dma_wait3A_145 = tpu.memref_slice %arg7[%add3A_81, %dma_wait3A_144] : memref<125x80xi32, #tpu.memory_space<vmem>> -> memref<1x80xi32, #tpu.memory_space<vmem>>
        %dma_wait3A_146 = tpu.memref_squeeze %dma_wait3A_145 : memref<1x80xi32, #tpu.memory_space<vmem>> -> memref<80xi32, #tpu.memory_space<vmem>>
        %dma_wait3A_147 = arith.constant 0 : i32
        %dma_wait3A_148 = arith.constant 0 : i32
        %dma_wait3A_149 = tpu.memref_slice %arg11[%dma_wait3A_147, %dma_wait3A_148] : memref<10240x64xf32, #tpu.memory_space<vmem_shared>> -> memref<10240x64xf32, #tpu.memory_space<vmem_shared>>
        tpu.wait_indirect_dma semaphore(%run_scoped3A_137 : memref<!tpu.dma_semaphore, #tpu.memory_space<semaphore_mem>>) src(%arg8 : memref<80x64xf32, #tpu.memory_space<vmem>>) dst(%dma_wait3A_149 : memref<10240x64xf32, #tpu.memory_space<vmem_shared>>)
        tpu.yield
      }) : () -> ()
      %mul3A_97 = arith.constant 3 : i32
      %mul3A_98 = arith.muli %mul3A_97, %scan3A_77 : i32
      %add3A_99 = arith.constant 1 : i32
      %add3A_100 = arith.addi %mul3A_98, %add3A_99 : i32
      %add3A_101 = arith.constant 3 : i32
      %add3A_102 = arith.addi %add3A_100, %add3A_101 : i32
      %sub3A_103 = arith.constant 1 : i32
      %sub3A_104 = arith.subi %add3A_102, %sub3A_103 : i32
      %dma_start3A_105 = arith.constant 0 : i32
      %dma_start3A_106 = tpu.memref_slice %arg6[%sub3A_104, %dma_start3A_105] : memref<125x80xi32, #tpu.memory_space<vmem>> -> memref<1x80xi32, #tpu.memory_space<vmem>>
      %dma_start3A_107 = tpu.memref_squeeze %dma_start3A_106 : memref<1x80xi32, #tpu.memory_space<vmem>> -> memref<80xi32, #tpu.memory_space<vmem>>
      %dma_start3A_108 = arith.constant 0 : i32
      %dma_start3A_109 = arith.constant 0 : i32
      %dma_start3A_110 = tpu.memref_slice %arg4[%dma_start3A_108, %dma_start3A_109] : memref<10000x64xf32, #tpu.memory_space<hbm>> -> memref<10000x64xf32, #tpu.memory_space<hbm>>
      tpu.enqueue_indirect_dma source(%dma_start3A_110 : memref<10000x64xf32, #tpu.memory_space<hbm>>) target(%arg8 : memref<80x64xf32, #tpu.memory_space<vmem>>) offsets(%dma_start3A_107 : memref<80xi32, #tpu.memory_space<vmem>>) semaphore(%arg12 : memref<!tpu.dma_semaphore, #tpu.memory_space<semaphore_mem>>)
      %dma_wait3A_111 = arith.constant 0 : i32
      %dma_wait3A_112 = tpu.memref_slice %arg6[%add3A_100, %dma_wait3A_111] : memref<125x80xi32, #tpu.memory_space<vmem>> -> memref<1x80xi32, #tpu.memory_space<vmem>>
      %dma_wait3A_113 = tpu.memref_squeeze %dma_wait3A_112 : memref<1x80xi32, #tpu.memory_space<vmem>> -> memref<80xi32, #tpu.memory_space<vmem>>
      %dma_wait3A_114 = arith.constant 0 : i32
      %dma_wait3A_115 = arith.constant 0 : i32
      %dma_wait3A_116 = tpu.memref_slice %arg4[%dma_wait3A_114, %dma_wait3A_115] : memref<10000x64xf32, #tpu.memory_space<hbm>> -> memref<10000x64xf32, #tpu.memory_space<hbm>>
      tpu.wait_indirect_dma semaphore(%arg13 : memref<!tpu.dma_semaphore, #tpu.memory_space<semaphore_mem>>) src(%dma_wait3A_116 : memref<10000x64xf32, #tpu.memory_space<hbm>>) dst(%arg9 : memref<80x64xf32, #tpu.memory_space<vmem>>)
      "tpu.region"() ({
        %run_scoped3A_137 = tpu.sem_alloc : memref<!tpu.dma_semaphore, #tpu.memory_space<semaphore_mem>>
        %dma_start3A_138 = arith.constant 0 : i32
        %dma_start3A_139 = tpu.memref_slice %arg7[%add3A_100, %dma_start3A_138] : memref<125x80xi32, #tpu.memory_space<vmem>> -> memref<1x80xi32, #tpu.memory_space<vmem>>
        %dma_start3A_140 = tpu.memref_squeeze %dma_start3A_139 : memref<1x80xi32, #tpu.memory_space<vmem>> -> memref<80xi32, #tpu.memory_space<vmem>>
        %dma_start3A_141 = arith.constant 0 : i32
        %dma_start3A_142 = arith.constant 0 : i32
        %dma_start3A_143 = tpu.memref_slice %arg11[%dma_start3A_141, %dma_start3A_142] : memref<10240x64xf32, #tpu.memory_space<vmem_shared>> -> memref<10240x64xf32, #tpu.memory_space<vmem_shared>>
        tpu.enqueue_indirect_dma source(%arg9 : memref<80x64xf32, #tpu.memory_space<vmem>>) target(%dma_start3A_143 : memref<10240x64xf32, #tpu.memory_space<vmem_shared>>) offsets(%dma_start3A_140 : memref<80xi32, #tpu.memory_space<vmem>>) semaphore(%run_scoped3A_137 : memref<!tpu.dma_semaphore, #tpu.memory_space<semaphore_mem>>) {add = true}
        %dma_wait3A_144 = arith.constant 0 : i32
        %dma_wait3A_145 = tpu.memref_slice %arg7[%add3A_100, %dma_wait3A_144] : memref<125x80xi32, #tpu.memory_space<vmem>> -> memref<1x80xi32, #tpu.memory_space<vmem>>
        %dma_wait3A_146 = tpu.memref_squeeze %dma_wait3A_145 : memref<1x80xi32, #tpu.memory_space<vmem>> -> memref<80xi32, #tpu.memory_space<vmem>>
        %dma_wait3A_147 = arith.constant 0 : i32
        %dma_wait3A_148 = arith.constant 0 : i32
        %dma_wait3A_149 = tpu.memref_slice %arg11[%dma_wait3A_147, %dma_wait3A_148] : memref<10240x64xf32, #tpu.memory_space<vmem_shared>> -> memref<10240x64xf32, #tpu.memory_space<vmem_shared>>
        tpu.wait_indirect_dma semaphore(%run_scoped3A_137 : memref<!tpu.dma_semaphore, #tpu.memory_space<semaphore_mem>>) src(%arg9 : memref<80x64xf32, #tpu.memory_space<vmem>>) dst(%dma_wait3A_149 : memref<10240x64xf32, #tpu.memory_space<vmem_shared>>)
        tpu.yield
      }) : () -> ()
      %mul3A_117 = arith.constant 3 : i32
      %mul3A_118 = arith.muli %mul3A_117, %scan3A_77 : i32
      %add3A_119 = arith.constant 2 : i32
      %add3A_120 = arith.addi %mul3A_118, %add3A_119 : i32
      %add3A_121 = arith.constant 3 : i32
      %add3A_122 = arith.addi %add3A_120, %add3A_121 : i32
      %sub3A_123 = arith.constant 1 : i32
      %sub3A_124 = arith.subi %add3A_122, %sub3A_123 : i32
      %dma_start3A_125 = arith.constant 0 : i32
      %dma_start3A_126 = tpu.memref_slice %arg6[%sub3A_124, %dma_start3A_125] : memref<125x80xi32, #tpu.memory_space<vmem>> -> memref<1x80xi32, #tpu.memory_space<vmem>>
      %dma_start3A_127 = tpu.memref_squeeze %dma_start3A_126 : memref<1x80xi32, #tpu.memory_space<vmem>> -> memref<80xi32, #tpu.memory_space<vmem>>
      %dma_start3A_128 = arith.constant 0 : i32
      %dma_start3A_129 = arith.constant 0 : i32
      %dma_start3A_130 = tpu.memref_slice %arg4[%dma_start3A_128, %dma_start3A_129] : memref<10000x64xf32, #tpu.memory_space<hbm>> -> memref<10000x64xf32, #tpu.memory_space<hbm>>
      tpu.enqueue_indirect_dma source(%dma_start3A_130 : memref<10000x64xf32, #tpu.memory_space<hbm>>) target(%arg9 : memref<80x64xf32, #tpu.memory_space<vmem>>) offsets(%dma_start3A_127 : memref<80xi32, #tpu.memory_space<vmem>>) semaphore(%arg13 : memref<!tpu.dma_semaphore, #tpu.memory_space<semaphore_mem>>)
      %dma_wait3A_131 = arith.constant 0 : i32
      %dma_wait3A_132 = tpu.memref_slice %arg6[%add3A_120, %dma_wait3A_131] : memref<125x80xi32, #tpu.memory_space<vmem>> -> memref<1x80xi32, #tpu.memory_space<vmem>>
      %dma_wait3A_133 = tpu.memref_squeeze %dma_wait3A_132 : memref<1x80xi32, #tpu.memory_space<vmem>> -> memref<80xi32, #tpu.memory_space<vmem>>
      %dma_wait3A_134 = arith.constant 0 : i32
      %dma_wait3A_135 = arith.constant 0 : i32
      %dma_wait3A_136 = tpu.memref_slice %arg4[%dma_wait3A_134, %dma_wait3A_135] : memref<10000x64xf32, #tpu.memory_space<hbm>> -> memref<10000x64xf32, #tpu.memory_space<hbm>>
      tpu.wait_indirect_dma semaphore(%arg14 : memref<!tpu.dma_semaphore, #tpu.memory_space<semaphore_mem>>) src(%dma_wait3A_136 : memref<10000x64xf32, #tpu.memory_space<hbm>>) dst(%arg10 : memref<80x64xf32, #tpu.memory_space<vmem>>)
      "tpu.region"() ({
        %run_scoped3A_137 = tpu.sem_alloc : memref<!tpu.dma_semaphore, #tpu.memory_space<semaphore_mem>>
        %dma_start3A_138 = arith.constant 0 : i32
        %dma_start3A_139 = tpu.memref_slice %arg7[%add3A_120, %dma_start3A_138] : memref<125x80xi32, #tpu.memory_space<vmem>> -> memref<1x80xi32, #tpu.memory_space<vmem>>
        %dma_start3A_140 = tpu.memref_squeeze %dma_start3A_139 : memref<1x80xi32, #tpu.memory_space<vmem>> -> memref<80xi32, #tpu.memory_space<vmem>>
        %dma_start3A_141 = arith.constant 0 : i32
        %dma_start3A_142 = arith.constant 0 : i32
        %dma_start3A_143 = tpu.memref_slice %arg11[%dma_start3A_141, %dma_start3A_142] : memref<10240x64xf32, #tpu.memory_space<vmem_shared>> -> memref<10240x64xf32, #tpu.memory_space<vmem_shared>>
        tpu.enqueue_indirect_dma source(%arg10 : memref<80x64xf32, #tpu.memory_space<vmem>>) target(%dma_start3A_143 : memref<10240x64xf32, #tpu.memory_space<vmem_shared>>) offsets(%dma_start3A_140 : memref<80xi32, #tpu.memory_space<vmem>>) semaphore(%run_scoped3A_137 : memref<!tpu.dma_semaphore, #tpu.memory_space<semaphore_mem>>) {add = true}
        %dma_wait3A_144 = arith.constant 0 : i32
        %dma_wait3A_145 = tpu.memref_slice %arg7[%add3A_120, %dma_wait3A_144] : memref<125x80xi32, #tpu.memory_space<vmem>> -> memref<1x80xi32, #tpu.memory_space<vmem>>
        %dma_wait3A_146 = tpu.memref_squeeze %dma_wait3A_145 : memref<1x80xi32, #tpu.memory_space<vmem>> -> memref<80xi32, #tpu.memory_space<vmem>>
        %dma_wait3A_147 = arith.constant 0 : i32
        %dma_wait3A_148 = arith.constant 0 : i32
        %dma_wait3A_149 = tpu.memref_slice %arg11[%dma_wait3A_147, %dma_wait3A_148] : memref<10240x64xf32, #tpu.memory_space<vmem_shared>> -> memref<10240x64xf32, #tpu.memory_space<vmem_shared>>
        tpu.wait_indirect_dma semaphore(%run_scoped3A_137 : memref<!tpu.dma_semaphore, #tpu.memory_space<semaphore_mem>>) src(%arg10 : memref<80x64xf32, #tpu.memory_space<vmem>>) dst(%dma_wait3A_149 : memref<10240x64xf32, #tpu.memory_space<vmem_shared>>)
        tpu.yield
      }) : () -> ()
    }
    %scan3A_57 = arith.constant 41 : i32
    %dma_wait3A = arith.constant 123 : i32
    %dma_wait3A_58 = arith.constant 0 : i32
    %dma_wait3A_59 = tpu.memref_slice %arg6[%dma_wait3A, %dma_wait3A_58] : memref<125x80xi32, #tpu.memory_space<vmem>> -> memref<1x80xi32, #tpu.memory_space<vmem>>
    %dma_wait3A_60 = tpu.memref_squeeze %dma_wait3A_59 : memref<1x80xi32, #tpu.memory_space<vmem>> -> memref<80xi32, #tpu.memory_space<vmem>>
    %dma_wait3A_61 = arith.constant 0 : i32
    %dma_wait3A_62 = arith.constant 0 : i32
    %dma_wait3A_63 = tpu.memref_slice %arg4[%dma_wait3A_61, %dma_wait3A_62] : memref<10000x64xf32, #tpu.memory_space<hbm>> -> memref<10000x64xf32, #tpu.memory_space<hbm>>
    tpu.wait_indirect_dma semaphore(%arg12 : memref<!tpu.dma_semaphore, #tpu.memory_space<semaphore_mem>>) src(%dma_wait3A_63 : memref<10000x64xf32, #tpu.memory_space<hbm>>) dst(%arg8 : memref<80x64xf32, #tpu.memory_space<vmem>>)
    %run_scoped3A = arith.constant 123 : i32
    "tpu.region"() ({
      %run_scoped3A_77 = tpu.sem_alloc : memref<!tpu.dma_semaphore, #tpu.memory_space<semaphore_mem>>
      %dma_start3A_78 = arith.constant 0 : i32
      %dma_start3A_79 = tpu.memref_slice %arg7[%run_scoped3A, %dma_start3A_78] : memref<125x80xi32, #tpu.memory_space<vmem>> -> memref<1x80xi32, #tpu.memory_space<vmem>>
      %dma_start3A_80 = tpu.memref_squeeze %dma_start3A_79 : memref<1x80xi32, #tpu.memory_space<vmem>> -> memref<80xi32, #tpu.memory_space<vmem>>
      %dma_start3A_81 = arith.constant 0 : i32
      %dma_start3A_82 = arith.constant 0 : i32
      %dma_start3A_83 = tpu.memref_slice %arg11[%dma_start3A_81, %dma_start3A_82] : memref<10240x64xf32, #tpu.memory_space<vmem_shared>> -> memref<10240x64xf32, #tpu.memory_space<vmem_shared>>
      tpu.enqueue_indirect_dma source(%arg8 : memref<80x64xf32, #tpu.memory_space<vmem>>) target(%dma_start3A_83 : memref<10240x64xf32, #tpu.memory_space<vmem_shared>>) offsets(%dma_start3A_80 : memref<80xi32, #tpu.memory_space<vmem>>) semaphore(%run_scoped3A_77 : memref<!tpu.dma_semaphore, #tpu.memory_space<semaphore_mem>>) {add = true}
      %dma_wait3A_84 = arith.constant 0 : i32
      %dma_wait3A_85 = tpu.memref_slice %arg7[%run_scoped3A, %dma_wait3A_84] : memref<125x80xi32, #tpu.memory_space<vmem>> -> memref<1x80xi32, #tpu.memory_space<vmem>>
      %dma_wait3A_86 = tpu.memref_squeeze %dma_wait3A_85 : memref<1x80xi32, #tpu.memory_space<vmem>> -> memref<80xi32, #tpu.memory_space<vmem>>
      %dma_wait3A_87 = arith.constant 0 : i32
      %dma_wait3A_88 = arith.constant 0 : i32
      %dma_wait3A_89 = tpu.memref_slice %arg11[%dma_wait3A_87, %dma_wait3A_88] : memref<10240x64xf32, #tpu.memory_space<vmem_shared>> -> memref<10240x64xf32, #tpu.memory_space<vmem_shared>>
      tpu.wait_indirect_dma semaphore(%run_scoped3A_77 : memref<!tpu.dma_semaphore, #tpu.memory_space<semaphore_mem>>) src(%arg8 : memref<80x64xf32, #tpu.memory_space<vmem>>) dst(%dma_wait3A_89 : memref<10240x64xf32, #tpu.memory_space<vmem_shared>>)
      tpu.yield
    }) : () -> ()
    %dma_wait3A_64 = arith.constant 124 : i32
    %dma_wait3A_65 = arith.constant 0 : i32
    %dma_wait3A_66 = tpu.memref_slice %arg6[%dma_wait3A_64, %dma_wait3A_65] : memref<125x80xi32, #tpu.memory_space<vmem>> -> memref<1x80xi32, #tpu.memory_space<vmem>>
    %dma_wait3A_67 = tpu.memref_squeeze %dma_wait3A_66 : memref<1x80xi32, #tpu.memory_space<vmem>> -> memref<80xi32, #tpu.memory_space<vmem>>
    %dma_wait3A_68 = arith.constant 0 : i32
    %dma_wait3A_69 = arith.constant 0 : i32
    %dma_wait3A_70 = tpu.memref_slice %arg4[%dma_wait3A_68, %dma_wait3A_69] : memref<10000x64xf32, #tpu.memory_space<hbm>> -> memref<10000x64xf32, #tpu.memory_space<hbm>>
    tpu.wait_indirect_dma semaphore(%arg13 : memref<!tpu.dma_semaphore, #tpu.memory_space<semaphore_mem>>) src(%dma_wait3A_70 : memref<10000x64xf32, #tpu.memory_space<hbm>>) dst(%arg9 : memref<80x64xf32, #tpu.memory_space<vmem>>)
    %run_scoped3A_71 = arith.constant 124 : i32
    "tpu.region"() ({
      %run_scoped3A_77 = tpu.sem_alloc : memref<!tpu.dma_semaphore, #tpu.memory_space<semaphore_mem>>
      %dma_start3A_78 = arith.constant 0 : i32
      %dma_start3A_79 = tpu.memref_slice %arg7[%run_scoped3A_71, %dma_start3A_78] : memref<125x80xi32, #tpu.memory_space<vmem>> -> memref<1x80xi32, #tpu.memory_space<vmem>>
      %dma_start3A_80 = tpu.memref_squeeze %dma_start3A_79 : memref<1x80xi32, #tpu.memory_space<vmem>> -> memref<80xi32, #tpu.memory_space<vmem>>
      %dma_start3A_81 = arith.constant 0 : i32
      %dma_start3A_82 = arith.constant 0 : i32
      %dma_start3A_83 = tpu.memref_slice %arg11[%dma_start3A_81, %dma_start3A_82] : memref<10240x64xf32, #tpu.memory_space<vmem_shared>> -> memref<10240x64xf32, #tpu.memory_space<vmem_shared>>
      tpu.enqueue_indirect_dma source(%arg9 : memref<80x64xf32, #tpu.memory_space<vmem>>) target(%dma_start3A_83 : memref<10240x64xf32, #tpu.memory_space<vmem_shared>>) offsets(%dma_start3A_80 : memref<80xi32, #tpu.memory_space<vmem>>) semaphore(%run_scoped3A_77 : memref<!tpu.dma_semaphore, #tpu.memory_space<semaphore_mem>>) {add = true}
      %dma_wait3A_84 = arith.constant 0 : i32
      %dma_wait3A_85 = tpu.memref_slice %arg7[%run_scoped3A_71, %dma_wait3A_84] : memref<125x80xi32, #tpu.memory_space<vmem>> -> memref<1x80xi32, #tpu.memory_space<vmem>>
      %dma_wait3A_86 = tpu.memref_squeeze %dma_wait3A_85 : memref<1x80xi32, #tpu.memory_space<vmem>> -> memref<80xi32, #tpu.memory_space<vmem>>
      %dma_wait3A_87 = arith.constant 0 : i32
      %dma_wait3A_88 = arith.constant 0 : i32
      %dma_wait3A_89 = tpu.memref_slice %arg11[%dma_wait3A_87, %dma_wait3A_88] : memref<10240x64xf32, #tpu.memory_space<vmem_shared>> -> memref<10240x64xf32, #tpu.memory_space<vmem_shared>>
      tpu.wait_indirect_dma semaphore(%run_scoped3A_77 : memref<!tpu.dma_semaphore, #tpu.memory_space<semaphore_mem>>) src(%arg9 : memref<80x64xf32, #tpu.memory_space<vmem>>) dst(%dma_wait3A_89 : memref<10240x64xf32, #tpu.memory_space<vmem_shared>>)
      tpu.yield
    }) : () -> ()
    %barrier3A_72 = arith.constant 0 : index
    tpu.barrier barrier_id(%barrier3A_72)
    %mul3A_73 = arith.constant 640 : i32
    %mul3A_74 = arith.muli %arg1, %mul3A_73 : i32
    %mul3A_75 = arith.constant 640 : i32
    %mul3A_76 = arith.muli %arg1, %mul3A_75 : i32
    "tpu.region"() ({
      %run_scoped3A_77 = tpu.sem_alloc : memref<!tpu.dma_semaphore, #tpu.memory_space<semaphore_mem>>
      %dma_start3A_78 = arith.constant 0 : i32
      %dma_start3A_79 = tpu.memref_slice %arg5[%arg0, %mul3A_76, %dma_start3A_78] : memref<2x10240x64xf32, #tpu.memory_space<hbm>> -> memref<1x640x64xf32, #tpu.memory_space<hbm>>
      %dma_start3A_80 = tpu.memref_squeeze %dma_start3A_79 : memref<1x640x64xf32, #tpu.memory_space<hbm>> -> memref<640x64xf32, #tpu.memory_space<hbm>>
      %dma_start3A_81 = arith.constant 0 : i32
      %dma_start3A_82 = tpu.memref_slice %arg11[%mul3A_74, %dma_start3A_81] : memref<10240x64xf32, #tpu.memory_space<vmem_shared>> -> memref<640x64xf32, #tpu.memory_space<vmem_shared>>
      tpu.enqueue_dma source(%dma_start3A_82 : memref<640x64xf32, #tpu.memory_space<vmem_shared>>) target(%dma_start3A_80 : memref<640x64xf32, #tpu.memory_space<hbm>>) target_semaphore(%run_scoped3A_77 : memref<!tpu.dma_semaphore, #tpu.memory_space<semaphore_mem>>)
      %dma_wait3A_83 = arith.constant 0 : i32
      %dma_wait3A_84 = tpu.memref_slice %arg5[%arg0, %mul3A_76, %dma_wait3A_83] : memref<2x10240x64xf32, #tpu.memory_space<hbm>> -> memref<1x640x64xf32, #tpu.memory_space<hbm>>
      %dma_wait3A_85 = tpu.memref_squeeze %dma_wait3A_84 : memref<1x640x64xf32, #tpu.memory_space<hbm>> -> memref<640x64xf32, #tpu.memory_space<hbm>>
      %dma_wait3A_86 = arith.constant 0 : i32
      %dma_wait3A_87 = tpu.memref_slice %arg11[%mul3A_74, %dma_wait3A_86] : memref<10240x64xf32, #tpu.memory_space<vmem_shared>> -> memref<640x64xf32, #tpu.memory_space<vmem_shared>>
      tpu.wait_dma2 semaphore(%run_scoped3A_77 : memref<!tpu.dma_semaphore, #tpu.memory_space<semaphore_mem>>) src(%dma_wait3A_87 : memref<640x64xf32, #tpu.memory_space<vmem_shared>>) dst(%dma_wait3A_85 : memref<640x64xf32, #tpu.memory_space<hbm>>)
      tpu.yield
    }) : () -> ()
    return
  }
}

module attributes {stable_mosaic.version = 14 : i64} {
  func.func @_mm1_body(%arg0: i32, %arg1: memref<5000x128xf32, #tpu.memory_space<vmem>>, %arg2: memref<128x128xf32, #tpu.memory_space<vmem>>, %arg3: memref<2x5000x16xf32, #tpu.memory_space<vmem>>, %arg4: memref<5000x128xf32, #tpu.memory_space<vmem>>, %arg5: memref<5000x1xf32, #tpu.memory_space<vmem>>) attributes {dimension_semantics = [#tpu.dimension_semantics<arbitrary>], iteration_bounds = array<i64: 2>, scalar_prefetch = 0 : i64, scratch_operands = 0 : i64, tpu.core_type = #tpu.core_type<tc>, window_params = [{transform_indices = @transform_0, window_bounds = array<i64: 5000, 128>}, {pipeline_mode = #tpu.pipeline_mode<synchronous>, transform_indices = @transform_1, window_bounds = array<i64: 128, 128>}, {transform_indices = @transform_2, window_bounds = array<i64: 2, 5000, 16>}, {transform_indices = @transform_3, window_bounds = array<i64: 5000, 128>}, {transform_indices = @transform_4, window_bounds = array<i64: 5000, 1>}]} {
    %get3A = arith.constant 0 : index
    %get3A_0 = arith.constant 0 : index
    %get3A_1 = arith.constant 0 : index
    %get3A_2 = vector.load %arg3[%get3A, %get3A_0, %get3A_1] : memref<2x5000x16xf32, #tpu.memory_space<vmem>>, vector<1x5000x1xf32>
    %get3A_3 = vector.shape_cast %get3A_2 : vector<1x5000x1xf32> to vector<5000x1xf32>
    %get3A_4 = arith.constant 1 : index
    %get3A_5 = arith.constant 0 : index
    %get3A_6 = arith.constant 0 : index
    %get3A_7 = vector.load %arg3[%get3A_4, %get3A_5, %get3A_6] : memref<2x5000x16xf32, #tpu.memory_space<vmem>>, vector<1x5000x1xf32>
    %get3A_8 = vector.shape_cast %get3A_7 : vector<1x5000x1xf32> to vector<5000x1xf32>
    %add3A = arith.addf %get3A_3, %get3A_8 : vector<5000x1xf32>
    %add3A_9 = arith.constant 1.000000e+00 : f32
    %add3A_10 = vector.broadcast %add3A_9 : f32 to vector<5000x1xf32>
    %add3A_11 = arith.addf %add3A, %add3A_10 : vector<5000x1xf32>
    %rsqrt3A = math.rsqrt %add3A_11 : vector<5000x1xf32>
    %swap3A = arith.constant 0 : index
    %swap3A_12 = arith.constant 0 : index
    %swap3A_13 = vector.load %arg5[%swap3A, %swap3A_12] : memref<5000x1xf32, #tpu.memory_space<vmem>>, vector<5000x1xf32>
    tpu.vector_store %arg5[%swap3A, %swap3A_12], %rsqrt3A {strides = array<i32>} : memref<5000x1xf32, #tpu.memory_space<vmem>>, vector<5000x1xf32>,
    %get3A_14 = arith.constant 0 : index
    %get3A_15 = arith.constant 0 : index
    %get3A_16 = vector.load %arg1[%get3A_14, %get3A_15] : memref<5000x128xf32, #tpu.memory_space<vmem>>, vector<5000x128xf32>
    %get3A_17 = arith.constant 0 : index
    %get3A_18 = arith.constant 0 : index
    %get3A_19 = vector.load %arg2[%get3A_17, %get3A_18] : memref<128x128xf32, #tpu.memory_space<vmem>>, vector<128x128xf32>
    %dot_general3A = arith.constant dense<0.000000e+00> : vector<5000x128xf32>
    %dot_general3A_20 = tpu.matmul %get3A_16, %get3A_19, %dot_general3A {dimension_numbers = #tpu.dot_dimension_numbers<[1], [0], [0], [1], [0, 0, 1, 1], [], []>, transpose_lhs_hint = false} : vector<5000x128xf32>, vector<128x128xf32>, vector<5000x128xf32> -> vector<5000x128xf32>
    %mul3A = vector.broadcast %rsqrt3A : vector<5000x1xf32> to vector<5000x128xf32>
    %mul3A_21 = arith.mulf %dot_general3A_20, %mul3A : vector<5000x128xf32>
    %swap3A_22 = arith.constant 0 : index
    %swap3A_23 = arith.constant 0 : index
    %swap3A_24 = vector.load %arg4[%swap3A_22, %swap3A_23] : memref<5000x128xf32, #tpu.memory_space<vmem>>, vector<5000x128xf32>
    tpu.vector_store %arg4[%swap3A_22, %swap3A_23], %mul3A_21 {strides = array<i32>} : memref<5000x128xf32, #tpu.memory_space<vmem>>, vector<5000x128xf32>,
    return
  }
  func.func @transform_0(%arg0: i32) -> (i32, i32) {
    %c0_i32 = arith.constant 0 : i32
    %c0_i32_0 = arith.constant 0 : i32
    return %arg0, %c0_i32 : i32, i32
  }
  func.func @transform_1(%arg0: i32) -> (i32, i32) {
    %c0_i32 = arith.constant 0 : i32
    %c0_i32_0 = arith.constant 0 : i32
    %c0_i32_1 = arith.constant 0 : i32
    return %c0_i32, %c0_i32_0 : i32, i32
  }
  func.func @transform_2(%arg0: i32) -> (i32, i32, i32) {
    %c0_i32 = arith.constant 0 : i32
    %c0_i32_0 = arith.constant 0 : i32
    %c0_i32_1 = arith.constant 0 : i32
    return %c0_i32, %arg0, %c0_i32_0 : i32, i32, i32
  }
  func.func @transform_3(%arg0: i32) -> (i32, i32) {
    %c0_i32 = arith.constant 0 : i32
    %c0_i32_0 = arith.constant 0 : i32
    return %arg0, %c0_i32 : i32, i32
  }
  func.func @transform_4(%arg0: i32) -> (i32, i32) {
    %c0_i32 = arith.constant 0 : i32
    %c0_i32_0 = arith.constant 0 : i32
    return %arg0, %c0_i32 : i32, i32
  }
}

module attributes {stable_mosaic.version = 14 : i64} {
  func.func @_comb_bn_mm_body(%arg0: i32, %arg1: memref<2x5000x128xf32, #tpu.memory_space<vmem>>, %arg2: memref<5000x128xf32, #tpu.memory_space<vmem>>, %arg3: memref<5000x1xf32, #tpu.memory_space<vmem>>, %arg4: memref<1x128xf32, #tpu.memory_space<vmem>>, %arg5: memref<1x128xf32, #tpu.memory_space<vmem>>, %arg6: memref<128x64xf32, #tpu.memory_space<vmem>>, %arg7: memref<1x64xf32, #tpu.memory_space<vmem>>, %arg8: memref<5000x1xf32, #tpu.memory_space<vmem>>, %arg9: memref<5000x64xf32, #tpu.memory_space<vmem>>, %arg10: memref<10000x128xf32, #tpu.memory_space<vmem>>, %arg11: memref<2x128xf32, #tpu.memory_space<vmem>>) attributes {dimension_semantics = [#tpu.dimension_semantics<arbitrary>], iteration_bounds = array<i64: 4>, scalar_prefetch = 0 : i64, scratch_operands = 2 : i64, tpu.core_type = #tpu.core_type<tc>, window_params = [{transform_indices = @transform_0, window_bounds = array<i64: 2, 5000, 128>}, {transform_indices = @transform_1, window_bounds = array<i64: 5000, 128>}, {transform_indices = @transform_2, window_bounds = array<i64: 5000, 1>}, {pipeline_mode = #tpu.pipeline_mode<synchronous>, transform_indices = @transform_3, window_bounds = array<i64: 1, 128>}, {pipeline_mode = #tpu.pipeline_mode<synchronous>, transform_indices = @transform_4, window_bounds = array<i64: 1, 128>}, {pipeline_mode = #tpu.pipeline_mode<synchronous>, transform_indices = @transform_5, window_bounds = array<i64: 128, 64>}, {pipeline_mode = #tpu.pipeline_mode<synchronous>, transform_indices = @transform_6, window_bounds = array<i64: 1, 64>}, {transform_indices = @transform_7, window_bounds = array<i64: 5000, 1>}, {transform_indices = @transform_8, window_bounds = array<i64: 5000, 64>}]} {
    %lt3A = arith.constant 2 : i32
    %lt3A_0 = arith.cmpi slt, %arg0, %lt3A : i32
    %convert_element_type3A = arith.extui %lt3A_0 : i1 to i32
    %cond3A = arith.constant 0 : i32
    %cond3A_1 = arith.cmpi ne, %convert_element_type3A, %cond3A : i32
    scf.if %cond3A_1 {
      %get3A = arith.constant 0 : index
      %get3A_6 = arith.constant 0 : index
      %get3A_7 = arith.constant 0 : index
      %get3A_8 = vector.load %arg1[%get3A, %get3A_6, %get3A_7] : memref<2x5000x128xf32, #tpu.memory_space<vmem>>, vector<1x5000x128xf32>
      %get3A_9 = vector.shape_cast %get3A_8 : vector<1x5000x128xf32> to vector<5000x128xf32>
      %get3A_10 = arith.constant 1 : index
      %get3A_11 = arith.constant 0 : index
      %get3A_12 = arith.constant 0 : index
      %get3A_13 = vector.load %arg1[%get3A_10, %get3A_11, %get3A_12] : memref<2x5000x128xf32, #tpu.memory_space<vmem>>, vector<1x5000x128xf32>
      %get3A_14 = vector.shape_cast %get3A_13 : vector<1x5000x128xf32> to vector<5000x128xf32>
      %add3A = arith.addf %get3A_9, %get3A_14 : vector<5000x128xf32>
      %get3A_15 = arith.constant 0 : index
      %get3A_16 = arith.constant 0 : index
      %get3A_17 = vector.load %arg2[%get3A_15, %get3A_16] : memref<5000x128xf32, #tpu.memory_space<vmem>>, vector<5000x128xf32>
      %add3A_18 = arith.addf %add3A, %get3A_17 : vector<5000x128xf32>
      %get3A_19 = arith.constant 0 : index
      %get3A_20 = arith.constant 0 : index
      %get3A_21 = vector.load %arg3[%get3A_19, %get3A_20] : memref<5000x1xf32, #tpu.memory_space<vmem>>, vector<5000x1xf32>
      %mul3A = vector.broadcast %get3A_21 : vector<5000x1xf32> to vector<5000x128xf32>
      %mul3A_22 = arith.mulf %add3A_18, %mul3A : vector<5000x128xf32>
      %mul3A_23 = arith.constant 5000 : i32
      %mul3A_24 = arith.muli %arg0, %mul3A_23 : i32
      %multiple_of3A = tpu.assume_multiple %mul3A_24, 5000 : i32
      %swap3A = arith.index_cast %multiple_of3A : i32 to index
      %swap3A_25 = arith.constant 0 : index
      %swap3A_26 = vector.load %arg10[%swap3A, %swap3A_25] : memref<10000x128xf32, #tpu.memory_space<vmem>>, vector<5000x128xf32>
      tpu.vector_store %arg10[%swap3A, %swap3A_25], %mul3A_22 {strides = array<i32>} : memref<10000x128xf32, #tpu.memory_space<vmem>>, vector<5000x128xf32>,
      %eq3A = arith.constant 0 : i32
      %eq3A_27 = arith.cmpi eq, %arg0, %eq3A : i32
      %convert_element_type3A_28 = arith.extui %eq3A_27 : i1 to i32
      %cond3A_29 = arith.constant 0 : i32
      %cond3A_30 = arith.cmpi ne, %convert_element_type3A_28, %cond3A_29 : i32
      scf.if %cond3A_30 {
        %broadcast_in_dim3A_43 = arith.constant 0.000000e+00 : f32
        %broadcast_in_dim3A_44 = vector.broadcast %broadcast_in_dim3A_43 : f32 to vector<2x128xf32>
        %swap3A_45 = arith.constant 0 : index
        %swap3A_46 = arith.constant 0 : index
        %swap3A_47 = vector.load %arg11[%swap3A_45, %swap3A_46] : memref<2x128xf32, #tpu.memory_space<vmem>>, vector<2x128xf32>
        tpu.vector_store %arg11[%swap3A_45, %swap3A_46], %broadcast_in_dim3A_44 {strides = array<i32>} : memref<2x128xf32, #tpu.memory_space<vmem>>, vector<2x128xf32>,
      } else {
      }
      %reduce_sum3A = arith.constant dense<0.000000e+00> : vector<128xf32>
      %reduce_sum3A_31 = vector.multi_reduction <add>, %mul3A_22, %reduce_sum3A [0] : vector<5000x128xf32> to vector<128xf32>
      %broadcast_in_dim3A = vector.shape_cast %reduce_sum3A_31 : vector<128xf32> to vector<1x128xf32>
      %mul3A_32 = arith.mulf %mul3A_22, %mul3A_22 : vector<5000x128xf32>
      %reduce_sum3A_33 = arith.constant dense<0.000000e+00> : vector<128xf32>
      %reduce_sum3A_34 = vector.multi_reduction <add>, %mul3A_32, %reduce_sum3A_33 [0] : vector<5000x128xf32> to vector<128xf32>
      %broadcast_in_dim3A_35 = vector.shape_cast %reduce_sum3A_34 : vector<128xf32> to vector<1x128xf32>
      %get3A_36 = arith.constant 0 : index
      %get3A_37 = arith.constant 0 : index
      %get3A_38 = vector.load %arg11[%get3A_36, %get3A_37] : memref<2x128xf32, #tpu.memory_space<vmem>>, vector<2x128xf32>
      %concatenate3A = tpu.concatenate %broadcast_in_dim3A, %broadcast_in_dim3A_35 in 0 : vector<1x128xf32>, vector<1x128xf32> -> vector<2x128xf32>
      %add3A_39 = arith.addf %get3A_38, %concatenate3A : vector<2x128xf32>
      %swap3A_40 = arith.constant 0 : index
      %swap3A_41 = arith.constant 0 : index
      %swap3A_42 = vector.load %arg11[%swap3A_40, %swap3A_41] : memref<2x128xf32, #tpu.memory_space<vmem>>, vector<2x128xf32>
      tpu.vector_store %arg11[%swap3A_40, %swap3A_41], %add3A_39 {strides = array<i32>} : memref<2x128xf32, #tpu.memory_space<vmem>>, vector<2x128xf32>,
    } else {
    }
    %ge3A = arith.constant 2 : i32
    %ge3A_2 = arith.cmpi sge, %arg0, %ge3A : i32
    %convert_element_type3A_3 = arith.extui %ge3A_2 : i1 to i32
    %cond3A_4 = arith.constant 0 : i32
    %cond3A_5 = arith.cmpi ne, %convert_element_type3A_3, %cond3A_4 : i32
    scf.if %cond3A_5 {
      %get3A = arith.constant 0 : index
      %get3A_6 = arith.constant 0 : index
      %get3A_7 = vector.load %arg11[%get3A, %get3A_6] : memref<2x128xf32, #tpu.memory_space<vmem>>, vector<1x128xf32>
      %mul3A = arith.constant 9.99999974E-5 : f32
      %mul3A_8 = vector.broadcast %mul3A : f32 to vector<1x128xf32>
      %mul3A_9 = arith.mulf %get3A_7, %mul3A_8 : vector<1x128xf32>
      %get3A_10 = arith.constant 1 : index
      %get3A_11 = arith.constant 0 : index
      %get3A_12 = vector.load %arg11[%get3A_10, %get3A_11] : memref<2x128xf32, #tpu.memory_space<vmem>>, vector<1x128xf32>
      %mul3A_13 = arith.constant 9.99999974E-5 : f32
      %mul3A_14 = vector.broadcast %mul3A_13 : f32 to vector<1x128xf32>
      %mul3A_15 = arith.mulf %get3A_12, %mul3A_14 : vector<1x128xf32>
      %mul3A_16 = arith.mulf %mul3A_9, %mul3A_9 : vector<1x128xf32>
      %sub3A = arith.subf %mul3A_15, %mul3A_16 : vector<1x128xf32>
      %get3A_17 = arith.constant 0 : index
      %get3A_18 = arith.constant 0 : index
      %get3A_19 = vector.load %arg4[%get3A_17, %get3A_18] : memref<1x128xf32, #tpu.memory_space<vmem>>, vector<1x128xf32>
      %add3A = arith.constant 9.99999974E-6 : f32
      %add3A_20 = vector.broadcast %add3A : f32 to vector<1x128xf32>
      %add3A_21 = arith.addf %sub3A, %add3A_20 : vector<1x128xf32>
      %rsqrt3A = math.rsqrt %add3A_21 : vector<1x128xf32>
      %mul3A_22 = arith.mulf %get3A_19, %rsqrt3A : vector<1x128xf32>
      %get3A_23 = arith.constant 0 : index
      %get3A_24 = arith.constant 0 : index
      %get3A_25 = vector.load %arg5[%get3A_23, %get3A_24] : memref<1x128xf32, #tpu.memory_space<vmem>>, vector<1x128xf32>
      %mul3A_26 = arith.mulf %mul3A_9, %mul3A_22 : vector<1x128xf32>
      %sub3A_27 = arith.subf %get3A_25, %mul3A_26 : vector<1x128xf32>
      %sub3A_28 = arith.constant 2 : i32
      %sub3A_29 = arith.subi %arg0, %sub3A_28 : i32
      %mul3A_30 = arith.constant 5000 : i32
      %mul3A_31 = arith.muli %sub3A_29, %mul3A_30 : i32
      %multiple_of3A = tpu.assume_multiple %mul3A_31, 5000 : i32
      %get3A_32 = arith.index_cast %multiple_of3A : i32 to index
      %get3A_33 = arith.constant 0 : index
      %get3A_34 = vector.load %arg10[%get3A_32, %get3A_33] : memref<10000x128xf32, #tpu.memory_space<vmem>>, vector<5000x128xf32>
      %mul3A_35 = vector.broadcast %mul3A_22 : vector<1x128xf32> to vector<5000x128xf32>
      %mul3A_36 = arith.mulf %get3A_34, %mul3A_35 : vector<5000x128xf32>
      %add3A_37 = vector.broadcast %sub3A_27 : vector<1x128xf32> to vector<5000x128xf32>
      %add3A_38 = arith.addf %mul3A_36, %add3A_37 : vector<5000x128xf32>
      %max3A = arith.constant 0.000000e+00 : f32
      %max3A_39 = vector.broadcast %max3A : f32 to vector<5000x128xf32>
      %max3A_40 = arith.maximumf %add3A_38, %max3A_39 : vector<5000x128xf32>
      %get3A_41 = arith.constant 0 : index
      %get3A_42 = arith.constant 0 : index
      %get3A_43 = vector.load %arg6[%get3A_41, %get3A_42] : memref<128x64xf32, #tpu.memory_space<vmem>>, vector<128x64xf32>
      %dot_general3A = arith.constant dense<0.000000e+00> : vector<5000x64xf32>
      %dot_general3A_44 = tpu.matmul %max3A_40, %get3A_43, %dot_general3A {dimension_numbers = #tpu.dot_dimension_numbers<[1], [0], [0], [1], [0, 0, 1, 1], [], []>, transpose_lhs_hint = false} : vector<5000x128xf32>, vector<128x64xf32>, vector<5000x64xf32> -> vector<5000x64xf32>
      %get3A_45 = arith.constant 0 : index
      %get3A_46 = arith.constant 0 : index
      %get3A_47 = vector.load %arg7[%get3A_45, %get3A_46] : memref<1x64xf32, #tpu.memory_space<vmem>>, vector<1x64xf32>
      %add3A_48 = vector.broadcast %get3A_47 : vector<1x64xf32> to vector<5000x64xf32>
      %add3A_49 = arith.addf %dot_general3A_44, %add3A_48 : vector<5000x64xf32>
      %get3A_50 = arith.constant 0 : index
      %get3A_51 = arith.constant 0 : index
      %get3A_52 = vector.load %arg8[%get3A_50, %get3A_51] : memref<5000x1xf32, #tpu.memory_space<vmem>>, vector<5000x1xf32>
      %mul3A_53 = vector.broadcast %get3A_52 : vector<5000x1xf32> to vector<5000x64xf32>
      %mul3A_54 = arith.mulf %add3A_49, %mul3A_53 : vector<5000x64xf32>
      %swap3A = arith.constant 0 : index
      %swap3A_55 = arith.constant 0 : index
      %swap3A_56 = vector.load %arg9[%swap3A, %swap3A_55] : memref<5000x64xf32, #tpu.memory_space<vmem>>, vector<5000x64xf32>
      tpu.vector_store %arg9[%swap3A, %swap3A_55], %mul3A_54 {strides = array<i32>} : memref<5000x64xf32, #tpu.memory_space<vmem>>, vector<5000x64xf32>,
    } else {
    }
    return
  }
  func.func @transform_0(%arg0: i32) -> (i32, i32, i32) {
    %min3A = arith.constant 1 : i32
    %min3A_0 = arith.minsi %arg0, %min3A : i32
    %c0_i32 = arith.constant 0 : i32
    %c0_i32_1 = arith.constant 0 : i32
    %c0_i32_2 = arith.constant 0 : i32
    return %c0_i32, %min3A_0, %c0_i32_1 : i32, i32, i32
  }
  func.func @transform_1(%arg0: i32) -> (i32, i32) {
    %min3A = arith.constant 1 : i32
    %min3A_0 = arith.minsi %arg0, %min3A : i32
    %c0_i32 = arith.constant 0 : i32
    %c0_i32_1 = arith.constant 0 : i32
    return %min3A_0, %c0_i32 : i32, i32
  }
  func.func @transform_2(%arg0: i32) -> (i32, i32) {
    %min3A = arith.constant 1 : i32
    %min3A_0 = arith.minsi %arg0, %min3A : i32
    %c0_i32 = arith.constant 0 : i32
    %c0_i32_1 = arith.constant 0 : i32
    return %min3A_0, %c0_i32 : i32, i32
  }
  func.func @transform_3(%arg0: i32) -> (i32, i32) {
    %c0_i32 = arith.constant 0 : i32
    %c0_i32_0 = arith.constant 0 : i32
    %c0_i32_1 = arith.constant 0 : i32
    return %c0_i32, %c0_i32_0 : i32, i32
  }
  func.func @transform_4(%arg0: i32) -> (i32, i32) {
    %c0_i32 = arith.constant 0 : i32
    %c0_i32_0 = arith.constant 0 : i32
    %c0_i32_1 = arith.constant 0 : i32
    return %c0_i32, %c0_i32_0 : i32, i32
  }
  func.func @transform_5(%arg0: i32) -> (i32, i32) {
    %c0_i32 = arith.constant 0 : i32
    %c0_i32_0 = arith.constant 0 : i32
    %c0_i32_1 = arith.constant 0 : i32
    return %c0_i32, %c0_i32_0 : i32, i32
  }
  func.func @transform_6(%arg0: i32) -> (i32, i32) {
    %c0_i32 = arith.constant 0 : i32
    %c0_i32_0 = arith.constant 0 : i32
    %c0_i32_1 = arith.constant 0 : i32
    return %c0_i32, %c0_i32_0 : i32, i32
  }
  func.func @transform_7(%arg0: i32) -> (i32, i32) {
    %sub3A = arith.constant 2 : i32
    %sub3A_0 = arith.subi %arg0, %sub3A : i32
    %max3A = arith.constant 0 : i32
    %max3A_1 = arith.maxsi %sub3A_0, %max3A : i32
    %c0_i32 = arith.constant 0 : i32
    %c0_i32_2 = arith.constant 0 : i32
    return %max3A_1, %c0_i32 : i32, i32
  }
  func.func @transform_8(%arg0: i32) -> (i32, i32) {
    %sub3A = arith.constant 2 : i32
    %sub3A_0 = arith.subi %arg0, %sub3A : i32
    %max3A = arith.constant 0 : i32
    %max3A_1 = arith.maxsi %sub3A_0, %max3A : i32
    %c0_i32 = arith.constant 0 : i32
    %c0_i32_2 = arith.constant 0 : i32
    return %max3A_1, %c0_i32 : i32, i32
  }
}

module attributes {stable_mosaic.version = 14 : i64} {
  func.func @_comb_bn_mm_body(%arg0: i32, %arg1: memref<2x5000x64xf32, #tpu.memory_space<vmem>>, %arg2: memref<5000x64xf32, #tpu.memory_space<vmem>>, %arg3: memref<5000x1xf32, #tpu.memory_space<vmem>>, %arg4: memref<1x64xf32, #tpu.memory_space<vmem>>, %arg5: memref<1x64xf32, #tpu.memory_space<vmem>>, %arg6: memref<64x32xf32, #tpu.memory_space<vmem>>, %arg7: memref<1x32xf32, #tpu.memory_space<vmem>>, %arg8: memref<5000x1xf32, #tpu.memory_space<vmem>>, %arg9: memref<5000x32xf32, #tpu.memory_space<vmem>>, %arg10: memref<10000x64xf32, #tpu.memory_space<vmem>>, %arg11: memref<2x64xf32, #tpu.memory_space<vmem>>) attributes {dimension_semantics = [#tpu.dimension_semantics<arbitrary>], iteration_bounds = array<i64: 4>, scalar_prefetch = 0 : i64, scratch_operands = 2 : i64, tpu.core_type = #tpu.core_type<tc>, window_params = [{transform_indices = @transform_0, window_bounds = array<i64: 2, 5000, 64>}, {transform_indices = @transform_1, window_bounds = array<i64: 5000, 64>}, {transform_indices = @transform_2, window_bounds = array<i64: 5000, 1>}, {pipeline_mode = #tpu.pipeline_mode<synchronous>, transform_indices = @transform_3, window_bounds = array<i64: 1, 64>}, {pipeline_mode = #tpu.pipeline_mode<synchronous>, transform_indices = @transform_4, window_bounds = array<i64: 1, 64>}, {pipeline_mode = #tpu.pipeline_mode<synchronous>, transform_indices = @transform_5, window_bounds = array<i64: 64, 32>}, {pipeline_mode = #tpu.pipeline_mode<synchronous>, transform_indices = @transform_6, window_bounds = array<i64: 1, 32>}, {transform_indices = @transform_7, window_bounds = array<i64: 5000, 1>}, {transform_indices = @transform_8, window_bounds = array<i64: 5000, 32>}]} {
    %lt3A = arith.constant 2 : i32
    %lt3A_0 = arith.cmpi slt, %arg0, %lt3A : i32
    %convert_element_type3A = arith.extui %lt3A_0 : i1 to i32
    %cond3A = arith.constant 0 : i32
    %cond3A_1 = arith.cmpi ne, %convert_element_type3A, %cond3A : i32
    scf.if %cond3A_1 {
      %get3A = arith.constant 0 : index
      %get3A_6 = arith.constant 0 : index
      %get3A_7 = arith.constant 0 : index
      %get3A_8 = vector.load %arg1[%get3A, %get3A_6, %get3A_7] : memref<2x5000x64xf32, #tpu.memory_space<vmem>>, vector<1x5000x64xf32>
      %get3A_9 = vector.shape_cast %get3A_8 : vector<1x5000x64xf32> to vector<5000x64xf32>
      %get3A_10 = arith.constant 1 : index
      %get3A_11 = arith.constant 0 : index
      %get3A_12 = arith.constant 0 : index
      %get3A_13 = vector.load %arg1[%get3A_10, %get3A_11, %get3A_12] : memref<2x5000x64xf32, #tpu.memory_space<vmem>>, vector<1x5000x64xf32>
      %get3A_14 = vector.shape_cast %get3A_13 : vector<1x5000x64xf32> to vector<5000x64xf32>
      %add3A = arith.addf %get3A_9, %get3A_14 : vector<5000x64xf32>
      %get3A_15 = arith.constant 0 : index
      %get3A_16 = arith.constant 0 : index
      %get3A_17 = vector.load %arg2[%get3A_15, %get3A_16] : memref<5000x64xf32, #tpu.memory_space<vmem>>, vector<5000x64xf32>
      %add3A_18 = arith.addf %add3A, %get3A_17 : vector<5000x64xf32>
      %get3A_19 = arith.constant 0 : index
      %get3A_20 = arith.constant 0 : index
      %get3A_21 = vector.load %arg3[%get3A_19, %get3A_20] : memref<5000x1xf32, #tpu.memory_space<vmem>>, vector<5000x1xf32>
      %mul3A = vector.broadcast %get3A_21 : vector<5000x1xf32> to vector<5000x64xf32>
      %mul3A_22 = arith.mulf %add3A_18, %mul3A : vector<5000x64xf32>
      %mul3A_23 = arith.constant 5000 : i32
      %mul3A_24 = arith.muli %arg0, %mul3A_23 : i32
      %multiple_of3A = tpu.assume_multiple %mul3A_24, 5000 : i32
      %swap3A = arith.index_cast %multiple_of3A : i32 to index
      %swap3A_25 = arith.constant 0 : index
      %swap3A_26 = vector.load %arg10[%swap3A, %swap3A_25] : memref<10000x64xf32, #tpu.memory_space<vmem>>, vector<5000x64xf32>
      tpu.vector_store %arg10[%swap3A, %swap3A_25], %mul3A_22 {strides = array<i32>} : memref<10000x64xf32, #tpu.memory_space<vmem>>, vector<5000x64xf32>,
      %eq3A = arith.constant 0 : i32
      %eq3A_27 = arith.cmpi eq, %arg0, %eq3A : i32
      %convert_element_type3A_28 = arith.extui %eq3A_27 : i1 to i32
      %cond3A_29 = arith.constant 0 : i32
      %cond3A_30 = arith.cmpi ne, %convert_element_type3A_28, %cond3A_29 : i32
      scf.if %cond3A_30 {
        %broadcast_in_dim3A_43 = arith.constant 0.000000e+00 : f32
        %broadcast_in_dim3A_44 = vector.broadcast %broadcast_in_dim3A_43 : f32 to vector<2x64xf32>
        %swap3A_45 = arith.constant 0 : index
        %swap3A_46 = arith.constant 0 : index
        %swap3A_47 = vector.load %arg11[%swap3A_45, %swap3A_46] : memref<2x64xf32, #tpu.memory_space<vmem>>, vector<2x64xf32>
        tpu.vector_store %arg11[%swap3A_45, %swap3A_46], %broadcast_in_dim3A_44 {strides = array<i32>} : memref<2x64xf32, #tpu.memory_space<vmem>>, vector<2x64xf32>,
      } else {
      }
      %reduce_sum3A = arith.constant dense<0.000000e+00> : vector<64xf32>
      %reduce_sum3A_31 = vector.multi_reduction <add>, %mul3A_22, %reduce_sum3A [0] : vector<5000x64xf32> to vector<64xf32>
      %broadcast_in_dim3A = vector.shape_cast %reduce_sum3A_31 : vector<64xf32> to vector<1x64xf32>
      %mul3A_32 = arith.mulf %mul3A_22, %mul3A_22 : vector<5000x64xf32>
      %reduce_sum3A_33 = arith.constant dense<0.000000e+00> : vector<64xf32>
      %reduce_sum3A_34 = vector.multi_reduction <add>, %mul3A_32, %reduce_sum3A_33 [0] : vector<5000x64xf32> to vector<64xf32>
      %broadcast_in_dim3A_35 = vector.shape_cast %reduce_sum3A_34 : vector<64xf32> to vector<1x64xf32>
      %get3A_36 = arith.constant 0 : index
      %get3A_37 = arith.constant 0 : index
      %get3A_38 = vector.load %arg11[%get3A_36, %get3A_37] : memref<2x64xf32, #tpu.memory_space<vmem>>, vector<2x64xf32>
      %concatenate3A = tpu.concatenate %broadcast_in_dim3A, %broadcast_in_dim3A_35 in 0 : vector<1x64xf32>, vector<1x64xf32> -> vector<2x64xf32>
      %add3A_39 = arith.addf %get3A_38, %concatenate3A : vector<2x64xf32>
      %swap3A_40 = arith.constant 0 : index
      %swap3A_41 = arith.constant 0 : index
      %swap3A_42 = vector.load %arg11[%swap3A_40, %swap3A_41] : memref<2x64xf32, #tpu.memory_space<vmem>>, vector<2x64xf32>
      tpu.vector_store %arg11[%swap3A_40, %swap3A_41], %add3A_39 {strides = array<i32>} : memref<2x64xf32, #tpu.memory_space<vmem>>, vector<2x64xf32>,
    } else {
    }
    %ge3A = arith.constant 2 : i32
    %ge3A_2 = arith.cmpi sge, %arg0, %ge3A : i32
    %convert_element_type3A_3 = arith.extui %ge3A_2 : i1 to i32
    %cond3A_4 = arith.constant 0 : i32
    %cond3A_5 = arith.cmpi ne, %convert_element_type3A_3, %cond3A_4 : i32
    scf.if %cond3A_5 {
      %get3A = arith.constant 0 : index
      %get3A_6 = arith.constant 0 : index
      %get3A_7 = vector.load %arg11[%get3A, %get3A_6] : memref<2x64xf32, #tpu.memory_space<vmem>>, vector<1x64xf32>
      %mul3A = arith.constant 9.99999974E-5 : f32
      %mul3A_8 = vector.broadcast %mul3A : f32 to vector<1x64xf32>
      %mul3A_9 = arith.mulf %get3A_7, %mul3A_8 : vector<1x64xf32>
      %get3A_10 = arith.constant 1 : index
      %get3A_11 = arith.constant 0 : index
      %get3A_12 = vector.load %arg11[%get3A_10, %get3A_11] : memref<2x64xf32, #tpu.memory_space<vmem>>, vector<1x64xf32>
      %mul3A_13 = arith.constant 9.99999974E-5 : f32
      %mul3A_14 = vector.broadcast %mul3A_13 : f32 to vector<1x64xf32>
      %mul3A_15 = arith.mulf %get3A_12, %mul3A_14 : vector<1x64xf32>
      %mul3A_16 = arith.mulf %mul3A_9, %mul3A_9 : vector<1x64xf32>
      %sub3A = arith.subf %mul3A_15, %mul3A_16 : vector<1x64xf32>
      %get3A_17 = arith.constant 0 : index
      %get3A_18 = arith.constant 0 : index
      %get3A_19 = vector.load %arg4[%get3A_17, %get3A_18] : memref<1x64xf32, #tpu.memory_space<vmem>>, vector<1x64xf32>
      %add3A = arith.constant 9.99999974E-6 : f32
      %add3A_20 = vector.broadcast %add3A : f32 to vector<1x64xf32>
      %add3A_21 = arith.addf %sub3A, %add3A_20 : vector<1x64xf32>
      %rsqrt3A = math.rsqrt %add3A_21 : vector<1x64xf32>
      %mul3A_22 = arith.mulf %get3A_19, %rsqrt3A : vector<1x64xf32>
      %get3A_23 = arith.constant 0 : index
      %get3A_24 = arith.constant 0 : index
      %get3A_25 = vector.load %arg5[%get3A_23, %get3A_24] : memref<1x64xf32, #tpu.memory_space<vmem>>, vector<1x64xf32>
      %mul3A_26 = arith.mulf %mul3A_9, %mul3A_22 : vector<1x64xf32>
      %sub3A_27 = arith.subf %get3A_25, %mul3A_26 : vector<1x64xf32>
      %sub3A_28 = arith.constant 2 : i32
      %sub3A_29 = arith.subi %arg0, %sub3A_28 : i32
      %mul3A_30 = arith.constant 5000 : i32
      %mul3A_31 = arith.muli %sub3A_29, %mul3A_30 : i32
      %multiple_of3A = tpu.assume_multiple %mul3A_31, 5000 : i32
      %get3A_32 = arith.index_cast %multiple_of3A : i32 to index
      %get3A_33 = arith.constant 0 : index
      %get3A_34 = vector.load %arg10[%get3A_32, %get3A_33] : memref<10000x64xf32, #tpu.memory_space<vmem>>, vector<5000x64xf32>
      %mul3A_35 = vector.broadcast %mul3A_22 : vector<1x64xf32> to vector<5000x64xf32>
      %mul3A_36 = arith.mulf %get3A_34, %mul3A_35 : vector<5000x64xf32>
      %add3A_37 = vector.broadcast %sub3A_27 : vector<1x64xf32> to vector<5000x64xf32>
      %add3A_38 = arith.addf %mul3A_36, %add3A_37 : vector<5000x64xf32>
      %max3A = arith.constant 0.000000e+00 : f32
      %max3A_39 = vector.broadcast %max3A : f32 to vector<5000x64xf32>
      %max3A_40 = arith.maximumf %add3A_38, %max3A_39 : vector<5000x64xf32>
      %get3A_41 = arith.constant 0 : index
      %get3A_42 = arith.constant 0 : index
      %get3A_43 = vector.load %arg6[%get3A_41, %get3A_42] : memref<64x32xf32, #tpu.memory_space<vmem>>, vector<64x32xf32>
      %dot_general3A = arith.constant dense<0.000000e+00> : vector<5000x32xf32>
      %dot_general3A_44 = tpu.matmul %max3A_40, %get3A_43, %dot_general3A {dimension_numbers = #tpu.dot_dimension_numbers<[1], [0], [0], [1], [0, 0, 1, 1], [], []>, transpose_lhs_hint = false} : vector<5000x64xf32>, vector<64x32xf32>, vector<5000x32xf32> -> vector<5000x32xf32>
      %get3A_45 = arith.constant 0 : index
      %get3A_46 = arith.constant 0 : index
      %get3A_47 = vector.load %arg7[%get3A_45, %get3A_46] : memref<1x32xf32, #tpu.memory_space<vmem>>, vector<1x32xf32>
      %add3A_48 = vector.broadcast %get3A_47 : vector<1x32xf32> to vector<5000x32xf32>
      %add3A_49 = arith.addf %dot_general3A_44, %add3A_48 : vector<5000x32xf32>
      %get3A_50 = arith.constant 0 : index
      %get3A_51 = arith.constant 0 : index
      %get3A_52 = vector.load %arg8[%get3A_50, %get3A_51] : memref<5000x1xf32, #tpu.memory_space<vmem>>, vector<5000x1xf32>
      %mul3A_53 = vector.broadcast %get3A_52 : vector<5000x1xf32> to vector<5000x32xf32>
      %mul3A_54 = arith.mulf %add3A_49, %mul3A_53 : vector<5000x32xf32>
      %swap3A = arith.constant 0 : index
      %swap3A_55 = arith.constant 0 : index
      %swap3A_56 = vector.load %arg9[%swap3A, %swap3A_55] : memref<5000x32xf32, #tpu.memory_space<vmem>>, vector<5000x32xf32>
      tpu.vector_store %arg9[%swap3A, %swap3A_55], %mul3A_54 {strides = array<i32>} : memref<5000x32xf32, #tpu.memory_space<vmem>>, vector<5000x32xf32>,
    } else {
    }
    return
  }
  func.func @transform_0(%arg0: i32) -> (i32, i32, i32) {
    %min3A = arith.constant 1 : i32
    %min3A_0 = arith.minsi %arg0, %min3A : i32
    %c0_i32 = arith.constant 0 : i32
    %c0_i32_1 = arith.constant 0 : i32
    %c0_i32_2 = arith.constant 0 : i32
    return %c0_i32, %min3A_0, %c0_i32_1 : i32, i32, i32
  }
  func.func @transform_1(%arg0: i32) -> (i32, i32) {
    %min3A = arith.constant 1 : i32
    %min3A_0 = arith.minsi %arg0, %min3A : i32
    %c0_i32 = arith.constant 0 : i32
    %c0_i32_1 = arith.constant 0 : i32
    return %min3A_0, %c0_i32 : i32, i32
  }
  func.func @transform_2(%arg0: i32) -> (i32, i32) {
    %min3A = arith.constant 1 : i32
    %min3A_0 = arith.minsi %arg0, %min3A : i32
    %c0_i32 = arith.constant 0 : i32
    %c0_i32_1 = arith.constant 0 : i32
    return %min3A_0, %c0_i32 : i32, i32
  }
  func.func @transform_3(%arg0: i32) -> (i32, i32) {
    %c0_i32 = arith.constant 0 : i32
    %c0_i32_0 = arith.constant 0 : i32
    %c0_i32_1 = arith.constant 0 : i32
    return %c0_i32, %c0_i32_0 : i32, i32
  }
  func.func @transform_4(%arg0: i32) -> (i32, i32) {
    %c0_i32 = arith.constant 0 : i32
    %c0_i32_0 = arith.constant 0 : i32
    %c0_i32_1 = arith.constant 0 : i32
    return %c0_i32, %c0_i32_0 : i32, i32
  }
  func.func @transform_5(%arg0: i32) -> (i32, i32) {
    %c0_i32 = arith.constant 0 : i32
    %c0_i32_0 = arith.constant 0 : i32
    %c0_i32_1 = arith.constant 0 : i32
    return %c0_i32, %c0_i32_0 : i32, i32
  }
  func.func @transform_6(%arg0: i32) -> (i32, i32) {
    %c0_i32 = arith.constant 0 : i32
    %c0_i32_0 = arith.constant 0 : i32
    %c0_i32_1 = arith.constant 0 : i32
    return %c0_i32, %c0_i32_0 : i32, i32
  }
  func.func @transform_7(%arg0: i32) -> (i32, i32) {
    %sub3A = arith.constant 2 : i32
    %sub3A_0 = arith.subi %arg0, %sub3A : i32
    %max3A = arith.constant 0 : i32
    %max3A_1 = arith.maxsi %sub3A_0, %max3A : i32
    %c0_i32 = arith.constant 0 : i32
    %c0_i32_2 = arith.constant 0 : i32
    return %max3A_1, %c0_i32 : i32, i32
  }
  func.func @transform_8(%arg0: i32) -> (i32, i32) {
    %sub3A = arith.constant 2 : i32
    %sub3A_0 = arith.subi %arg0, %sub3A : i32
    %max3A = arith.constant 0 : i32
    %max3A_1 = arith.maxsi %sub3A_0, %max3A : i32
    %c0_i32 = arith.constant 0 : i32
    %c0_i32_2 = arith.constant 0 : i32
    return %max3A_1, %c0_i32 : i32, i32
  }
}

module attributes {stable_mosaic.version = 14 : i64} {
  func.func @_comb_bn_mm_body(%arg0: i32, %arg1: memref<2x5000x32xf32, #tpu.memory_space<vmem>>, %arg2: memref<5000x32xf32, #tpu.memory_space<vmem>>, %arg3: memref<5000x1xf32, #tpu.memory_space<vmem>>, %arg4: memref<1x32xf32, #tpu.memory_space<vmem>>, %arg5: memref<1x32xf32, #tpu.memory_space<vmem>>, %arg6: memref<32x128xf32, #tpu.memory_space<vmem>>, %arg7: memref<1x128xf32, #tpu.memory_space<vmem>>, %arg8: memref<5000x1xf32, #tpu.memory_space<vmem>>, %arg9: memref<5000x128xf32, #tpu.memory_space<vmem>>, %arg10: memref<10000x32xf32, #tpu.memory_space<vmem>>, %arg11: memref<2x32xf32, #tpu.memory_space<vmem>>) attributes {dimension_semantics = [#tpu.dimension_semantics<arbitrary>], iteration_bounds = array<i64: 4>, scalar_prefetch = 0 : i64, scratch_operands = 2 : i64, tpu.core_type = #tpu.core_type<tc>, window_params = [{transform_indices = @transform_0, window_bounds = array<i64: 2, 5000, 32>}, {transform_indices = @transform_1, window_bounds = array<i64: 5000, 32>}, {transform_indices = @transform_2, window_bounds = array<i64: 5000, 1>}, {pipeline_mode = #tpu.pipeline_mode<synchronous>, transform_indices = @transform_3, window_bounds = array<i64: 1, 32>}, {pipeline_mode = #tpu.pipeline_mode<synchronous>, transform_indices = @transform_4, window_bounds = array<i64: 1, 32>}, {pipeline_mode = #tpu.pipeline_mode<synchronous>, transform_indices = @transform_5, window_bounds = array<i64: 32, 128>}, {pipeline_mode = #tpu.pipeline_mode<synchronous>, transform_indices = @transform_6, window_bounds = array<i64: 1, 128>}, {transform_indices = @transform_7, window_bounds = array<i64: 5000, 1>}, {transform_indices = @transform_8, window_bounds = array<i64: 5000, 128>}]} {
    %lt3A = arith.constant 2 : i32
    %lt3A_0 = arith.cmpi slt, %arg0, %lt3A : i32
    %convert_element_type3A = arith.extui %lt3A_0 : i1 to i32
    %cond3A = arith.constant 0 : i32
    %cond3A_1 = arith.cmpi ne, %convert_element_type3A, %cond3A : i32
    scf.if %cond3A_1 {
      %get3A = arith.constant 0 : index
      %get3A_6 = arith.constant 0 : index
      %get3A_7 = arith.constant 0 : index
      %get3A_8 = vector.load %arg1[%get3A, %get3A_6, %get3A_7] : memref<2x5000x32xf32, #tpu.memory_space<vmem>>, vector<1x5000x32xf32>
      %get3A_9 = vector.shape_cast %get3A_8 : vector<1x5000x32xf32> to vector<5000x32xf32>
      %get3A_10 = arith.constant 1 : index
      %get3A_11 = arith.constant 0 : index
      %get3A_12 = arith.constant 0 : index
      %get3A_13 = vector.load %arg1[%get3A_10, %get3A_11, %get3A_12] : memref<2x5000x32xf32, #tpu.memory_space<vmem>>, vector<1x5000x32xf32>
      %get3A_14 = vector.shape_cast %get3A_13 : vector<1x5000x32xf32> to vector<5000x32xf32>
      %add3A = arith.addf %get3A_9, %get3A_14 : vector<5000x32xf32>
      %get3A_15 = arith.constant 0 : index
      %get3A_16 = arith.constant 0 : index
      %get3A_17 = vector.load %arg2[%get3A_15, %get3A_16] : memref<5000x32xf32, #tpu.memory_space<vmem>>, vector<5000x32xf32>
      %add3A_18 = arith.addf %add3A, %get3A_17 : vector<5000x32xf32>
      %get3A_19 = arith.constant 0 : index
      %get3A_20 = arith.constant 0 : index
      %get3A_21 = vector.load %arg3[%get3A_19, %get3A_20] : memref<5000x1xf32, #tpu.memory_space<vmem>>, vector<5000x1xf32>
      %mul3A = vector.broadcast %get3A_21 : vector<5000x1xf32> to vector<5000x32xf32>
      %mul3A_22 = arith.mulf %add3A_18, %mul3A : vector<5000x32xf32>
      %mul3A_23 = arith.constant 5000 : i32
      %mul3A_24 = arith.muli %arg0, %mul3A_23 : i32
      %multiple_of3A = tpu.assume_multiple %mul3A_24, 5000 : i32
      %swap3A = arith.index_cast %multiple_of3A : i32 to index
      %swap3A_25 = arith.constant 0 : index
      %swap3A_26 = vector.load %arg10[%swap3A, %swap3A_25] : memref<10000x32xf32, #tpu.memory_space<vmem>>, vector<5000x32xf32>
      tpu.vector_store %arg10[%swap3A, %swap3A_25], %mul3A_22 {strides = array<i32>} : memref<10000x32xf32, #tpu.memory_space<vmem>>, vector<5000x32xf32>,
      %eq3A = arith.constant 0 : i32
      %eq3A_27 = arith.cmpi eq, %arg0, %eq3A : i32
      %convert_element_type3A_28 = arith.extui %eq3A_27 : i1 to i32
      %cond3A_29 = arith.constant 0 : i32
      %cond3A_30 = arith.cmpi ne, %convert_element_type3A_28, %cond3A_29 : i32
      scf.if %cond3A_30 {
        %broadcast_in_dim3A_43 = arith.constant 0.000000e+00 : f32
        %broadcast_in_dim3A_44 = vector.broadcast %broadcast_in_dim3A_43 : f32 to vector<2x32xf32>
        %swap3A_45 = arith.constant 0 : index
        %swap3A_46 = arith.constant 0 : index
        %swap3A_47 = vector.load %arg11[%swap3A_45, %swap3A_46] : memref<2x32xf32, #tpu.memory_space<vmem>>, vector<2x32xf32>
        tpu.vector_store %arg11[%swap3A_45, %swap3A_46], %broadcast_in_dim3A_44 {strides = array<i32>} : memref<2x32xf32, #tpu.memory_space<vmem>>, vector<2x32xf32>,
      } else {
      }
      %reduce_sum3A = arith.constant dense<0.000000e+00> : vector<32xf32>
      %reduce_sum3A_31 = vector.multi_reduction <add>, %mul3A_22, %reduce_sum3A [0] : vector<5000x32xf32> to vector<32xf32>
      %broadcast_in_dim3A = vector.shape_cast %reduce_sum3A_31 : vector<32xf32> to vector<1x32xf32>
      %mul3A_32 = arith.mulf %mul3A_22, %mul3A_22 : vector<5000x32xf32>
      %reduce_sum3A_33 = arith.constant dense<0.000000e+00> : vector<32xf32>
      %reduce_sum3A_34 = vector.multi_reduction <add>, %mul3A_32, %reduce_sum3A_33 [0] : vector<5000x32xf32> to vector<32xf32>
      %broadcast_in_dim3A_35 = vector.shape_cast %reduce_sum3A_34 : vector<32xf32> to vector<1x32xf32>
      %get3A_36 = arith.constant 0 : index
      %get3A_37 = arith.constant 0 : index
      %get3A_38 = vector.load %arg11[%get3A_36, %get3A_37] : memref<2x32xf32, #tpu.memory_space<vmem>>, vector<2x32xf32>
      %concatenate3A = tpu.concatenate %broadcast_in_dim3A, %broadcast_in_dim3A_35 in 0 : vector<1x32xf32>, vector<1x32xf32> -> vector<2x32xf32>
      %add3A_39 = arith.addf %get3A_38, %concatenate3A : vector<2x32xf32>
      %swap3A_40 = arith.constant 0 : index
      %swap3A_41 = arith.constant 0 : index
      %swap3A_42 = vector.load %arg11[%swap3A_40, %swap3A_41] : memref<2x32xf32, #tpu.memory_space<vmem>>, vector<2x32xf32>
      tpu.vector_store %arg11[%swap3A_40, %swap3A_41], %add3A_39 {strides = array<i32>} : memref<2x32xf32, #tpu.memory_space<vmem>>, vector<2x32xf32>,
    } else {
    }
    %ge3A = arith.constant 2 : i32
    %ge3A_2 = arith.cmpi sge, %arg0, %ge3A : i32
    %convert_element_type3A_3 = arith.extui %ge3A_2 : i1 to i32
    %cond3A_4 = arith.constant 0 : i32
    %cond3A_5 = arith.cmpi ne, %convert_element_type3A_3, %cond3A_4 : i32
    scf.if %cond3A_5 {
      %get3A = arith.constant 0 : index
      %get3A_6 = arith.constant 0 : index
      %get3A_7 = vector.load %arg11[%get3A, %get3A_6] : memref<2x32xf32, #tpu.memory_space<vmem>>, vector<1x32xf32>
      %mul3A = arith.constant 9.99999974E-5 : f32
      %mul3A_8 = vector.broadcast %mul3A : f32 to vector<1x32xf32>
      %mul3A_9 = arith.mulf %get3A_7, %mul3A_8 : vector<1x32xf32>
      %get3A_10 = arith.constant 1 : index
      %get3A_11 = arith.constant 0 : index
      %get3A_12 = vector.load %arg11[%get3A_10, %get3A_11] : memref<2x32xf32, #tpu.memory_space<vmem>>, vector<1x32xf32>
      %mul3A_13 = arith.constant 9.99999974E-5 : f32
      %mul3A_14 = vector.broadcast %mul3A_13 : f32 to vector<1x32xf32>
      %mul3A_15 = arith.mulf %get3A_12, %mul3A_14 : vector<1x32xf32>
      %mul3A_16 = arith.mulf %mul3A_9, %mul3A_9 : vector<1x32xf32>
      %sub3A = arith.subf %mul3A_15, %mul3A_16 : vector<1x32xf32>
      %get3A_17 = arith.constant 0 : index
      %get3A_18 = arith.constant 0 : index
      %get3A_19 = vector.load %arg4[%get3A_17, %get3A_18] : memref<1x32xf32, #tpu.memory_space<vmem>>, vector<1x32xf32>
      %add3A = arith.constant 9.99999974E-6 : f32
      %add3A_20 = vector.broadcast %add3A : f32 to vector<1x32xf32>
      %add3A_21 = arith.addf %sub3A, %add3A_20 : vector<1x32xf32>
      %rsqrt3A = math.rsqrt %add3A_21 : vector<1x32xf32>
      %mul3A_22 = arith.mulf %get3A_19, %rsqrt3A : vector<1x32xf32>
      %get3A_23 = arith.constant 0 : index
      %get3A_24 = arith.constant 0 : index
      %get3A_25 = vector.load %arg5[%get3A_23, %get3A_24] : memref<1x32xf32, #tpu.memory_space<vmem>>, vector<1x32xf32>
      %mul3A_26 = arith.mulf %mul3A_9, %mul3A_22 : vector<1x32xf32>
      %sub3A_27 = arith.subf %get3A_25, %mul3A_26 : vector<1x32xf32>
      %sub3A_28 = arith.constant 2 : i32
      %sub3A_29 = arith.subi %arg0, %sub3A_28 : i32
      %mul3A_30 = arith.constant 5000 : i32
      %mul3A_31 = arith.muli %sub3A_29, %mul3A_30 : i32
      %multiple_of3A = tpu.assume_multiple %mul3A_31, 5000 : i32
      %get3A_32 = arith.index_cast %multiple_of3A : i32 to index
      %get3A_33 = arith.constant 0 : index
      %get3A_34 = vector.load %arg10[%get3A_32, %get3A_33] : memref<10000x32xf32, #tpu.memory_space<vmem>>, vector<5000x32xf32>
      %mul3A_35 = vector.broadcast %mul3A_22 : vector<1x32xf32> to vector<5000x32xf32>
      %mul3A_36 = arith.mulf %get3A_34, %mul3A_35 : vector<5000x32xf32>
      %add3A_37 = vector.broadcast %sub3A_27 : vector<1x32xf32> to vector<5000x32xf32>
      %add3A_38 = arith.addf %mul3A_36, %add3A_37 : vector<5000x32xf32>
      %max3A = arith.constant 0.000000e+00 : f32
      %max3A_39 = vector.broadcast %max3A : f32 to vector<5000x32xf32>
      %max3A_40 = arith.maximumf %add3A_38, %max3A_39 : vector<5000x32xf32>
      %get3A_41 = arith.constant 0 : index
      %get3A_42 = arith.constant 0 : index
      %get3A_43 = vector.load %arg6[%get3A_41, %get3A_42] : memref<32x128xf32, #tpu.memory_space<vmem>>, vector<32x128xf32>
      %dot_general3A = arith.constant dense<0.000000e+00> : vector<5000x128xf32>
      %dot_general3A_44 = tpu.matmul %max3A_40, %get3A_43, %dot_general3A {dimension_numbers = #tpu.dot_dimension_numbers<[1], [0], [0], [1], [0, 0, 1, 1], [], []>, transpose_lhs_hint = false} : vector<5000x32xf32>, vector<32x128xf32>, vector<5000x128xf32> -> vector<5000x128xf32>
      %get3A_45 = arith.constant 0 : index
      %get3A_46 = arith.constant 0 : index
      %get3A_47 = vector.load %arg7[%get3A_45, %get3A_46] : memref<1x128xf32, #tpu.memory_space<vmem>>, vector<1x128xf32>
      %add3A_48 = vector.broadcast %get3A_47 : vector<1x128xf32> to vector<5000x128xf32>
      %add3A_49 = arith.addf %dot_general3A_44, %add3A_48 : vector<5000x128xf32>
      %get3A_50 = arith.constant 0 : index
      %get3A_51 = arith.constant 0 : index
      %get3A_52 = vector.load %arg8[%get3A_50, %get3A_51] : memref<5000x1xf32, #tpu.memory_space<vmem>>, vector<5000x1xf32>
      %mul3A_53 = vector.broadcast %get3A_52 : vector<5000x1xf32> to vector<5000x128xf32>
      %mul3A_54 = arith.mulf %add3A_49, %mul3A_53 : vector<5000x128xf32>
      %swap3A = arith.constant 0 : index
      %swap3A_55 = arith.constant 0 : index
      %swap3A_56 = vector.load %arg9[%swap3A, %swap3A_55] : memref<5000x128xf32, #tpu.memory_space<vmem>>, vector<5000x128xf32>
      tpu.vector_store %arg9[%swap3A, %swap3A_55], %mul3A_54 {strides = array<i32>} : memref<5000x128xf32, #tpu.memory_space<vmem>>, vector<5000x128xf32>,
    } else {
    }
    return
  }
  func.func @transform_0(%arg0: i32) -> (i32, i32, i32) {
    %min3A = arith.constant 1 : i32
    %min3A_0 = arith.minsi %arg0, %min3A : i32
    %c0_i32 = arith.constant 0 : i32
    %c0_i32_1 = arith.constant 0 : i32
    %c0_i32_2 = arith.constant 0 : i32
    return %c0_i32, %min3A_0, %c0_i32_1 : i32, i32, i32
  }
  func.func @transform_1(%arg0: i32) -> (i32, i32) {
    %min3A = arith.constant 1 : i32
    %min3A_0 = arith.minsi %arg0, %min3A : i32
    %c0_i32 = arith.constant 0 : i32
    %c0_i32_1 = arith.constant 0 : i32
    return %min3A_0, %c0_i32 : i32, i32
  }
  func.func @transform_2(%arg0: i32) -> (i32, i32) {
    %min3A = arith.constant 1 : i32
    %min3A_0 = arith.minsi %arg0, %min3A : i32
    %c0_i32 = arith.constant 0 : i32
    %c0_i32_1 = arith.constant 0 : i32
    return %min3A_0, %c0_i32 : i32, i32
  }
  func.func @transform_3(%arg0: i32) -> (i32, i32) {
    %c0_i32 = arith.constant 0 : i32
    %c0_i32_0 = arith.constant 0 : i32
    %c0_i32_1 = arith.constant 0 : i32
    return %c0_i32, %c0_i32_0 : i32, i32
  }
  func.func @transform_4(%arg0: i32) -> (i32, i32) {
    %c0_i32 = arith.constant 0 : i32
    %c0_i32_0 = arith.constant 0 : i32
    %c0_i32_1 = arith.constant 0 : i32
    return %c0_i32, %c0_i32_0 : i32, i32
  }
  func.func @transform_5(%arg0: i32) -> (i32, i32) {
    %c0_i32 = arith.constant 0 : i32
    %c0_i32_0 = arith.constant 0 : i32
    %c0_i32_1 = arith.constant 0 : i32
    return %c0_i32, %c0_i32_0 : i32, i32
  }
  func.func @transform_6(%arg0: i32) -> (i32, i32) {
    %c0_i32 = arith.constant 0 : i32
    %c0_i32_0 = arith.constant 0 : i32
    %c0_i32_1 = arith.constant 0 : i32
    return %c0_i32, %c0_i32_0 : i32, i32
  }
  func.func @transform_7(%arg0: i32) -> (i32, i32) {
    %sub3A = arith.constant 2 : i32
    %sub3A_0 = arith.subi %arg0, %sub3A : i32
    %max3A = arith.constant 0 : i32
    %max3A_1 = arith.maxsi %sub3A_0, %max3A : i32
    %c0_i32 = arith.constant 0 : i32
    %c0_i32_2 = arith.constant 0 : i32
    return %max3A_1, %c0_i32 : i32, i32
  }
  func.func @transform_8(%arg0: i32) -> (i32, i32) {
    %sub3A = arith.constant 2 : i32
    %sub3A_0 = arith.subi %arg0, %sub3A : i32
    %max3A = arith.constant 0 : i32
    %max3A_1 = arith.maxsi %sub3A_0, %max3A : i32
    %c0_i32 = arith.constant 0 : i32
    %c0_i32_2 = arith.constant 0 : i32
    return %max3A_1, %c0_i32 : i32, i32
  }
}

</mosaic_0001>

<sc_bundles>
// kernel: kernel.10.cloned.1.call-start
scs
__scs_entry_jumppad:
0x0: {  	(pc) =	sbr.rel $0x88, $3  }
0x1: {  	(tag) =	ssettag $0x0;
	lr =	simm.s32 $0x1  }
0x2: {  	[smem:$0x3F94] =	sst lr;
	_ =	strace $0xD0000000  }
0x3: {  	_ = 	snop  }
0x4: {  	_ = 	snop  }
0x5: {  	_ = 	snop  }
0x6: {  	_ = 	snop  }
0x7: {  	_ = 	snop  }
__scs_overlays_trampoline_lowered:
0x8: {  	[smem:$0x3FA3] =	sst s0  }
0x9: {  	[smem:$0x3FA4] =	sst s1  }
0xa: {  	[smem:$0x3FA5] =	sst s2  }
0xb: {  	[smem:$0x3FA6] =	sst s3  }
0xc: {  	[smem:$0x3FA7] =	sst s4  }
0xd: {  	[smem:$0x3FA8] =	sst s5  }
0xe: {  	[smem:$0x3FA9] =	sst s6  }
0xf: {  	[smem:$0x3FAA] =	sst s7  }
0x10: {  	[smem:$0x3FAB] =	sst s8  }
0x11: {  	[smem:$0x3FAC] =	sst s9;
	s0 =	simm.s32 @!p0 $0x0  }
0x12: {  	s1 =	sld [smem:$0x3F92];
	s0 =	simm.s32 @p0 $0x1  }
0x13: {  	[smem:$0x3FAD] =	sst s0;
	s0 =	simm.s32 @!p1 $0x0  }
0x14: {  	s2 =	sld [smem:$0x3F91];
	s0 =	simm.s32 @p1 $0x1  }
0x15: {  	[smem:$0x3FAE] =	sst s0;
	s0 =	simm.s32 @!p2 $0x0  }
0x16: {  	s3 =	sld [smem:$0x3FDB];
	s0 =	simm.s32 @p2 $0x1  }
0x17: {  	s4 =	simm.s32 $0x1BF5;
	[smem:$0x3FB0] =	sst s0  }
0x18: {  	s0 =	sld [smem:$0x3F93];
	_ =	swait.ge [sflag:s4], $0x0  }
0x19: {  	s7 =	sld [smem:$0x3F94]  }
0x1a: {  	s8 =	sadd.s32 $0xFFFFE003, lr  }
0x1b: {  	s9 =	sadd.s32 $0xFFFFFEF7, lr;
	s5 =	simm.s32 $0xFFFFFFFF;
	p2 =	slt.u32 s8, $0xFFFFF086  }
0x1c: {  	p1 =	slt.u32 s9, $0xF7A;
	s5 =	simm.s32 @!p2 $0x0  }
0x1d: {  	s5 =	simm.s32 @p1 $0x1;
	p0 =	seq.s32 s7, s2  }
0x1e: {  	s7 =	smul.u32 @!p0 $0xF7A, s2;
	p2 =	seq.s32 @!p0 s5, $0x0  }
0x1f: {  	s9 =	smul.u32 $0xF7A, s1;
	s8 =	simm.s32 @!p0 $0x1BF5;
	p2 =	por !p2, p0  }
0x20: {  	[sflag:s8] =	ssyncset.s32 @!p0 $0xFFFFF086;
	s6 =	sadd.s32 @!p0 s3, s7;
	s7 =	simm.s32 @!p0 $0x108  }
0x21: {  	s3 =	sadd.s32 s3, s9;
	s6 =	sadd.s32 @!p0 $0x88, s6;
	s7 =	simm.s32 @p2 $0x1082  }
0x22: {  	[simem:s7], [sflag:s8] =	dma.local @!p0 [hbm:s6], $0xF7A  }
0x23: {  	s9 =	sor.u32 $0xD0000000, s2;
	s6 =	simm.s32 $0x108;
	_ =	swait.ge @!p0 [sflag:s8], $0x0  }
0x24: {  	s3 =	sadd.s32 $0x88, s3;
	s6 =	simm.s32 @!p1 $0x1082;
	[sflag:s4] =	ssyncset.s32 $0xFFFFF086  }
0x25: {  	[simem:s6], [sflag:s4] =	dma.local [hbm:s3], $0xF7A  }
0x26: {  	[smem:$0x3F94] =	sst s1;
	(tag) =	ssettag s2;
	_ =	strace s9  }
0x27: {  	s1 =	sld [smem:$0x3FA4]  }
0x28: {  	s2 =	sld [smem:$0x3FA5]  }
0x29: {  	s4 =	sld [smem:$0x3FA7]  }
0x2a: {  	p0 =	seq.s32 s5, $0x0;
	s5 =	sld [smem:$0x3FA8]  }
0x2b: {  	s6 =	sld [smem:$0x3FA9]  }
0x2c: {  	s7 =	sld [smem:$0x3FAA]  }
0x2d: {  	s3 =	simm.s32 $0x108;
	s8 =	sld [smem:$0x3FAB]  }
0x2e: {  	s3 =	simm.s32 @!p0 $0x1082;
	s9 =	sld [smem:$0x3FAC]  }
0x2f: {  	lr =	sadd.s32 s0, s3;
	s0 =	sld [smem:$0x3FA3]  }
0x30: {  	s3 =	sld [smem:$0x3FA6]  }
0x31: {  	[smem:$0x3FAF] =	sst s10  }
0x32: {  	s10 =	sld [smem:$0x3FAD];
	_ =	sdelay $0x3  }
0x33: {  	p0 =	seq.s32 s10, $0x1;
	s10 =	sld [smem:$0x3FAF];
	_ =	sdelay $0x3  }
0x34: {  	[smem:$0x3FAF] =	sst s10  }
0x35: {  	s10 =	sld [smem:$0x3FAE];
	_ =	sdelay $0x3  }
0x36: {  	p1 =	seq.s32 s10, $0x1;
	s10 =	sld [smem:$0x3FAF];
	_ =	sdelay $0x3  }
0x37: {  	[smem:$0x3FAF] =	sst s10  }
0x38: {  	s10 =	sld [smem:$0x3FB0]  }
0x39: {  	_ = 	snop;
	(pc) =	sbr.ind lr, $3  }
0x3a: {  	_ = 	snop  }
0x3b: {  	_ = 	snop  }
0x3c: {  	p2 =	seq.s32 s10, $0x1;
	s10 =	sld [smem:$0x3FAF]  }
0x3d: {  	_ =	shalt  }
0x3e: {  	_ =	shalt  }
0x3f: {  	_ =	shalt  }
0x40: {  	_ =	shalt  }
0x41: {  	_ =	shalt  }
0x42: {  	_ =	shalt  }
0x43: {  	_ =	shalt  }
0x44: {  	_ =	shalt  }
0x45: {  	_ =	shalt  }
0x46: {  	_ =	shalt  }
0x47: {  	_ =	shalt  }
0x48: {  	_ =	shalt  }
0x49: {  	_ =	shalt  }
0x4a: {  	_ =	shalt  }
0x4b: {  	_ =	shalt  }
0x4c: {  	_ =	shalt  }
0x4d: {  	_ =	shalt  }
0x4e: {  	_ =	shalt  }
0x4f: {  	_ =	shalt  }
0x50: {  	_ =	shalt  }
0x51: {  	_ =	shalt  }
0x52: {  	_ =	shalt  }
0x53: {  	_ =	shalt  }
0x54: {  	_ =	shalt  }
0x55: {  	_ =	shalt  }
0x56: {  	_ =	shalt  }
0x57: {  	_ =	shalt  }
0x58: {  	_ =	shalt  }
0x59: {  	_ =	shalt  }
0x5a: {  	_ =	shalt  }
0x5b: {  	_ =	shalt  }
0x5c: {  	_ =	shalt  }
0x5d: {  	_ =	shalt  }
0x5e: {  	_ =	shalt  }
0x5f: {  	_ =	shalt  }
0x60: {  	_ =	shalt  }
0x61: {  	_ =	shalt  }
0x62: {  	_ =	shalt  }
0x63: {  	_ =	shalt  }
0x64: {  	_ =	shalt  }
0x65: {  	_ =	shalt  }
0x66: {  	_ =	shalt  }
0x67: {  	_ =	shalt  }
0x68: {  	_ =	shalt  }
0x69: {  	_ =	shalt  }
0x6a: {  	_ =	shalt  }
0x6b: {  	_ =	shalt  }
0x6c: {  	_ =	shalt  }
0x6d: {  	_ =	shalt  }
0x6e: {  	_ =	shalt  }
0x6f: {  	_ =	shalt  }
0x70: {  	_ =	shalt  }
0x71: {  	_ =	shalt  }
0x72: {  	_ =	shalt  }
0x73: {  	_ =	shalt  }
0x74: {  	_ =	shalt  }
0x75: {  	_ =	shalt  }
0x76: {  	_ =	shalt  }
0x77: {  	_ =	shalt  }
0x78: {  	_ =	shalt  }
0x79: {  	_ =	shalt  }
0x7a: {  	_ =	shalt  }
0x7b: {  	_ =	shalt  }
0x7c: {  	_ =	shalt  }
0x7d: {  	_ =	shalt  }
0x7e: {  	_ =	shalt  }
0x7f: {  	_ =	shalt  }
0x80: {  	_ =	shalt  }
0x81: {  	_ =	shalt  }
0x82: {  	_ =	shalt  }
0x83: {  	_ =	shalt  }
0x84: {  	_ =	shalt  }
0x85: {  	_ =	shalt  }
0x86: {  	_ =	shalt  }
0x87: {  	_ =	shalt  }
.Lfunc_end0:
.L_simem_size_0:
called_computation_lowered:
.L_overlay_start_0:
0x88: {  	s2 =	sld [smem:$0x3FD9]  }
0x89: {  	s3 =	sld [smem:$0x3FFE];
	_ =	sdelay $0x1  }
0x8a: {  	s1 =	srdreg.scid  }
0x8b: {  	s0 =	sand.u32 $0x1, s1  }
0x8c: {  	s16 =	sshll.u32 s0, $0xA;
	s2 =	sadd.s32 s3, s2  }
0x8d: {  	s2 =	sadd.s32 s2, s16  }
0x8e: {  	[smem:$0x3FBB] =	sst s2  }
0x8f: {  	_ = 	snop  }
0x90: {  	(tm) =	ssettm $0x1  }
0x91: {  	s17 =	sld [smem:$0x3FFB];
	_ =	sdelay $0x3  }
0x92: {  	_ =	strace s17  }
0x93: {  	s2 =	sld [smem:$0x3FFC];
	_ =	sdelay $0x3  }
0x94: {  	_ =	strace s2  }
0x95: {  	s2 =	sld [smem:$0x3FFD];
	_ =	sdelay $0x3  }
0x96: {  	_ =	strace s2  }
0x97: {  	_ =	strace $0x8FFFFFFF  }
0x98: {  	s18 =	sld [smem:$0x3FDB];
	_ =	sdelay $0x1  }
0x99: {  	s19 =	simm.s32 $_scs_section_size  }
0x9a: {  	s4 =	simm.s32 $_size__tile_overlayer_lowered;
	s5 =	simm.s32 $_tile_overlayer_lowered  }
0x9b: {  	s22 =	simm.s32 $0x1BFF;
	s21 =	sshll.u32 s5, $0x1;
	s2 =	sadd.s32 s19, s18  }
0x9c: {  	s6 =	simm.s32 $0x0;
	s20 =	sshll.u32 s4, $0x1;
	s4 =	sadd.s32 s21, s2  }
0x9d: {  	[timem:s6], [sflag:s22] =	dma.local [hbm:s4], s20  }
0x9e: {  	_ =	swait.ge [sflag:s22], s20  }
0x9f: {  	s3 =	ssub.s32 $0x0, s20;
	[sflag:s22] =	ssyncset.done $0x0  }
0xa0: {  	[sflag:s22] =	ssyncadd.s32 s3;
	_ =	sdelay $0x1  }
0xa1: {  	s23 =	simm.s32 $0x1B8B  }
0xa2: {  	_ =	swait.ge [sflag:s23], $0x1  }
0xa3: {  	[sflag:s23] =	ssyncset.done $0x0  }
0xa4: {  	s25 =	simm.s32 $0x1B8E;
	s24 =	sld [smem:$0x3FFE];
	[sflag:s23] =	ssyncadd.s32 $0xFFFFFFFF  }
0xa5: {  	s26 =	simm.s32 $execute0_lowered;
	[smem:$0x3FD2] =	sst s25  }
0xa6: {  	s4 =	sshll.u32 s26, $0x1;
	_ =	strace $0x80000046;
	[dreg:$0x1] =	wrdreg $0xFFFFFFFF  }
0xa7: {  	s28 =	simm.s32 $_size_execute0_lowered;
	s2 =	sadd.s32 s2, s4;
	[dreg:$0x0] =	wrdreg $0x0  }
0xa8: {  	s4 =	sshll.u32 s28, $0x1;
	[dreg:$0x2] =	wrdreg s2  }
0xa9: {  	[dreg:$0x3] =	wrdreg s4  }
0xaa: {  	[dreg:$0x4] =	wrdreg $0xC0  }
0xab: {  	_ =	task [dreg:s6], $0x5FFFF  }
0xac: {  	[dreg:$0x1] =	wrdreg $0xFFFFFFFF  }
0xad: {  	[dreg:$0x0] =	wrdreg $0x60  }
0xae: {  	[dreg:$0x2] =	wrdreg s24  }
0xaf: {  	[dreg:$0x3] =	wrdreg $0x31100  }
0xb0: {  	[dreg:$0x4] =	wrdreg $0x9  }
0xb1: {  	_ =	task.clear_ibuf [dreg:s6], $0x5FFFF;
	_ =	strace $0x90000046  }
0xb2: {  	s29 =	simm.s32 $0x9;
	_ =	strace $0x80000048  }
0xb3: {  	_ =	swait.ge [sflag:s29], $0x1  }
0xb4: {  	[sflag:s29] =	ssyncadd.s32 $0xFFFFFFFF  }
0xb5: {  	_ =	strace $0x90000048  }
0xb6: {  	_ =	sfence  }
0xb7: {  	s30 =	sld [smem:$0x0];
	_ =	sdelay $0x2  }
0xb8: {  	s31 =	sshll.u32 s1, $0xD;
	s1 =	sshrl.u32 s1, $0x2  }
0xb9: {  	s3 =	sand.u32 $0x4000, s31;
	s1 =	sadd.s32 s1, s30  }
0xba: {  	s0 =	sor.u32 s3, s0;
	s1 =	sshll.u32 s1, $0x11  }
0xbb: {  	s0 =	sor.u32 s1, s0  }
0xbc: {  	s0 =	sadd.s32 $0x8F2B, s0  }
0xbd: {  	[sflag:s0] =	ssyncadd.remote.s32 $0x1  }
0xbe: {  	_ =	sfence.sel $0xFFFF  }
0xbf: {  	[dreg:$0x0] =	wrdreg $0xFFFFFFFF;
	(pc) =	sbr.abs _section_cstart, $3  }
0xc0: {  	[dreg:$0x1] =	wrdreg $0xFFFFFFFF  }
0xc1: {  	_ =	task.clear_ibuf [dreg:s6], $0x2FFFF;
	_ =	strace $0x9FFFFFFF  }
0xc2: {  	(tm) =	ssettm $0x7FFFFFFF  }
0xc3: {  	_ =	shalt  }
tec
execute0_lowered:
.L_overlay_start_1:
0x0: {  	(tag) =	ssettag $0x1  }
0x1: {  	s4 =	rddreg [dreg:$0x0]  }
0x2: {  	s2 =	rddreg [dreg:$0x1]  }
0x3: {  	s0 =	rddreg [dreg:$0x2];
	s3 =	simm.s32 $0x0;
	s5 =	srdreg.scid  }
0x4: {  	s1 =	stileid.u32;
	s15 =	simm.s32 $0x2;
	s16 =	simm.s32 $0x2C10  }
0x5: {  	s17 =	simm.s32 $0x50;
	s18 =	simm.s32 $0x2710;
	s19 =	simm.s32 $0x1  }
0x6: {  	s22 =	simm.s32 $0x0;
	s5 =	sand.u32 $0x1, s5;
	s7 =	smul.u32 $0x2800, s1  }
0x7: {  	s6 =	sshll.u32 s1, $0x1;
	[smem:$0x7FF] =	sst s3;
	s9 =	smul.u32 $0xA000, s1  }
0x8: {  	s20 =	sshll.u32 s1, $0x6;
	s6 =	sor.u32 s5, s6;
	s8 =	smul.u32 $0x28000, s5  }
0x9: {  	_ =	strace $0x80000047;
	s5 =	ssub.s32 $0x2, s5;
	s20 =	sor.u32 $0x1C02, s20  }
0xa: {  	s6 =	smul.u32 $0x4E2, s6;
	s10 =	sshrl.u32 s5, $0x1;
	s31 =	sshrl.u32 s9, $0x2  }
0xb: {  	s8 =	sadd.s32 s7, s8;
	s14 =	ssub.s32 s5, s10;
	s5 =	sadd.s32 s7, s2  }
0xc: {  	s12 =	sadd.s32 s31, s2;
	s6 =	sadd.s32 s6, s4;
	s8 =	sshrl.u32 s8, $0x3  }
0xd: {  	s7 =	sadd.s32 $0xA00, s12;
	s9 =	sadd.s32 $0x1400, s12;
	s10 =	sadd.s32 $0x1900, s12  }
0xe: {  	s11 =	sadd.s32 $0x1E00, s12;
	s14 =	smax.u32 s14, $0x1;
	s21 =	sshrl.u32 s5, $0x3  }
0xf: {  	s13 =	sadd.s32 s8, s4;
	s4 =	sadd.s32 $0x2400, s6;
	s6 =	sadd.s32 $0x500, s12  }
0x10: {  	v0 =	vimm.f32 $1.000000000e+00;
	v1 =	vimm.f32 $0.0e+00;
	s8 =	sadd.s32 $0xF00, s12;
	s12 =	sadd.s32 $0x2300, s12;
	s13 =	sadd.s32 $0x16000, s13  }
.LBB2_1:
0x11: {  	[tilespmem:s3], [sflag:$0x2] =	stream.linear.gather [hbm4b:s4+s3], $0x2710, $0x38;
	[tilespmem:$0x5910] =	vst v63  }
0x12: {  	_ =	swait.ge [sflag:s15], $0x2710  }
0x13: {  	[sflag:s15] =	ssyncset.done $0x0  }
0x14: {  	s23 =	simm.s32 $0x40;
	s24 =	simm.s32 $0x0;
	[sflag:s15] =	ssyncadd.s32 $0xFFFFD8F0  }
.LBB2_2:
0x15: {  	p0 =	sne.s32 s23, $0x13C0;
	[tilespmem:s24+$0x2710] =	vst v0;
	s25 =	smov.u32 s23;
	s23 =	sadd.s32 $0x40, s23  }
.Ltmp0:
0x16: {  	[tilespmem:s24+$0x2C10] =	vst v1;
	(pc) =	sbr.rel @p0 .LBB2_2-.Ltmp0, $2  }
0x17: {  	_ =	sdelay $0x2  }
0x18: {  	s24 =	sshra.s32 s25, $0x2  }
0x19: {  	[tilespmem:s24+$0x2710] =	vst v0  }
0x1a: {  	[tilespmem:s24+$0x2C10] =	vst v1  }
0x1b: {  	[spmem:s5] =	stream.linear.scatter [tilespmem:s16], [sflag:$0x2], $0x500, $0x38;
	[tilespmem:$0x5910] =	vst v63  }
0x1c: {  	_ =	swait.ge [sflag:s15], $0x500  }
0x1d: {  	[sflag:s15] =	ssyncset.done $0x0  }
0x1e: {  	[sflag:s15] =	ssyncadd.s32 $0xFFFFFB00  }
0x1f: {  	[spmem:s6] =	stream.linear.scatter [tilespmem:s16], [sflag:$0x2], $0x500, $0x38;
	[tilespmem:$0x5910] =	vst v63  }
0x20: {  	_ =	swait.ge [sflag:s15], $0x500  }
0x21: {  	[sflag:s15] =	ssyncset.done $0x0  }
0x22: {  	[sflag:s15] =	ssyncadd.s32 $0xFFFFFB00  }
0x23: {  	[spmem:s7] =	stream.linear.scatter [tilespmem:s16], [sflag:$0x2], $0x500, $0x38;
	[tilespmem:$0x5910] =	vst v63  }
0x24: {  	_ =	swait.ge [sflag:s15], $0x500  }
0x25: {  	[sflag:s15] =	ssyncset.done $0x0  }
0x26: {  	[sflag:s15] =	ssyncadd.s32 $0xFFFFFB00  }
0x27: {  	[spmem:s8] =	stream.linear.scatter [tilespmem:s16], [sflag:$0x2], $0x500, $0x38;
	[tilespmem:$0x5910] =	vst v63  }
0x28: {  	_ =	swait.ge [sflag:s15], $0x500  }
0x29: {  	[sflag:s15] =	ssyncset.done $0x0  }
0x2a: {  	[sflag:s15] =	ssyncadd.s32 $0xFFFFFB00  }
0x2b: {  	[spmem:s9] =	stream.linear.scatter [tilespmem:s16], [sflag:$0x2], $0x500, $0x38;
	[tilespmem:$0x5910] =	vst v63  }
0x2c: {  	_ =	swait.ge [sflag:s15], $0x500  }
0x2d: {  	[sflag:s15] =	ssyncset.done $0x0  }
0x2e: {  	[sflag:s15] =	ssyncadd.s32 $0xFFFFFB00  }
0x2f: {  	[spmem:s10] =	stream.linear.scatter [tilespmem:s16], [sflag:$0x2], $0x500, $0x38;
	[tilespmem:$0x5910] =	vst v63  }
0x30: {  	_ =	swait.ge [sflag:s15], $0x500  }
0x31: {  	[sflag:s15] =	ssyncset.done $0x0  }
0x32: {  	[sflag:s15] =	ssyncadd.s32 $0xFFFFFB00  }
0x33: {  	[spmem:s11] =	stream.linear.scatter [tilespmem:s16], [sflag:$0x2], $0x500, $0x38;
	[tilespmem:$0x5910] =	vst v63  }
0x34: {  	_ =	swait.ge [sflag:s15], $0x500  }
0x35: {  	[sflag:s15] =	ssyncset.done $0x0  }
0x36: {  	[sflag:s15] =	ssyncadd.s32 $0xFFFFFB00  }
0x37: {  	[spmem:s12] =	stream.linear.scatter [tilespmem:s16], [sflag:$0x2], $0x500, $0x38;
	[tilespmem:$0x5910] =	vst v63  }
0x38: {  	_ =	swait.ge [sflag:s15], $0x500  }
0x39: {  	[sflag:s15] =	ssyncset.done $0x0  }
0x3a: {  	[sflag:s15] =	ssyncadd.s32 $0xFFFFFB00  }
0x3b: {  	s23 =	simm.s32 $0x0;
	[bflag:$0x0] =	sbarrier.arrive $0xFFFF  }
.LBB2_4:
0x3c: {  	p0 =	sne.s32 s23, $0x9B00  }
.Ltmp1:
0x3d: {  	_ = 	snop;
	(pc) =	sbr.rel @p0 .LBB2_4-.Ltmp1, $3  }
0x3e: {  	_ =	sdelay $0x1  }
0x3f: {  	s24 =	sshra.s32 s23, $0x2;
	s23 =	sadd.s32 $0x140, s23  }
0x40: {  	[spmem:s2] =	stream.indirect.scatter.add.f32 [tilespmem:s18], [sflag:$0x1], $0x10, s24, s17, $0xb8;
	[tilespmem:$0x5910] =	vst v63  }
0x41: {  	_ =	swait.ge [sflag:s19], $0x500  }
0x42: {  	s23 =	simm.s32 $0x7C;
	[sflag:s19] =	ssyncset.done $0x0  }
.LBB2_6:
0x43: {  	p0 =	sne.s32 s23, $0x1;
	s23 =	sadd.s32 $0xFFFFFFFF, s23;
	[sflag:s19] =	ssyncadd.s32 $0xFFFFFB00  }
.Ltmp2:
0x44: {  	(pc) =	sbr.rel @p0 .LBB2_6-.Ltmp2, $3  }
0x45: {  	_ =	sdelay $0x1  }
0x46: {  	_ =	swait.ge [sflag:s19], $0x500  }
0x47: {  	[sflag:s19] =	ssyncset.done $0x0  }
0x48: {  	s22 =	sadd.s32 $0x1, s22  }
0x49: {  	[sflag:s19] =	ssyncadd.s32 $0xFFFFFB00;
	p0 =	sne.s32 s22, s14  }
.Ltmp3:
0x4a: {  	[bflag:$0x0] =	sbarrier.arrive $0xFFFF;
	(pc) =	sbr.rel @p0 .LBB2_1-.Ltmp3, $4  }
0x4b: {  	[hbm:s13], [sflag:s20] =	dma.local [spmem:s21], $0x500  }
0x4c: {  	_ =	swait.ge [sflag:s15], $0x500  }
0x4d: {  	[sflag:s15] =	ssyncset.done $0x0  }
0x4e: {  	[sflag:s15] =	ssyncadd.s32 $0xFFFFFB00  }
0x4f: {  	_ =	sfence.sel $0x180000  }
0x50: {  	[bflag:$0x0] =	sbarrier.arrive $0xFFFF  }
0x51: {  	p0 =	sne.s32 s1, $0x0;
	_ =	strace $0x90000047  }
0x52: {  	s0 =	sadd.s32 @!p0 $0x100000, s0;
	[bflag:$0x2] =	sbarrier.arrive $0xFFFF  }
0x53: {  	[sflag:s0] =	ssyncadd.tile.s32 @!p0 $0x1;
	_ =	shalt  }
.Lfunc_end2:
_tile_overlayer_lowered:
.L_overlay_start_2:
0x54: {  	(tag) =	ssettag $0x2  }
0x55: {  	s0 =	rddreg [dreg:$0x0];
	s2 =	stileid.u32  }
0x56: {  	s1 =	rddreg [dreg:$0x1];
	p0 =	sne.s32 s2, $0x0  }
0x57: {  	s3 =	rddreg [dreg:$0x2];
	[bflag:$0x3] =	sbarrier.arrive $0xFFFF;
	s2 =	simm.s32 @!p0 $0x1C02  }
0x58: {  	[timem:s3], [sflag:s2] =	dma.local @!p0 [hbm:s0], s1  }
0x59: {  	s0 =	simm.s32 @!p0 $0x2  }
0x5a: {  	_ =	swait.ge @!p0 [sflag:s0], s1  }
0x5b: {  	s1 =	ssub.s32 @!p0 $0x0, s1;
	[sflag:s0] =	ssyncset.done @!p0 $0x0  }
0x5c: {  	[sflag:s0] =	ssyncadd.s32 @!p0 s1  }
0x5d: {  	[bflag:$0x3] =	sbarrier.arrive $0xFFFF  }
0x5e: {  	_ =	shalt  }

// kernel: kernel.13.cloned.1.call-start
scs
__scs_entry_jumppad:
0x0: {  	(pc) =	sbr.rel $0x88, $3  }
0x1: {  	(tag) =	ssettag $0x0;
	lr =	simm.s32 $0x1  }
0x2: {  	[smem:$0x3F94] =	sst lr;
	_ =	strace $0xD0000000  }
0x3: {  	_ = 	snop  }
0x4: {  	_ = 	snop  }
0x5: {  	_ = 	snop  }
0x6: {  	_ = 	snop  }
0x7: {  	_ = 	snop  }
__scs_overlays_trampoline_lowered:
0x8: {  	[smem:$0x3FA3] =	sst s0  }
0x9: {  	[smem:$0x3FA4] =	sst s1  }
0xa: {  	[smem:$0x3FA5] =	sst s2  }
0xb: {  	[smem:$0x3FA6] =	sst s3  }
0xc: {  	[smem:$0x3FA7] =	sst s4  }
0xd: {  	[smem:$0x3FA8] =	sst s5  }
0xe: {  	[smem:$0x3FA9] =	sst s6  }
0xf: {  	[smem:$0x3FAA] =	sst s7  }
0x10: {  	[smem:$0x3FAB] =	sst s8  }
0x11: {  	[smem:$0x3FAC] =	sst s9;
	s0 =	simm.s32 @!p0 $0x0  }
0x12: {  	s1 =	sld [smem:$0x3F92];
	s0 =	simm.s32 @p0 $0x1  }
0x13: {  	[smem:$0x3FAD] =	sst s0;
	s0 =	simm.s32 @!p1 $0x0  }
0x14: {  	s2 =	sld [smem:$0x3F91];
	s0 =	simm.s32 @p1 $0x1  }
0x15: {  	[smem:$0x3FAE] =	sst s0;
	s0 =	simm.s32 @!p2 $0x0  }
0x16: {  	s3 =	sld [smem:$0x3FDB];
	s0 =	simm.s32 @p2 $0x1  }
0x17: {  	s4 =	simm.s32 $0x1BF5;
	[smem:$0x3FB0] =	sst s0  }
0x18: {  	s0 =	sld [smem:$0x3F93];
	_ =	swait.ge [sflag:s4], $0x0  }
0x19: {  	s7 =	sld [smem:$0x3F94]  }
0x1a: {  	s8 =	sadd.s32 $0xFFFFE003, lr  }
0x1b: {  	s9 =	sadd.s32 $0xFFFFFEF7, lr;
	s5 =	simm.s32 $0xFFFFFFFF;
	p2 =	slt.u32 s8, $0xFFFFF086  }
0x1c: {  	p1 =	slt.u32 s9, $0xF7A;
	s5 =	simm.s32 @!p2 $0x0  }
0x1d: {  	s5 =	simm.s32 @p1 $0x1;
	p0 =	seq.s32 s7, s2  }
0x1e: {  	s7 =	smul.u32 @!p0 $0xF7A, s2;
	p2 =	seq.s32 @!p0 s5, $0x0  }
0x1f: {  	s9 =	smul.u32 $0xF7A, s1;
	s8 =	simm.s32 @!p0 $0x1BF5;
	p2 =	por !p2, p0  }
0x20: {  	[sflag:s8] =	ssyncset.s32 @!p0 $0xFFFFF086;
	s6 =	sadd.s32 @!p0 s3, s7;
	s7 =	simm.s32 @!p0 $0x108  }
0x21: {  	s3 =	sadd.s32 s3, s9;
	s6 =	sadd.s32 @!p0 $0x88, s6;
	s7 =	simm.s32 @p2 $0x1082  }
0x22: {  	[simem:s7], [sflag:s8] =	dma.local @!p0 [hbm:s6], $0xF7A  }
0x23: {  	s9 =	sor.u32 $0xD0000000, s2;
	s6 =	simm.s32 $0x108;
	_ =	swait.ge @!p0 [sflag:s8], $0x0  }
0x24: {  	s3 =	sadd.s32 $0x88, s3;
	s6 =	simm.s32 @!p1 $0x1082;
	[sflag:s4] =	ssyncset.s32 $0xFFFFF086  }
0x25: {  	[simem:s6], [sflag:s4] =	dma.local [hbm:s3], $0xF7A  }
0x26: {  	[smem:$0x3F94] =	sst s1;
	(tag) =	ssettag s2;
	_ =	strace s9  }
0x27: {  	s1 =	sld [smem:$0x3FA4]  }
0x28: {  	s2 =	sld [smem:$0x3FA5]  }
0x29: {  	s4 =	sld [smem:$0x3FA7]  }
0x2a: {  	p0 =	seq.s32 s5, $0x0;
	s5 =	sld [smem:$0x3FA8]  }
0x2b: {  	s6 =	sld [smem:$0x3FA9]  }
0x2c: {  	s7 =	sld [smem:$0x3FAA]  }
0x2d: {  	s3 =	simm.s32 $0x108;
	s8 =	sld [smem:$0x3FAB]  }
0x2e: {  	s3 =	simm.s32 @!p0 $0x1082;
	s9 =	sld [smem:$0x3FAC]  }
0x2f: {  	lr =	sadd.s32 s0, s3;
	s0 =	sld [smem:$0x3FA3]  }
0x30: {  	s3 =	sld [smem:$0x3FA6]  }
0x31: {  	[smem:$0x3FAF] =	sst s10  }
0x32: {  	s10 =	sld [smem:$0x3FAD];
	_ =	sdelay $0x3  }
0x33: {  	p0 =	seq.s32 s10, $0x1;
	s10 =	sld [smem:$0x3FAF];
	_ =	sdelay $0x3  }
0x34: {  	[smem:$0x3FAF] =	sst s10  }
0x35: {  	s10 =	sld [smem:$0x3FAE];
	_ =	sdelay $0x3  }
0x36: {  	p1 =	seq.s32 s10, $0x1;
	s10 =	sld [smem:$0x3FAF];
	_ =	sdelay $0x3  }
0x37: {  	[smem:$0x3FAF] =	sst s10  }
0x38: {  	s10 =	sld [smem:$0x3FB0]  }
0x39: {  	_ = 	snop;
	(pc) =	sbr.ind lr, $3  }
0x3a: {  	_ = 	snop  }
0x3b: {  	_ = 	snop  }
0x3c: {  	p2 =	seq.s32 s10, $0x1;
	s10 =	sld [smem:$0x3FAF]  }
0x3d: {  	_ =	shalt  }
0x3e: {  	_ =	shalt  }
0x3f: {  	_ =	shalt  }
0x40: {  	_ =	shalt  }
0x41: {  	_ =	shalt  }
0x42: {  	_ =	shalt  }
0x43: {  	_ =	shalt  }
0x44: {  	_ =	shalt  }
0x45: {  	_ =	shalt  }
0x46: {  	_ =	shalt  }
0x47: {  	_ =	shalt  }
0x48: {  	_ =	shalt  }
0x49: {  	_ =	shalt  }
0x4a: {  	_ =	shalt  }
0x4b: {  	_ =	shalt  }
0x4c: {  	_ =	shalt  }
0x4d: {  	_ =	shalt  }
0x4e: {  	_ =	shalt  }
0x4f: {  	_ =	shalt  }
0x50: {  	_ =	shalt  }
0x51: {  	_ =	shalt  }
0x52: {  	_ =	shalt  }
0x53: {  	_ =	shalt  }
0x54: {  	_ =	shalt  }
0x55: {  	_ =	shalt  }
0x56: {  	_ =	shalt  }
0x57: {  	_ =	shalt  }
0x58: {  	_ =	shalt  }
0x59: {  	_ =	shalt  }
0x5a: {  	_ =	shalt  }
0x5b: {  	_ =	shalt  }
0x5c: {  	_ =	shalt  }
0x5d: {  	_ =	shalt  }
0x5e: {  	_ =	shalt  }
0x5f: {  	_ =	shalt  }
0x60: {  	_ =	shalt  }
0x61: {  	_ =	shalt  }
0x62: {  	_ =	shalt  }
0x63: {  	_ =	shalt  }
0x64: {  	_ =	shalt  }
0x65: {  	_ =	shalt  }
0x66: {  	_ =	shalt  }
0x67: {  	_ =	shalt  }
0x68: {  	_ =	shalt  }
0x69: {  	_ =	shalt  }
0x6a: {  	_ =	shalt  }
0x6b: {  	_ =	shalt  }
0x6c: {  	_ =	shalt  }
0x6d: {  	_ =	shalt  }
0x6e: {  	_ =	shalt  }
0x6f: {  	_ =	shalt  }
0x70: {  	_ =	shalt  }
0x71: {  	_ =	shalt  }
0x72: {  	_ =	shalt  }
0x73: {  	_ =	shalt  }
0x74: {  	_ =	shalt  }
0x75: {  	_ =	shalt  }
0x76: {  	_ =	shalt  }
0x77: {  	_ =	shalt  }
0x78: {  	_ =	shalt  }
0x79: {  	_ =	shalt  }
0x7a: {  	_ =	shalt  }
0x7b: {  	_ =	shalt  }
0x7c: {  	_ =	shalt  }
0x7d: {  	_ =	shalt  }
0x7e: {  	_ =	shalt  }
0x7f: {  	_ =	shalt  }
0x80: {  	_ =	shalt  }
0x81: {  	_ =	shalt  }
0x82: {  	_ =	shalt  }
0x83: {  	_ =	shalt  }
0x84: {  	_ =	shalt  }
0x85: {  	_ =	shalt  }
0x86: {  	_ =	shalt  }
0x87: {  	_ =	shalt  }
.Lfunc_end0:
.L_simem_size_0:
called_computation.1_lowered:
.L_overlay_start_0:
0x88: {  	s2 =	sld [smem:$0x3FD9]  }
0x89: {  	s3 =	sld [smem:$0x3FFE];
	_ =	sdelay $0x1  }
0x8a: {  	s1 =	srdreg.scid  }
0x8b: {  	s0 =	sand.u32 $0x1, s1  }
0x8c: {  	s16 =	sshll.u32 s0, $0xA;
	s2 =	sadd.s32 s3, s2  }
0x8d: {  	s2 =	sadd.s32 s2, s16  }
0x8e: {  	[smem:$0x3FBB] =	sst s2  }
0x8f: {  	_ = 	snop  }
0x90: {  	(tm) =	ssettm $0x1  }
0x91: {  	s17 =	sld [smem:$0x3FFB];
	_ =	sdelay $0x3  }
0x92: {  	_ =	strace s17  }
0x93: {  	s2 =	sld [smem:$0x3FFC];
	_ =	sdelay $0x3  }
0x94: {  	_ =	strace s2  }
0x95: {  	s2 =	sld [smem:$0x3FFD];
	_ =	sdelay $0x3  }
0x96: {  	_ =	strace s2  }
0x97: {  	_ =	strace $0x8FFFFFFF  }
0x98: {  	s18 =	sld [smem:$0x3FDB];
	_ =	sdelay $0x1  }
0x99: {  	s19 =	simm.s32 $_scs_section_size  }
0x9a: {  	s4 =	simm.s32 $_size__tile_overlayer_lowered;
	s5 =	simm.s32 $_tile_overlayer_lowered  }
0x9b: {  	s22 =	simm.s32 $0x1BFF;
	s21 =	sshll.u32 s5, $0x1;
	s2 =	sadd.s32 s19, s18  }
0x9c: {  	s6 =	simm.s32 $0x0;
	s20 =	sshll.u32 s4, $0x1;
	s4 =	sadd.s32 s21, s2  }
0x9d: {  	[timem:s6], [sflag:s22] =	dma.local [hbm:s4], s20  }
0x9e: {  	_ =	swait.ge [sflag:s22], s20  }
0x9f: {  	s3 =	ssub.s32 $0x0, s20;
	[sflag:s22] =	ssyncset.done $0x0  }
0xa0: {  	[sflag:s22] =	ssyncadd.s32 s3;
	_ =	sdelay $0x1  }
0xa1: {  	s23 =	simm.s32 $0x1B8B  }
0xa2: {  	_ =	swait.ge [sflag:s23], $0x1  }
0xa3: {  	[sflag:s23] =	ssyncset.done $0x0  }
0xa4: {  	s25 =	simm.s32 $0x1B8E;
	s24 =	sld [smem:$0x3FFE];
	[sflag:s23] =	ssyncadd.s32 $0xFFFFFFFF  }
0xa5: {  	s26 =	simm.s32 $execute0_lowered;
	[smem:$0x3FD2] =	sst s25  }
0xa6: {  	s4 =	sshll.u32 s26, $0x1;
	_ =	strace $0x80000049;
	[dreg:$0x1] =	wrdreg $0xFFFFFFFF  }
0xa7: {  	s28 =	simm.s32 $_size_execute0_lowered;
	s2 =	sadd.s32 s2, s4;
	[dreg:$0x0] =	wrdreg $0x0  }
0xa8: {  	s4 =	sshll.u32 s28, $0x1;
	[dreg:$0x2] =	wrdreg s2  }
0xa9: {  	[dreg:$0x3] =	wrdreg s4  }
0xaa: {  	[dreg:$0x4] =	wrdreg $0xC0  }
0xab: {  	_ =	task [dreg:s6], $0x5FFFF  }
0xac: {  	[dreg:$0x1] =	wrdreg $0xFFFFFFFF  }
0xad: {  	[dreg:$0x0] =	wrdreg $0x60  }
0xae: {  	[dreg:$0x2] =	wrdreg s24  }
0xaf: {  	[dreg:$0x3] =	wrdreg $0x9E200  }
0xb0: {  	[dreg:$0x4] =	wrdreg $0x9  }
0xb1: {  	_ =	task.clear_ibuf [dreg:s6], $0x5FFFF;
	_ =	strace $0x90000049  }
0xb2: {  	s29 =	simm.s32 $0x9;
	_ =	strace $0x8000004B  }
0xb3: {  	_ =	swait.ge [sflag:s29], $0x1  }
0xb4: {  	[sflag:s29] =	ssyncadd.s32 $0xFFFFFFFF  }
0xb5: {  	_ =	strace $0x9000004B  }
0xb6: {  	_ =	sfence  }
0xb7: {  	s30 =	sld [smem:$0x0];
	_ =	sdelay $0x2  }
0xb8: {  	s31 =	sshll.u32 s1, $0xD;
	s1 =	sshrl.u32 s1, $0x2  }
0xb9: {  	s3 =	sand.u32 $0x4000, s31;
	s1 =	sadd.s32 s1, s30  }
0xba: {  	s0 =	sor.u32 s3, s0;
	s1 =	sshll.u32 s1, $0x11  }
0xbb: {  	s0 =	sor.u32 s1, s0  }
0xbc: {  	s0 =	sadd.s32 $0x8F2B, s0  }
0xbd: {  	[sflag:s0] =	ssyncadd.remote.s32 $0x1  }
0xbe: {  	_ =	sfence.sel $0xFFFF  }
0xbf: {  	[dreg:$0x0] =	wrdreg $0xFFFFFFFF;
	(pc) =	sbr.abs _section_cstart, $3  }
0xc0: {  	[dreg:$0x1] =	wrdreg $0xFFFFFFFF  }
0xc1: {  	_ =	task.clear_ibuf [dreg:s6], $0x2FFFF;
	_ =	strace $0x9FFFFFFF  }
0xc2: {  	(tm) =	ssettm $0x7FFFFFFF  }
0xc3: {  	_ =	shalt  }
tec
execute0_lowered:
.L_overlay_start_1:
0x0: {  	(tag) =	ssettag $0x1  }
0x1: {  	s1 =	srdreg.scid;
	s5 =	rddreg [dreg:$0x0]  }
0x2: {  	s0 =	stileid.u32;
	s2 =	rddreg [dreg:$0x1]  }
0x3: {  	s3 =	simm.s32 $0x0;
	s17 =	simm.s32 $0x3;
	s18 =	simm.s32 $0x2710  }
0x4: {  	s19 =	simm.s32 $0x4E20;
	s20 =	simm.s32 $0x50;
	s21 =	simm.s32 $0x7620  }
0x5: {  	s22 =	simm.s32 $0x1;
	s23 =	simm.s32 $0x2;
	s24 =	simm.s32 $0x4DD0  }
0x6: {  	s25 =	simm.s32 $0x0;
	s4 =	sand.u32 $0x1, s1;
	s7 =	smul.u32 $0x14000, s0  }
0x7: {  	s29 =	sshll.u32 s0, $0x1;
	[smem:$0x7FF] =	sst s3;
	s10 =	smul.u32 $0x50000, s0  }
0x8: {  	s1 =	sor.u32 s4, s29;
	s8 =	smul.u32 $0x140000, s4;
	s9 =	ssub.s32 $0x2, s4  }
0x9: {  	s4 =	sadd.s32 $0x16000, s5;
	s6 =	smul.u32 $0x4E2, s1;
	s1 =	rddreg [dreg:$0x2]  }
0xa: {  	_ =	strace $0x8000004A;
	s30 =	sshrl.u32 s9, $0x1;
	s31 =	sshrl.u32 s10, $0x2  }
0xb: {  	s8 =	sadd.s32 s7, s8;
	s16 =	ssub.s32 s9, s30;
	s7 =	sadd.s32 s7, s2  }
0xc: {  	s14 =	sadd.s32 s31, s2;
	s6 =	sadd.s32 s6, s5;
	s8 =	sshrl.u32 s8, $0x3  }
0xd: {  	s9 =	sadd.s32 $0x5000, s14;
	s10 =	sadd.s32 $0x7800, s14;
	s11 =	sadd.s32 $0xA000, s14  }
0xe: {  	s12 =	sadd.s32 $0xC800, s14;
	s13 =	sadd.s32 $0xF000, s14;
	s16 =	smax.u32 s16, $0x1  }
0xf: {  	s15 =	sadd.s32 s8, s5;
	s5 =	sadd.s32 $0xC200, s6;
	s6 =	sadd.s32 $0x2400, s6  }
0x10: {  	v0 =	vimm.f32 $0.0e+00;
	s8 =	sadd.s32 $0x2800, s14;
	s14 =	sadd.s32 $0x11800, s14;
	s15 =	sadd.s32 $0x3D200, s15  }
.LBB2_1:
0x11: {  	[tilespmem:s3], [sflag:$0x3] =	stream.linear.gather [hbm4b:s5+s3], $0x2710, $0x38;
	[tilespmem:$0x1DE20] =	vst v63  }
0x12: {  	_ =	swait.ge [sflag:s17], $0x2710  }
0x13: {  	[sflag:s17] =	ssyncset.done $0x0  }
0x14: {  	[sflag:s17] =	ssyncadd.s32 $0xFFFFD8F0  }
0x15: {  	[tilespmem:s18], [sflag:$0x3] =	stream.linear.gather [hbm4b:s6+s3], $0x2710, $0x38;
	[tilespmem:$0x1DE20] =	vst v63  }
0x16: {  	_ =	swait.ge [sflag:s17], $0x2710  }
0x17: {  	[sflag:s17] =	ssyncset.done $0x0  }
0x18: {  	s26 =	simm.s32 $0x0;
	s28 =	simm.s32 $0x200;
	[sflag:s17] =	ssyncadd.s32 $0xFFFFD8F0  }
.LBB2_2:
0x19: {  	p0 =	sne.s32 s28, $0x9E00;
	[tilespmem:s26+$0x4E90] =	vst v0  }
0x1a: {  	[tilespmem:s26+$0x4E20] =	vst v0  }
0x1b: {  	[tilespmem:s26+$0x4E30] =	vst v0  }
.Ltmp0:
0x1c: {  	[tilespmem:s26+$0x4E40] =	vst v0;
	(pc) =	sbr.rel @p0 .LBB2_2-.Ltmp0, $4  }
0x1d: {  	[tilespmem:s26+$0x4E50] =	vst v0  }
0x1e: {  	[tilespmem:s26+$0x4E60] =	vst v0  }
0x1f: {  	[tilespmem:s26+$0x4E70] =	vst v0  }
0x20: {  	[tilespmem:s26+$0x4E80] =	vst v0;
	s26 =	sshra.s32 s28, $0x2;
	s28 =	sadd.s32 $0x200, s28  }
0x21: {  	[tilespmem:s26+$0x4E90] =	vst v0  }
0x22: {  	[tilespmem:s26+$0x4E20] =	vst v0  }
0x23: {  	[tilespmem:s26+$0x4E30] =	vst v0  }
0x24: {  	[tilespmem:s26+$0x4E40] =	vst v0  }
0x25: {  	[tilespmem:s26+$0x4E50] =	vst v0  }
0x26: {  	[tilespmem:s26+$0x4E60] =	vst v0  }
0x27: {  	[tilespmem:s26+$0x4E70] =	vst v0  }
0x28: {  	[tilespmem:s26+$0x4E80] =	vst v0  }
0x29: {  	[spmem:s7] =	stream.linear.scatter [tilespmem:s19], [sflag:$0x3], $0x2800, $0x38;
	[tilespmem:$0x1DE20] =	vst v63  }
0x2a: {  	_ =	swait.ge [sflag:s17], $0x2800  }
0x2b: {  	[sflag:s17] =	ssyncset.done $0x0  }
0x2c: {  	[sflag:s17] =	ssyncadd.s32 $0xFFFFD800  }
0x2d: {  	[spmem:s8] =	stream.linear.scatter [tilespmem:s19], [sflag:$0x3], $0x2800, $0x38;
	[tilespmem:$0x1DE20] =	vst v63  }
0x2e: {  	_ =	swait.ge [sflag:s17], $0x2800  }
0x2f: {  	[sflag:s17] =	ssyncset.done $0x0  }
0x30: {  	[sflag:s17] =	ssyncadd.s32 $0xFFFFD800  }
0x31: {  	[spmem:s9] =	stream.linear.scatter [tilespmem:s19], [sflag:$0x3], $0x2800, $0x38;
	[tilespmem:$0x1DE20] =	vst v63  }
0x32: {  	_ =	swait.ge [sflag:s17], $0x2800  }
0x33: {  	[sflag:s17] =	ssyncset.done $0x0  }
0x34: {  	[sflag:s17] =	ssyncadd.s32 $0xFFFFD800  }
0x35: {  	[spmem:s10] =	stream.linear.scatter [tilespmem:s19], [sflag:$0x3], $0x2800, $0x38;
	[tilespmem:$0x1DE20] =	vst v63  }
0x36: {  	_ =	swait.ge [sflag:s17], $0x2800  }
0x37: {  	[sflag:s17] =	ssyncset.done $0x0  }
0x38: {  	[sflag:s17] =	ssyncadd.s32 $0xFFFFD800  }
0x39: {  	[spmem:s11] =	stream.linear.scatter [tilespmem:s19], [sflag:$0x3], $0x2800, $0x38;
	[tilespmem:$0x1DE20] =	vst v63  }
0x3a: {  	_ =	swait.ge [sflag:s17], $0x2800  }
0x3b: {  	[sflag:s17] =	ssyncset.done $0x0  }
0x3c: {  	[sflag:s17] =	ssyncadd.s32 $0xFFFFD800  }
0x3d: {  	[spmem:s12] =	stream.linear.scatter [tilespmem:s19], [sflag:$0x3], $0x2800, $0x38;
	[tilespmem:$0x1DE20] =	vst v63  }
0x3e: {  	_ =	swait.ge [sflag:s17], $0x2800  }
0x3f: {  	[sflag:s17] =	ssyncset.done $0x0  }
0x40: {  	[sflag:s17] =	ssyncadd.s32 $0xFFFFD800  }
0x41: {  	[spmem:s13] =	stream.linear.scatter [tilespmem:s19], [sflag:$0x3], $0x2800, $0x38;
	[tilespmem:$0x1DE20] =	vst v63  }
0x42: {  	_ =	swait.ge [sflag:s17], $0x2800  }
0x43: {  	[sflag:s17] =	ssyncset.done $0x0  }
0x44: {  	[sflag:s17] =	ssyncadd.s32 $0xFFFFD800  }
0x45: {  	[spmem:s14] =	stream.linear.scatter [tilespmem:s19], [sflag:$0x3], $0x2800, $0x38;
	[tilespmem:$0x1DE20] =	vst v63  }
0x46: {  	_ =	swait.ge [sflag:s17], $0x2800  }
0x47: {  	[sflag:s17] =	ssyncset.done $0x0  }
0x48: {  	[sflag:s17] =	ssyncadd.s32 $0xFFFFD800  }
0x49: {  	s30 =	simm.s32 $0x0;
	[bflag:$0x0] =	sbarrier.arrive $0xFFFF  }
0x4a: {  	[tilespmem:s19], [sflag:$0x1] =	stream.indirect.gather [hbm4b:s4+s20], $0x80, s30, s20, $0xb8;
	[tilespmem:$0x1DE20] =	vst v63  }
0x4b: {  	s31 =	simm.s32 $0x50  }
0x4c: {  	[tilespmem:s21], [sflag:$0x2] =	stream.indirect.gather [hbm4b:s4+s20], $0x80, s31, s20, $0xb8;
	[tilespmem:$0x1DE20] =	vst v63  }
0x4d: {  	_ =	swait.ge [sflag:s22], $0x2800  }
0x4e: {  	[sflag:s22] =	ssyncset.done $0x0  }
0x4f: {  	s29 =	simm.s32 $0x2710;
	[sflag:s22] =	ssyncadd.s32 $0xFFFFD800  }
0x50: {  	[spmem:s2] =	stream.indirect.scatter.add.f32 [tilespmem:s19], [sflag:$0x3], $0x80, s29, s20, $0xb8;
	[tilespmem:$0x1DE20] =	vst v63  }
0x51: {  	_ =	swait.ge [sflag:s17], $0x2800  }
0x52: {  	[sflag:s17] =	ssyncset.done $0x0  }
0x53: {  	s30 =	simm.s32 $0xA0;
	[sflag:s17] =	ssyncadd.s32 $0xFFFFD800  }
0x54: {  	[tilespmem:s19], [sflag:$0x1] =	stream.indirect.gather [hbm4b:s4+s20], $0x80, s30, s20, $0xb8;
	[tilespmem:$0x1DE20] =	vst v63  }
0x55: {  	_ =	swait.ge [sflag:s23], $0x2800  }
0x56: {  	[sflag:s23] =	ssyncset.done $0x0  }
0x57: {  	s31 =	simm.s32 $0x2760;
	[sflag:s23] =	ssyncadd.s32 $0xFFFFD800  }
0x58: {  	[spmem:s2] =	stream.indirect.scatter.add.f32 [tilespmem:s21], [sflag:$0x3], $0x80, s31, s20, $0xb8;
	[tilespmem:$0x1DE20] =	vst v63  }
0x59: {  	_ =	swait.ge [sflag:s17], $0x2800  }
0x5a: {  	s28 =	simm.s32 $0x500;
	s26 =	simm.s32 $0xA0;
	[sflag:s17] =	ssyncset.done $0x0  }
.LBB2_4:
0x5b: {  	s29 =	sadd.s32 $0x50, s26  }
0x5c: {  	[sflag:s17] =	ssyncadd.s32 $0xFFFFD800;
	s30 =	smov.u32 s28;
	s31 =	sadd.s32 $0x280, s28  }
0x5d: {  	[tilespmem:s21], [sflag:$0x2] =	stream.indirect.gather [hbm4b:s4+s20], $0x80, s29, s20, $0xb8;
	[tilespmem:$0x1DE20] =	vst v63  }
0x5e: {  	p0 =	sne.s32 s28, $0x9880;
	_ =	swait.ge [sflag:s22], $0x2800  }
0x5f: {  	[sflag:s22] =	ssyncset.done $0x0  }
0x60: {  	s28 =	sadd.s32 $0x2710, s26;
	[sflag:s22] =	ssyncadd.s32 $0xFFFFD800  }
0x61: {  	[spmem:s2] =	stream.indirect.scatter.add.f32 [tilespmem:s19], [sflag:$0x3], $0x80, s28, s20, $0xb8;
	[tilespmem:$0x1DE20] =	vst v63  }
0x62: {  	_ =	swait.ge [sflag:s17], $0x2800  }
0x63: {  	[sflag:s17] =	ssyncset.done $0x0  }
0x64: {  	s28 =	sadd.s32 $0xA0, s26;
	[sflag:s17] =	ssyncadd.s32 $0xFFFFD800  }
0x65: {  	[tilespmem:s19], [sflag:$0x1] =	stream.indirect.gather [hbm4b:s4+s20], $0x80, s28, s20, $0xb8;
	[tilespmem:$0x1DE20] =	vst v63  }
0x66: {  	_ =	swait.ge [sflag:s23], $0x2800  }
.Ltmp1:
0x67: {  	[sflag:s23] =	ssyncset.done $0x0;
	(pc) =	sbr.rel @p0 .LBB2_4-.Ltmp1, $4  }
0x68: {  	s26 =	sadd.s32 $0x2760, s26;
	[sflag:s23] =	ssyncadd.s32 $0xFFFFD800  }
0x69: {  	[spmem:s2] =	stream.indirect.scatter.add.f32 [tilespmem:s21], [sflag:$0x3], $0x80, s26, s20, $0xb8;
	[tilespmem:$0x1DE20] =	vst v63  }
0x6a: {  	_ =	swait.ge [sflag:s17], $0x2800  }
0x6b: {  	s28 =	smov.u32 s31;
	s26 =	sshra.s32 s30, $0x2;
	[sflag:s17] =	ssyncset.done $0x0  }
0x6c: {  	s28 =	sadd.s32 $0x50, s26;
	[sflag:s17] =	ssyncadd.s32 $0xFFFFD800  }
0x6d: {  	[tilespmem:s21], [sflag:$0x2] =	stream.indirect.gather [hbm4b:s4+s20], $0x80, s28, s20, $0xb8;
	[tilespmem:$0x1DE20] =	vst v63  }
0x6e: {  	_ =	swait.ge [sflag:s22], $0x2800  }
0x6f: {  	[sflag:s22] =	ssyncset.done $0x0  }
0x70: {  	s30 =	sadd.s32 $0x2710, s26;
	[sflag:s22] =	ssyncadd.s32 $0xFFFFD800  }
0x71: {  	[spmem:s2] =	stream.indirect.scatter.add.f32 [tilespmem:s19], [sflag:$0x3], $0x80, s30, s20, $0xb8;
	[tilespmem:$0x1DE20] =	vst v63  }
0x72: {  	_ =	swait.ge [sflag:s17], $0x2800  }
0x73: {  	[sflag:s17] =	ssyncset.done $0x0  }
0x74: {  	s31 =	sadd.s32 $0xA0, s26;
	[sflag:s17] =	ssyncadd.s32 $0xFFFFD800  }
0x75: {  	[tilespmem:s19], [sflag:$0x1] =	stream.indirect.gather [hbm4b:s4+s20], $0x80, s31, s20, $0xb8;
	[tilespmem:$0x1DE20] =	vst v63  }
0x76: {  	_ =	swait.ge [sflag:s23], $0x2800  }
0x77: {  	[sflag:s23] =	ssyncset.done $0x0  }
0x78: {  	s29 =	sadd.s32 $0x2760, s26;
	[sflag:s23] =	ssyncadd.s32 $0xFFFFD800  }
0x79: {  	[spmem:s2] =	stream.indirect.scatter.add.f32 [tilespmem:s21], [sflag:$0x3], $0x80, s29, s20, $0xb8;
	[tilespmem:$0x1DE20] =	vst v63  }
0x7a: {  	_ =	swait.ge [sflag:s17], $0x2800  }
0x7b: {  	[sflag:s17] =	ssyncset.done $0x0  }
0x7c: {  	[sflag:s17] =	ssyncadd.s32 $0xFFFFD800  }
0x7d: {  	_ =	swait.ge [sflag:s22], $0x2800  }
0x7e: {  	[sflag:s22] =	ssyncset.done $0x0  }
0x7f: {  	[sflag:s22] =	ssyncadd.s32 $0xFFFFD800  }
0x80: {  	[spmem:s2] =	stream.indirect.scatter.add.f32 [tilespmem:s19], [sflag:$0x3], $0x80, s24, s20, $0xb8;
	[tilespmem:$0x1DE20] =	vst v63  }
0x81: {  	_ =	swait.ge [sflag:s17], $0x2800  }
0x82: {  	s25 =	sadd.s32 $0x1, s25;
	s30 =	sshll.u32 s0, $0x6;
	[sflag:s17] =	ssyncset.done $0x0  }
0x83: {  	p0 =	sne.s32 s25, s16;
	s26 =	sor.u32 $0x1C03, s30;
	[sflag:s17] =	ssyncadd.s32 $0xFFFFD800  }
.Ltmp2:
0x84: {  	s31 =	sshrl.u32 s7, $0x3;
	[bflag:$0x0] =	sbarrier.arrive $0xFFFF;
	(pc) =	sbr.rel @p0 .LBB2_1-.Ltmp2, $4  }
0x85: {  	[hbm:s15], [sflag:s26] =	dma.local [spmem:s31], $0x2800  }
0x86: {  	_ =	swait.ge [sflag:s17], $0x2800  }
0x87: {  	[sflag:s17] =	ssyncset.done $0x0  }
0x88: {  	[sflag:s17] =	ssyncadd.s32 $0xFFFFD800  }
0x89: {  	_ =	sfence.sel $0x180000  }
0x8a: {  	[bflag:$0x0] =	sbarrier.arrive $0xFFFF  }
0x8b: {  	p0 =	sne.s32 s0, $0x0;
	_ =	strace $0x9000004A  }
0x8c: {  	s0 =	sadd.s32 @!p0 $0x100000, s1;
	[bflag:$0x2] =	sbarrier.arrive $0xFFFF  }
0x8d: {  	[sflag:s0] =	ssyncadd.tile.s32 @!p0 $0x1;
	_ =	shalt  }
.Lfunc_end2:
_tile_overlayer_lowered:
.L_overlay_start_2:
0x8e: {  	(tag) =	ssettag $0x2  }
0x8f: {  	s0 =	rddreg [dreg:$0x0];
	s2 =	stileid.u32  }
0x90: {  	s1 =	rddreg [dreg:$0x1];
	p0 =	sne.s32 s2, $0x0  }
0x91: {  	s3 =	rddreg [dreg:$0x2];
	[bflag:$0x3] =	sbarrier.arrive $0xFFFF;
	s2 =	simm.s32 @!p0 $0x1C03  }
0x92: {  	[timem:s3], [sflag:s2] =	dma.local @!p0 [hbm:s0], s1  }
0x93: {  	s0 =	simm.s32 @!p0 $0x3  }
0x94: {  	_ =	swait.ge @!p0 [sflag:s0], s1  }
0x95: {  	s1 =	ssub.s32 @!p0 $0x0, s1;
	[sflag:s0] =	ssyncset.done @!p0 $0x0  }
0x96: {  	[sflag:s0] =	ssyncadd.s32 @!p0 s1  }
0x97: {  	[bflag:$0x3] =	sbarrier.arrive $0xFFFF  }
0x98: {  	_ =	shalt  }

// kernel: kernel.16.cloned.1.call-start
scs
__scs_entry_jumppad:
0x0: {  	(pc) =	sbr.rel $0x88, $3  }
0x1: {  	(tag) =	ssettag $0x0;
	lr =	simm.s32 $0x1  }
0x2: {  	[smem:$0x3F94] =	sst lr;
	_ =	strace $0xD0000000  }
0x3: {  	_ = 	snop  }
0x4: {  	_ = 	snop  }
0x5: {  	_ = 	snop  }
0x6: {  	_ = 	snop  }
0x7: {  	_ = 	snop  }
__scs_overlays_trampoline_lowered:
0x8: {  	[smem:$0x3FA3] =	sst s0  }
0x9: {  	[smem:$0x3FA4] =	sst s1  }
0xa: {  	[smem:$0x3FA5] =	sst s2  }
0xb: {  	[smem:$0x3FA6] =	sst s3  }
0xc: {  	[smem:$0x3FA7] =	sst s4  }
0xd: {  	[smem:$0x3FA8] =	sst s5  }
0xe: {  	[smem:$0x3FA9] =	sst s6  }
0xf: {  	[smem:$0x3FAA] =	sst s7  }
0x10: {  	[smem:$0x3FAB] =	sst s8  }
0x11: {  	[smem:$0x3FAC] =	sst s9;
	s0 =	simm.s32 @!p0 $0x0  }
0x12: {  	s1 =	sld [smem:$0x3F92];
	s0 =	simm.s32 @p0 $0x1  }
0x13: {  	[smem:$0x3FAD] =	sst s0;
	s0 =	simm.s32 @!p1 $0x0  }
0x14: {  	s2 =	sld [smem:$0x3F91];
	s0 =	simm.s32 @p1 $0x1  }
0x15: {  	[smem:$0x3FAE] =	sst s0;
	s0 =	simm.s32 @!p2 $0x0  }
0x16: {  	s3 =	sld [smem:$0x3FDB];
	s0 =	simm.s32 @p2 $0x1  }
0x17: {  	s4 =	simm.s32 $0x1BF5;
	[smem:$0x3FB0] =	sst s0  }
0x18: {  	s0 =	sld [smem:$0x3F93];
	_ =	swait.ge [sflag:s4], $0x0  }
0x19: {  	s7 =	sld [smem:$0x3F94]  }
0x1a: {  	s8 =	sadd.s32 $0xFFFFE003, lr  }
0x1b: {  	s9 =	sadd.s32 $0xFFFFFEF7, lr;
	s5 =	simm.s32 $0xFFFFFFFF;
	p2 =	slt.u32 s8, $0xFFFFF086  }
0x1c: {  	p1 =	slt.u32 s9, $0xF7A;
	s5 =	simm.s32 @!p2 $0x0  }
0x1d: {  	s5 =	simm.s32 @p1 $0x1;
	p0 =	seq.s32 s7, s2  }
0x1e: {  	s7 =	smul.u32 @!p0 $0xF7A, s2;
	p2 =	seq.s32 @!p0 s5, $0x0  }
0x1f: {  	s9 =	smul.u32 $0xF7A, s1;
	s8 =	simm.s32 @!p0 $0x1BF5;
	p2 =	por !p2, p0  }
0x20: {  	[sflag:s8] =	ssyncset.s32 @!p0 $0xFFFFF086;
	s6 =	sadd.s32 @!p0 s3, s7;
	s7 =	simm.s32 @!p0 $0x108  }
0x21: {  	s3 =	sadd.s32 s3, s9;
	s6 =	sadd.s32 @!p0 $0x88, s6;
	s7 =	simm.s32 @p2 $0x1082  }
0x22: {  	[simem:s7], [sflag:s8] =	dma.local @!p0 [hbm:s6], $0xF7A  }
0x23: {  	s9 =	sor.u32 $0xD0000000, s2;
	s6 =	simm.s32 $0x108;
	_ =	swait.ge @!p0 [sflag:s8], $0x0  }
0x24: {  	s3 =	sadd.s32 $0x88, s3;
	s6 =	simm.s32 @!p1 $0x1082;
	[sflag:s4] =	ssyncset.s32 $0xFFFFF086  }
0x25: {  	[simem:s6], [sflag:s4] =	dma.local [hbm:s3], $0xF7A  }
0x26: {  	[smem:$0x3F94] =	sst s1;
	(tag) =	ssettag s2;
	_ =	strace s9  }
0x27: {  	s1 =	sld [smem:$0x3FA4]  }
0x28: {  	s2 =	sld [smem:$0x3FA5]  }
0x29: {  	s4 =	sld [smem:$0x3FA7]  }
0x2a: {  	p0 =	seq.s32 s5, $0x0;
	s5 =	sld [smem:$0x3FA8]  }
0x2b: {  	s6 =	sld [smem:$0x3FA9]  }
0x2c: {  	s7 =	sld [smem:$0x3FAA]  }
0x2d: {  	s3 =	simm.s32 $0x108;
	s8 =	sld [smem:$0x3FAB]  }
0x2e: {  	s3 =	simm.s32 @!p0 $0x1082;
	s9 =	sld [smem:$0x3FAC]  }
0x2f: {  	lr =	sadd.s32 s0, s3;
	s0 =	sld [smem:$0x3FA3]  }
0x30: {  	s3 =	sld [smem:$0x3FA6]  }
0x31: {  	[smem:$0x3FAF] =	sst s10  }
0x32: {  	s10 =	sld [smem:$0x3FAD];
	_ =	sdelay $0x3  }
0x33: {  	p0 =	seq.s32 s10, $0x1;
	s10 =	sld [smem:$0x3FAF];
	_ =	sdelay $0x3  }
0x34: {  	[smem:$0x3FAF] =	sst s10  }
0x35: {  	s10 =	sld [smem:$0x3FAE];
	_ =	sdelay $0x3  }
0x36: {  	p1 =	seq.s32 s10, $0x1;
	s10 =	sld [smem:$0x3FAF];
	_ =	sdelay $0x3  }
0x37: {  	[smem:$0x3FAF] =	sst s10  }
0x38: {  	s10 =	sld [smem:$0x3FB0]  }
0x39: {  	_ = 	snop;
	(pc) =	sbr.ind lr, $3  }
0x3a: {  	_ = 	snop  }
0x3b: {  	_ = 	snop  }
0x3c: {  	p2 =	seq.s32 s10, $0x1;
	s10 =	sld [smem:$0x3FAF]  }
0x3d: {  	_ =	shalt  }
0x3e: {  	_ =	shalt  }
0x3f: {  	_ =	shalt  }
0x40: {  	_ =	shalt  }
0x41: {  	_ =	shalt  }
0x42: {  	_ =	shalt  }
0x43: {  	_ =	shalt  }
0x44: {  	_ =	shalt  }
0x45: {  	_ =	shalt  }
0x46: {  	_ =	shalt  }
0x47: {  	_ =	shalt  }
0x48: {  	_ =	shalt  }
0x49: {  	_ =	shalt  }
0x4a: {  	_ =	shalt  }
0x4b: {  	_ =	shalt  }
0x4c: {  	_ =	shalt  }
0x4d: {  	_ =	shalt  }
0x4e: {  	_ =	shalt  }
0x4f: {  	_ =	shalt  }
0x50: {  	_ =	shalt  }
0x51: {  	_ =	shalt  }
0x52: {  	_ =	shalt  }
0x53: {  	_ =	shalt  }
0x54: {  	_ =	shalt  }
0x55: {  	_ =	shalt  }
0x56: {  	_ =	shalt  }
0x57: {  	_ =	shalt  }
0x58: {  	_ =	shalt  }
0x59: {  	_ =	shalt  }
0x5a: {  	_ =	shalt  }
0x5b: {  	_ =	shalt  }
0x5c: {  	_ =	shalt  }
0x5d: {  	_ =	shalt  }
0x5e: {  	_ =	shalt  }
0x5f: {  	_ =	shalt  }
0x60: {  	_ =	shalt  }
0x61: {  	_ =	shalt  }
0x62: {  	_ =	shalt  }
0x63: {  	_ =	shalt  }
0x64: {  	_ =	shalt  }
0x65: {  	_ =	shalt  }
0x66: {  	_ =	shalt  }
0x67: {  	_ =	shalt  }
0x68: {  	_ =	shalt  }
0x69: {  	_ =	shalt  }
0x6a: {  	_ =	shalt  }
0x6b: {  	_ =	shalt  }
0x6c: {  	_ =	shalt  }
0x6d: {  	_ =	shalt  }
0x6e: {  	_ =	shalt  }
0x6f: {  	_ =	shalt  }
0x70: {  	_ =	shalt  }
0x71: {  	_ =	shalt  }
0x72: {  	_ =	shalt  }
0x73: {  	_ =	shalt  }
0x74: {  	_ =	shalt  }
0x75: {  	_ =	shalt  }
0x76: {  	_ =	shalt  }
0x77: {  	_ =	shalt  }
0x78: {  	_ =	shalt  }
0x79: {  	_ =	shalt  }
0x7a: {  	_ =	shalt  }
0x7b: {  	_ =	shalt  }
0x7c: {  	_ =	shalt  }
0x7d: {  	_ =	shalt  }
0x7e: {  	_ =	shalt  }
0x7f: {  	_ =	shalt  }
0x80: {  	_ =	shalt  }
0x81: {  	_ =	shalt  }
0x82: {  	_ =	shalt  }
0x83: {  	_ =	shalt  }
0x84: {  	_ =	shalt  }
0x85: {  	_ =	shalt  }
0x86: {  	_ =	shalt  }
0x87: {  	_ =	shalt  }
.Lfunc_end0:
.L_simem_size_0:
called_computation.2_lowered:
.L_overlay_start_0:
0x88: {  	s2 =	sld [smem:$0x3FD9]  }
0x89: {  	s3 =	sld [smem:$0x3FFE];
	_ =	sdelay $0x1  }
0x8a: {  	s1 =	srdreg.scid  }
0x8b: {  	s0 =	sand.u32 $0x1, s1  }
0x8c: {  	s16 =	sshll.u32 s0, $0xA;
	s2 =	sadd.s32 s3, s2  }
0x8d: {  	s2 =	sadd.s32 s2, s16  }
0x8e: {  	[smem:$0x3FBB] =	sst s2  }
0x8f: {  	_ = 	snop  }
0x90: {  	(tm) =	ssettm $0x1  }
0x91: {  	s17 =	sld [smem:$0x3FFB];
	_ =	sdelay $0x3  }
0x92: {  	_ =	strace s17  }
0x93: {  	s2 =	sld [smem:$0x3FFC];
	_ =	sdelay $0x3  }
0x94: {  	_ =	strace s2  }
0x95: {  	s2 =	sld [smem:$0x3FFD];
	_ =	sdelay $0x3  }
0x96: {  	_ =	strace s2  }
0x97: {  	_ =	strace $0x8FFFFFFF  }
0x98: {  	s18 =	sld [smem:$0x3FDB];
	_ =	sdelay $0x1  }
0x99: {  	s19 =	simm.s32 $_scs_section_size  }
0x9a: {  	s4 =	simm.s32 $_size__tile_overlayer_lowered;
	s5 =	simm.s32 $_tile_overlayer_lowered  }
0x9b: {  	s22 =	simm.s32 $0x1BFF;
	s21 =	sshll.u32 s5, $0x1;
	s2 =	sadd.s32 s19, s18  }
0x9c: {  	s6 =	simm.s32 $0x0;
	s20 =	sshll.u32 s4, $0x1;
	s4 =	sadd.s32 s21, s2  }
0x9d: {  	[timem:s6], [sflag:s22] =	dma.local [hbm:s4], s20  }
0x9e: {  	_ =	swait.ge [sflag:s22], s20  }
0x9f: {  	s3 =	ssub.s32 $0x0, s20;
	[sflag:s22] =	ssyncset.done $0x0  }
0xa0: {  	[sflag:s22] =	ssyncadd.s32 s3;
	_ =	sdelay $0x1  }
0xa1: {  	s23 =	simm.s32 $0x1B8B  }
0xa2: {  	_ =	swait.ge [sflag:s23], $0x1  }
0xa3: {  	[sflag:s23] =	ssyncset.done $0x0  }
0xa4: {  	s25 =	simm.s32 $0x1B8E;
	s24 =	sld [smem:$0x3FFE];
	[sflag:s23] =	ssyncadd.s32 $0xFFFFFFFF  }
0xa5: {  	s26 =	simm.s32 $execute0_lowered;
	[smem:$0x3FD2] =	sst s25  }
0xa6: {  	s4 =	sshll.u32 s26, $0x1;
	_ =	strace $0x8000004C;
	[dreg:$0x1] =	wrdreg $0xFFFFFFFF  }
0xa7: {  	s28 =	simm.s32 $_size_execute0_lowered;
	s2 =	sadd.s32 s2, s4;
	[dreg:$0x0] =	wrdreg $0x0  }
0xa8: {  	s4 =	sshll.u32 s28, $0x1;
	[dreg:$0x2] =	wrdreg s2  }
0xa9: {  	[dreg:$0x3] =	wrdreg s4  }
0xaa: {  	[dreg:$0x4] =	wrdreg $0xC0  }
0xab: {  	_ =	task [dreg:s6], $0x5FFFF  }
0xac: {  	[dreg:$0x1] =	wrdreg $0xFFFFFFFF  }
0xad: {  	[dreg:$0x0] =	wrdreg $0x60  }
0xae: {  	[dreg:$0x2] =	wrdreg s24  }
0xaf: {  	[dreg:$0x3] =	wrdreg $0x8A200  }
0xb0: {  	[dreg:$0x4] =	wrdreg $0x9  }
0xb1: {  	_ =	task.clear_ibuf [dreg:s6], $0x5FFFF;
	_ =	strace $0x9000004C  }
0xb2: {  	s29 =	simm.s32 $0x9;
	_ =	strace $0x8000004E  }
0xb3: {  	_ =	swait.ge [sflag:s29], $0x1  }
0xb4: {  	[sflag:s29] =	ssyncadd.s32 $0xFFFFFFFF  }
0xb5: {  	_ =	strace $0x9000004E  }
0xb6: {  	_ =	sfence  }
0xb7: {  	s30 =	sld [smem:$0x0];
	_ =	sdelay $0x2  }
0xb8: {  	s31 =	sshll.u32 s1, $0xD;
	s1 =	sshrl.u32 s1, $0x2  }
0xb9: {  	s3 =	sand.u32 $0x4000, s31;
	s1 =	sadd.s32 s1, s30  }
0xba: {  	s0 =	sor.u32 s3, s0;
	s1 =	sshll.u32 s1, $0x11  }
0xbb: {  	s0 =	sor.u32 s1, s0  }
0xbc: {  	s0 =	sadd.s32 $0x8F2B, s0  }
0xbd: {  	[sflag:s0] =	ssyncadd.remote.s32 $0x1  }
0xbe: {  	_ =	sfence.sel $0xFFFF  }
0xbf: {  	[dreg:$0x0] =	wrdreg $0xFFFFFFFF;
	(pc) =	sbr.abs _section_cstart, $3  }
0xc0: {  	[dreg:$0x1] =	wrdreg $0xFFFFFFFF  }
0xc1: {  	_ =	task.clear_ibuf [dreg:s6], $0x2FFFF;
	_ =	strace $0x9FFFFFFF  }
0xc2: {  	(tm) =	ssettm $0x7FFFFFFF  }
0xc3: {  	_ =	shalt  }
tec
execute0_lowered:
.L_overlay_start_1:
0x0: {  	(tag) =	ssettag $0x1  }
0x1: {  	s1 =	srdreg.scid;
	s5 =	rddreg [dreg:$0x0]  }
0x2: {  	s0 =	stileid.u32;
	s2 =	rddreg [dreg:$0x1];
	s3 =	simm.s32 $0x0  }
0x3: {  	s17 =	simm.s32 $0x4;
	s19 =	simm.s32 $0x4E20;
	s20 =	simm.s32 $0x50  }
0x4: {  	s21 =	simm.s32 $0x6220;
	s22 =	simm.s32 $0x7620;
	s23 =	simm.s32 $0x1  }
0x5: {  	s24 =	simm.s32 $0x2;
	s25 =	simm.s32 $0x3;
	s28 =	simm.s32 $0x4DD0  }
0x6: {  	s29 =	simm.s32 $0x0;
	s4 =	sand.u32 $0x1, s1;
	s7 =	smul.u32 $0xA000, s0  }
0x7: {  	s26 =	sshll.u32 s0, $0x1;
	[smem:$0x7FF] =	sst s3;
	s10 =	smul.u32 $0x28000, s0  }
0x8: {  	s1 =	sor.u32 s4, s26;
	s8 =	smul.u32 $0xA0000, s4;
	_ =	strace $0x8000004D  }
0x9: {  	s9 =	ssub.s32 $0x2, s4;
	s4 =	sadd.s32 $0x16000, s5;
	s26 =	simm.s32 $0x4D80  }
0xa: {  	s6 =	smul.u32 $0x4E2, s1;
	s30 =	sshrl.u32 s9, $0x1;
	s31 =	sshrl.u32 s10, $0x2  }
0xb: {  	s8 =	sadd.s32 s7, s8;
	s16 =	ssub.s32 s9, s30;
	s7 =	sadd.s32 s7, s2  }
0xc: {  	s14 =	sadd.s32 s31, s2;
	s6 =	sadd.s32 s6, s5;
	s8 =	sshrl.u32 s8, $0x3  }
0xd: {  	s9 =	sadd.s32 $0x2800, s14;
	s10 =	sadd.s32 $0x3C00, s14;
	s11 =	sadd.s32 $0x5000, s14  }
0xe: {  	s12 =	sadd.s32 $0x6400, s14;
	s13 =	sadd.s32 $0x7800, s14;
	s16 =	smax.u32 s16, $0x1  }
0xf: {  	s15 =	sadd.s32 s8, s5;
	s5 =	sadd.s32 $0xC200, s6;
	s6 =	sadd.s32 $0x2400, s6  }
0x10: {  	v0 =	vimm.f32 $0.0e+00;
	s8 =	sadd.s32 $0x1400, s14;
	s14 =	sadd.s32 $0x8C00, s14;
	s15 =	sadd.s32 $0x29A00, s15  }
.LBB2_1:
0x11: {  	[tilespmem:s3], [sflag:$0x4] =	stream.linear.gather [hbm4b:s5+s3], $0x2710, $0x38;
	[tilespmem:$0x12A20] =	vst v63  }
0x12: {  	_ =	swait.ge [sflag:s17], $0x2710  }
0x13: {  	[sflag:s17] =	ssyncset.done $0x0  }
0x14: {  	s0 =	simm.s32 $0x2710;
	[sflag:s17] =	ssyncadd.s32 $0xFFFFD8F0  }
0x15: {  	[tilespmem:s0], [sflag:$0x4] =	stream.linear.gather [hbm4b:s6+s3], $0x2710, $0x38;
	[tilespmem:$0x12A20] =	vst v63  }
0x16: {  	_ =	swait.ge [sflag:s17], $0x2710  }
0x17: {  	[sflag:s17] =	ssyncset.done $0x0  }
0x18: {  	s31 =	simm.s32 $0x100;
	s30 =	simm.s32 $0x0;
	[sflag:s17] =	ssyncadd.s32 $0xFFFFD8F0  }
.LBB2_2:
0x19: {  	p0 =	sne.s32 s31, $0x4F00;
	[tilespmem:s30+$0x4E50] =	vst v0;
	s1 =	smov.u32 s31;
	s31 =	sadd.s32 $0x100, s31  }
.Ltmp0:
0x1a: {  	[tilespmem:s30+$0x4E40] =	vst v0;
	(pc) =	sbr.rel @p0 .LBB2_2-.Ltmp0, $3  }
0x1b: {  	[tilespmem:s30+$0x4E20] =	vst v0  }
0x1c: {  	[tilespmem:s30+$0x4E30] =	vst v0;
	_ =	sdelay $0x1  }
0x1d: {  	s30 =	sshra.s32 s1, $0x2  }
0x1e: {  	[tilespmem:s30+$0x4E50] =	vst v0  }
0x1f: {  	[tilespmem:s30+$0x4E40] =	vst v0  }
0x20: {  	[tilespmem:s30+$0x4E20] =	vst v0  }
0x21: {  	[tilespmem:s30+$0x4E30] =	vst v0  }
0x22: {  	[spmem:s7] =	stream.linear.scatter [tilespmem:s19], [sflag:$0x4], $0x1400, $0x38;
	[tilespmem:$0x12A20] =	vst v63  }
0x23: {  	_ =	swait.ge [sflag:s17], $0x1400  }
0x24: {  	[sflag:s17] =	ssyncset.done $0x0  }
0x25: {  	[sflag:s17] =	ssyncadd.s32 $0xFFFFEC00  }
0x26: {  	[spmem:s8] =	stream.linear.scatter [tilespmem:s19], [sflag:$0x4], $0x1400, $0x38;
	[tilespmem:$0x12A20] =	vst v63  }
0x27: {  	_ =	swait.ge [sflag:s17], $0x1400  }
0x28: {  	[sflag:s17] =	ssyncset.done $0x0  }
0x29: {  	[sflag:s17] =	ssyncadd.s32 $0xFFFFEC00  }
0x2a: {  	[spmem:s9] =	stream.linear.scatter [tilespmem:s19], [sflag:$0x4], $0x1400, $0x38;
	[tilespmem:$0x12A20] =	vst v63  }
0x2b: {  	_ =	swait.ge [sflag:s17], $0x1400  }
0x2c: {  	[sflag:s17] =	ssyncset.done $0x0  }
0x2d: {  	[sflag:s17] =	ssyncadd.s32 $0xFFFFEC00  }
0x2e: {  	[spmem:s10] =	stream.linear.scatter [tilespmem:s19], [sflag:$0x4], $0x1400, $0x38;
	[tilespmem:$0x12A20] =	vst v63  }
0x2f: {  	_ =	swait.ge [sflag:s17], $0x1400  }
0x30: {  	[sflag:s17] =	ssyncset.done $0x0  }
0x31: {  	[sflag:s17] =	ssyncadd.s32 $0xFFFFEC00  }
0x32: {  	[spmem:s11] =	stream.linear.scatter [tilespmem:s19], [sflag:$0x4], $0x1400, $0x38;
	[tilespmem:$0x12A20] =	vst v63  }
0x33: {  	_ =	swait.ge [sflag:s17], $0x1400  }
0x34: {  	[sflag:s17] =	ssyncset.done $0x0  }
0x35: {  	[sflag:s17] =	ssyncadd.s32 $0xFFFFEC00  }
0x36: {  	[spmem:s12] =	stream.linear.scatter [tilespmem:s19], [sflag:$0x4], $0x1400, $0x38;
	[tilespmem:$0x12A20] =	vst v63  }
0x37: {  	_ =	swait.ge [sflag:s17], $0x1400  }
0x38: {  	[sflag:s17] =	ssyncset.done $0x0  }
0x39: {  	[sflag:s17] =	ssyncadd.s32 $0xFFFFEC00  }
0x3a: {  	[spmem:s13] =	stream.linear.scatter [tilespmem:s19], [sflag:$0x4], $0x1400, $0x38;
	[tilespmem:$0x12A20] =	vst v63  }
0x3b: {  	_ =	swait.ge [sflag:s17], $0x1400  }
0x3c: {  	[sflag:s17] =	ssyncset.done $0x0  }
0x3d: {  	[sflag:s17] =	ssyncadd.s32 $0xFFFFEC00  }
0x3e: {  	[spmem:s14] =	stream.linear.scatter [tilespmem:s19], [sflag:$0x4], $0x1400, $0x38;
	[tilespmem:$0x12A20] =	vst v63  }
0x3f: {  	_ =	swait.ge [sflag:s17], $0x1400  }
0x40: {  	[sflag:s17] =	ssyncset.done $0x0  }
0x41: {  	[sflag:s17] =	ssyncadd.s32 $0xFFFFEC00  }
0x42: {  	s1 =	simm.s32 $0x0;
	[bflag:$0x0] =	sbarrier.arrive $0xFFFF  }
0x43: {  	[tilespmem:s19], [sflag:$0x1] =	stream.indirect.gather [hbm4b:s4+s20], $0x40, s1, s20, $0xb8;
	[tilespmem:$0x12A20] =	vst v63  }
0x44: {  	_ = 	snop  }
0x45: {  	[tilespmem:s21], [sflag:$0x2] =	stream.indirect.gather [hbm4b:s4+s20], $0x40, s20, s20, $0xb8;
	[tilespmem:$0x12A20] =	vst v63  }
0x46: {  	s0 =	simm.s32 $0xA0  }
0x47: {  	[tilespmem:s22], [sflag:$0x3] =	stream.indirect.gather [hbm4b:s4+s20], $0x40, s0, s20, $0xb8;
	[tilespmem:$0x12A20] =	vst v63  }
0x48: {  	_ =	swait.ge [sflag:s23], $0x1400  }
0x49: {  	[sflag:s23] =	ssyncset.done $0x0  }
0x4a: {  	s18 =	simm.s32 $0x2710;
	[sflag:s23] =	ssyncadd.s32 $0xFFFFEC00  }
0x4b: {  	[spmem:s2] =	stream.indirect.scatter.add.f32 [tilespmem:s19], [sflag:$0x4], $0x40, s18, s20, $0xb8;
	[tilespmem:$0x12A20] =	vst v63  }
0x4c: {  	_ =	swait.ge [sflag:s17], $0x1400  }
0x4d: {  	[sflag:s17] =	ssyncset.done $0x0  }
0x4e: {  	s0 =	simm.s32 $0xF0;
	[sflag:s17] =	ssyncadd.s32 $0xFFFFEC00  }
0x4f: {  	[tilespmem:s19], [sflag:$0x1] =	stream.indirect.gather [hbm4b:s4+s20], $0x40, s0, s20, $0xb8;
	[tilespmem:$0x12A20] =	vst v63  }
0x50: {  	_ =	swait.ge [sflag:s24], $0x1400  }
0x51: {  	[sflag:s24] =	ssyncset.done $0x0  }
0x52: {  	s18 =	simm.s32 $0x2760;
	[sflag:s24] =	ssyncadd.s32 $0xFFFFEC00  }
0x53: {  	[spmem:s2] =	stream.indirect.scatter.add.f32 [tilespmem:s21], [sflag:$0x4], $0x40, s18, s20, $0xb8;
	[tilespmem:$0x12A20] =	vst v63  }
0x54: {  	_ =	swait.ge [sflag:s17], $0x1400  }
0x55: {  	[sflag:s17] =	ssyncset.done $0x0  }
0x56: {  	s0 =	simm.s32 $0x140;
	[sflag:s17] =	ssyncadd.s32 $0xFFFFEC00  }
0x57: {  	[tilespmem:s21], [sflag:$0x2] =	stream.indirect.gather [hbm4b:s4+s20], $0x40, s0, s20, $0xb8;
	[tilespmem:$0x12A20] =	vst v63  }
0x58: {  	_ =	swait.ge [sflag:s25], $0x1400  }
0x59: {  	[sflag:s25] =	ssyncset.done $0x0  }
0x5a: {  	s18 =	simm.s32 $0x27B0;
	[sflag:s25] =	ssyncadd.s32 $0xFFFFEC00  }
0x5b: {  	[spmem:s2] =	stream.indirect.scatter.add.f32 [tilespmem:s22], [sflag:$0x4], $0x40, s18, s20, $0xb8;
	[tilespmem:$0x12A20] =	vst v63  }
0x5c: {  	_ =	swait.ge [sflag:s17], $0x1400  }
0x5d: {  	s31 =	simm.s32 $0x780;
	s30 =	simm.s32 $0xF0;
	[sflag:s17] =	ssyncset.done $0x0  }
.LBB2_4:
0x5e: {  	s1 =	sadd.s32 $0xA0, s30  }
0x5f: {  	[sflag:s17] =	ssyncadd.s32 $0xFFFFEC00;
	s0 =	smov.u32 s31;
	s18 =	sadd.s32 $0x3C0, s31  }
0x60: {  	[tilespmem:s22], [sflag:$0x3] =	stream.indirect.gather [hbm4b:s4+s20], $0x40, s1, s20, $0xb8;
	[tilespmem:$0x12A20] =	vst v63  }
0x61: {  	p0 =	sne.s32 s31, $0x9600;
	_ =	swait.ge [sflag:s23], $0x1400  }
0x62: {  	[sflag:s23] =	ssyncset.done $0x0  }
0x63: {  	s1 =	sadd.s32 $0x2710, s30;
	[sflag:s23] =	ssyncadd.s32 $0xFFFFEC00  }
0x64: {  	[spmem:s2] =	stream.indirect.scatter.add.f32 [tilespmem:s19], [sflag:$0x4], $0x40, s1, s20, $0xb8;
	[tilespmem:$0x12A20] =	vst v63  }
0x65: {  	_ =	swait.ge [sflag:s17], $0x1400  }
0x66: {  	[sflag:s17] =	ssyncset.done $0x0  }
0x67: {  	s1 =	sadd.s32 $0xF0, s30;
	[sflag:s17] =	ssyncadd.s32 $0xFFFFEC00  }
0x68: {  	[tilespmem:s19], [sflag:$0x1] =	stream.indirect.gather [hbm4b:s4+s20], $0x40, s1, s20, $0xb8;
	[tilespmem:$0x12A20] =	vst v63  }
0x69: {  	_ =	swait.ge [sflag:s24], $0x1400  }
0x6a: {  	[sflag:s24] =	ssyncset.done $0x0  }
0x6b: {  	s1 =	sadd.s32 $0x2760, s30;
	[sflag:s24] =	ssyncadd.s32 $0xFFFFEC00  }
0x6c: {  	[spmem:s2] =	stream.indirect.scatter.add.f32 [tilespmem:s21], [sflag:$0x4], $0x40, s1, s20, $0xb8;
	[tilespmem:$0x12A20] =	vst v63  }
0x6d: {  	_ =	swait.ge [sflag:s17], $0x1400  }
0x6e: {  	[sflag:s17] =	ssyncset.done $0x0  }
0x6f: {  	s1 =	sadd.s32 $0x140, s30;
	[sflag:s17] =	ssyncadd.s32 $0xFFFFEC00  }
0x70: {  	[tilespmem:s21], [sflag:$0x2] =	stream.indirect.gather [hbm4b:s4+s20], $0x40, s1, s20, $0xb8;
	[tilespmem:$0x12A20] =	vst v63  }
0x71: {  	_ =	swait.ge [sflag:s25], $0x1400  }
.Ltmp1:
0x72: {  	[sflag:s25] =	ssyncset.done $0x0;
	(pc) =	sbr.rel @p0 .LBB2_4-.Ltmp1, $4  }
0x73: {  	s1 =	sadd.s32 $0x27B0, s30;
	[sflag:s25] =	ssyncadd.s32 $0xFFFFEC00  }
0x74: {  	[spmem:s2] =	stream.indirect.scatter.add.f32 [tilespmem:s22], [sflag:$0x4], $0x40, s1, s20, $0xb8;
	[tilespmem:$0x12A20] =	vst v63  }
0x75: {  	_ =	swait.ge [sflag:s17], $0x1400  }
0x76: {  	s31 =	smov.u32 s18;
	s30 =	sshra.s32 s0, $0x2;
	[sflag:s17] =	ssyncset.done $0x0  }
0x77: {  	s0 =	sadd.s32 $0xA0, s30;
	[sflag:s17] =	ssyncadd.s32 $0xFFFFEC00  }
0x78: {  	[tilespmem:s22], [sflag:$0x3] =	stream.indirect.gather [hbm4b:s4+s20], $0x40, s0, s20, $0xb8;
	[tilespmem:$0x12A20] =	vst v63  }
0x79: {  	_ =	swait.ge [sflag:s23], $0x1400  }
0x7a: {  	[sflag:s23] =	ssyncset.done $0x0  }
0x7b: {  	s18 =	sadd.s32 $0x2710, s30;
	[sflag:s23] =	ssyncadd.s32 $0xFFFFEC00  }
0x7c: {  	[spmem:s2] =	stream.indirect.scatter.add.f32 [tilespmem:s19], [sflag:$0x4], $0x40, s18, s20, $0xb8;
	[tilespmem:$0x12A20] =	vst v63  }
0x7d: {  	_ =	swait.ge [sflag:s17], $0x1400  }
0x7e: {  	[sflag:s17] =	ssyncset.done $0x0  }
0x7f: {  	s31 =	sadd.s32 $0xF0, s30;
	[sflag:s17] =	ssyncadd.s32 $0xFFFFEC00  }
0x80: {  	[tilespmem:s19], [sflag:$0x1] =	stream.indirect.gather [hbm4b:s4+s20], $0x40, s31, s20, $0xb8;
	[tilespmem:$0x12A20] =	vst v63  }
0x81: {  	_ =	swait.ge [sflag:s24], $0x1400  }
0x82: {  	[sflag:s24] =	ssyncset.done $0x0  }
0x83: {  	s1 =	sadd.s32 $0x2760, s30;
	[sflag:s24] =	ssyncadd.s32 $0xFFFFEC00  }
0x84: {  	[spmem:s2] =	stream.indirect.scatter.add.f32 [tilespmem:s21], [sflag:$0x4], $0x40, s1, s20, $0xb8;
	[tilespmem:$0x12A20] =	vst v63  }
0x85: {  	_ =	swait.ge [sflag:s17], $0x1400  }
0x86: {  	[sflag:s17] =	ssyncset.done $0x0  }
0x87: {  	s18 =	sadd.s32 $0x140, s30;
	[sflag:s17] =	ssyncadd.s32 $0xFFFFEC00  }
0x88: {  	[tilespmem:s21], [sflag:$0x2] =	stream.indirect.gather [hbm4b:s4+s20], $0x40, s18, s20, $0xb8;
	[tilespmem:$0x12A20] =	vst v63  }
0x89: {  	_ =	swait.ge [sflag:s25], $0x1400  }
0x8a: {  	[sflag:s25] =	ssyncset.done $0x0  }
0x8b: {  	s30 =	sadd.s32 $0x27B0, s30;
	[sflag:s25] =	ssyncadd.s32 $0xFFFFEC00  }
0x8c: {  	[spmem:s2] =	stream.indirect.scatter.add.f32 [tilespmem:s22], [sflag:$0x4], $0x40, s30, s20, $0xb8;
	[tilespmem:$0x12A20] =	vst v63  }
0x8d: {  	_ =	swait.ge [sflag:s17], $0x1400  }
0x8e: {  	[sflag:s17] =	ssyncset.done $0x0  }
0x8f: {  	[sflag:s17] =	ssyncadd.s32 $0xFFFFEC00  }
0x90: {  	_ =	swait.ge [sflag:s23], $0x1400  }
0x91: {  	[sflag:s23] =	ssyncset.done $0x0  }
0x92: {  	[sflag:s23] =	ssyncadd.s32 $0xFFFFEC00  }
0x93: {  	[spmem:s2] =	stream.indirect.scatter.add.f32 [tilespmem:s19], [sflag:$0x4], $0x40, s26, s20, $0xb8;
	[tilespmem:$0x12A20] =	vst v63  }
0x94: {  	_ =	swait.ge [sflag:s17], $0x1400  }
0x95: {  	[sflag:s17] =	ssyncset.done $0x0  }
0x96: {  	[sflag:s17] =	ssyncadd.s32 $0xFFFFEC00  }
0x97: {  	_ =	swait.ge [sflag:s24], $0x1400  }
0x98: {  	[sflag:s24] =	ssyncset.done $0x0  }
0x99: {  	[sflag:s24] =	ssyncadd.s32 $0xFFFFEC00  }
0x9a: {  	[spmem:s2] =	stream.indirect.scatter.add.f32 [tilespmem:s21], [sflag:$0x4], $0x40, s28, s20, $0xb8;
	[tilespmem:$0x12A20] =	vst v63  }
0x9b: {  	s31 =	stileid.u32;
	_ =	swait.ge [sflag:s17], $0x1400  }
0x9c: {  	s29 =	sadd.s32 $0x1, s29;
	s0 =	sshll.u32 s31, $0x6;
	[sflag:s17] =	ssyncset.done $0x0  }
0x9d: {  	p0 =	sne.s32 s29, s16;
	s0 =	sor.u32 $0x1C04, s0;
	[sflag:s17] =	ssyncadd.s32 $0xFFFFEC00  }
.Ltmp2:
0x9e: {  	s1 =	sshrl.u32 s7, $0x3;
	[bflag:$0x0] =	sbarrier.arrive $0xFFFF;
	(pc) =	sbr.rel @p0 .LBB2_1-.Ltmp2, $4  }
0x9f: {  	[hbm:s15], [sflag:s0] =	dma.local [spmem:s1], $0x1400  }
0xa0: {  	_ =	swait.ge [sflag:s17], $0x1400  }
0xa1: {  	[sflag:s17] =	ssyncset.done $0x0  }
0xa2: {  	[sflag:s17] =	ssyncadd.s32 $0xFFFFEC00  }
0xa3: {  	_ =	sfence.sel $0x180000  }
0xa4: {  	[bflag:$0x0] =	sbarrier.arrive $0xFFFF  }
0xa5: {  	_ =	strace $0x9000004D  }
0xa6: {  	s0 =	stileid.u32;
	[bflag:$0x2] =	sbarrier.arrive $0xFFFF  }
0xa7: {  	p0 =	sne.s32 s0, $0x0;
	s0 =	rddreg [dreg:$0x2]  }
0xa8: {  	s0 =	sadd.s32 @!p0 $0x100000, s0  }
0xa9: {  	[sflag:s0] =	ssyncadd.tile.s32 @!p0 $0x1;
	_ =	shalt  }
.Lfunc_end2:
_tile_overlayer_lowered:
.L_overlay_start_2:
0xaa: {  	(tag) =	ssettag $0x2  }
0xab: {  	s0 =	rddreg [dreg:$0x0];
	s2 =	stileid.u32  }
0xac: {  	s1 =	rddreg [dreg:$0x1];
	p0 =	sne.s32 s2, $0x0  }
0xad: {  	s3 =	rddreg [dreg:$0x2];
	[bflag:$0x3] =	sbarrier.arrive $0xFFFF;
	s2 =	simm.s32 @!p0 $0x1C04  }
0xae: {  	[timem:s3], [sflag:s2] =	dma.local @!p0 [hbm:s0], s1  }
0xaf: {  	s0 =	simm.s32 @!p0 $0x4  }
0xb0: {  	_ =	swait.ge @!p0 [sflag:s0], s1  }
0xb1: {  	s1 =	ssub.s32 @!p0 $0x0, s1;
	[sflag:s0] =	ssyncset.done @!p0 $0x0  }
0xb2: {  	[sflag:s0] =	ssyncadd.s32 @!p0 s1  }
0xb3: {  	[bflag:$0x3] =	sbarrier.arrive $0xFFFF  }
0xb4: {  	_ =	shalt  }

// kernel: kernel.19.cloned.1.call-start
scs
__scs_entry_jumppad:
0x0: {  	(pc) =	sbr.rel $0x88, $3  }
0x1: {  	(tag) =	ssettag $0x0;
	lr =	simm.s32 $0x1  }
0x2: {  	[smem:$0x3F94] =	sst lr;
	_ =	strace $0xD0000000  }
0x3: {  	_ = 	snop  }
0x4: {  	_ = 	snop  }
0x5: {  	_ = 	snop  }
0x6: {  	_ = 	snop  }
0x7: {  	_ = 	snop  }
__scs_overlays_trampoline_lowered:
0x8: {  	[smem:$0x3FA3] =	sst s0  }
0x9: {  	[smem:$0x3FA4] =	sst s1  }
0xa: {  	[smem:$0x3FA5] =	sst s2  }
0xb: {  	[smem:$0x3FA6] =	sst s3  }
0xc: {  	[smem:$0x3FA7] =	sst s4  }
0xd: {  	[smem:$0x3FA8] =	sst s5  }
0xe: {  	[smem:$0x3FA9] =	sst s6  }
0xf: {  	[smem:$0x3FAA] =	sst s7  }
0x10: {  	[smem:$0x3FAB] =	sst s8  }
0x11: {  	[smem:$0x3FAC] =	sst s9;
	s0 =	simm.s32 @!p0 $0x0  }
0x12: {  	s1 =	sld [smem:$0x3F92];
	s0 =	simm.s32 @p0 $0x1  }
0x13: {  	[smem:$0x3FAD] =	sst s0;
	s0 =	simm.s32 @!p1 $0x0  }
0x14: {  	s2 =	sld [smem:$0x3F91];
	s0 =	simm.s32 @p1 $0x1  }
0x15: {  	[smem:$0x3FAE] =	sst s0;
	s0 =	simm.s32 @!p2 $0x0  }
0x16: {  	s3 =	sld [smem:$0x3FDB];
	s0 =	simm.s32 @p2 $0x1  }
0x17: {  	s4 =	simm.s32 $0x1BF5;
	[smem:$0x3FB0] =	sst s0  }
0x18: {  	s0 =	sld [smem:$0x3F93];
	_ =	swait.ge [sflag:s4], $0x0  }
0x19: {  	s7 =	sld [smem:$0x3F94]  }
0x1a: {  	s8 =	sadd.s32 $0xFFFFE003, lr  }
0x1b: {  	s9 =	sadd.s32 $0xFFFFFEF7, lr;
	s5 =	simm.s32 $0xFFFFFFFF;
	p2 =	slt.u32 s8, $0xFFFFF086  }
0x1c: {  	p1 =	slt.u32 s9, $0xF7A;
	s5 =	simm.s32 @!p2 $0x0  }
0x1d: {  	s5 =	simm.s32 @p1 $0x1;
	p0 =	seq.s32 s7, s2  }
0x1e: {  	s7 =	smul.u32 @!p0 $0xF7A, s2;
	p2 =	seq.s32 @!p0 s5, $0x0  }
0x1f: {  	s9 =	smul.u32 $0xF7A, s1;
	s8 =	simm.s32 @!p0 $0x1BF5;
	p2 =	por !p2, p0  }
0x20: {  	[sflag:s8] =	ssyncset.s32 @!p0 $0xFFFFF086;
	s6 =	sadd.s32 @!p0 s3, s7;
	s7 =	simm.s32 @!p0 $0x108  }
0x21: {  	s3 =	sadd.s32 s3, s9;
	s6 =	sadd.s32 @!p0 $0x88, s6;
	s7 =	simm.s32 @p2 $0x1082  }
0x22: {  	[simem:s7], [sflag:s8] =	dma.local @!p0 [hbm:s6], $0xF7A  }
0x23: {  	s9 =	sor.u32 $0xD0000000, s2;
	s6 =	simm.s32 $0x108;
	_ =	swait.ge @!p0 [sflag:s8], $0x0  }
0x24: {  	s3 =	sadd.s32 $0x88, s3;
	s6 =	simm.s32 @!p1 $0x1082;
	[sflag:s4] =	ssyncset.s32 $0xFFFFF086  }
0x25: {  	[simem:s6], [sflag:s4] =	dma.local [hbm:s3], $0xF7A  }
0x26: {  	[smem:$0x3F94] =	sst s1;
	(tag) =	ssettag s2;
	_ =	strace s9  }
0x27: {  	s1 =	sld [smem:$0x3FA4]  }
0x28: {  	s2 =	sld [smem:$0x3FA5]  }
0x29: {  	s4 =	sld [smem:$0x3FA7]  }
0x2a: {  	p0 =	seq.s32 s5, $0x0;
	s5 =	sld [smem:$0x3FA8]  }
0x2b: {  	s6 =	sld [smem:$0x3FA9]  }
0x2c: {  	s7 =	sld [smem:$0x3FAA]  }
0x2d: {  	s3 =	simm.s32 $0x108;
	s8 =	sld [smem:$0x3FAB]  }
0x2e: {  	s3 =	simm.s32 @!p0 $0x1082;
	s9 =	sld [smem:$0x3FAC]  }
0x2f: {  	lr =	sadd.s32 s0, s3;
	s0 =	sld [smem:$0x3FA3]  }
0x30: {  	s3 =	sld [smem:$0x3FA6]  }
0x31: {  	[smem:$0x3FAF] =	sst s10  }
0x32: {  	s10 =	sld [smem:$0x3FAD];
	_ =	sdelay $0x3  }
0x33: {  	p0 =	seq.s32 s10, $0x1;
	s10 =	sld [smem:$0x3FAF];
	_ =	sdelay $0x3  }
0x34: {  	[smem:$0x3FAF] =	sst s10  }
0x35: {  	s10 =	sld [smem:$0x3FAE];
	_ =	sdelay $0x3  }
0x36: {  	p1 =	seq.s32 s10, $0x1;
	s10 =	sld [smem:$0x3FAF];
	_ =	sdelay $0x3  }
0x37: {  	[smem:$0x3FAF] =	sst s10  }
0x38: {  	s10 =	sld [smem:$0x3FB0]  }
0x39: {  	_ = 	snop;
	(pc) =	sbr.ind lr, $3  }
0x3a: {  	_ = 	snop  }
0x3b: {  	_ = 	snop  }
0x3c: {  	p2 =	seq.s32 s10, $0x1;
	s10 =	sld [smem:$0x3FAF]  }
0x3d: {  	_ =	shalt  }
0x3e: {  	_ =	shalt  }
0x3f: {  	_ =	shalt  }
0x40: {  	_ =	shalt  }
0x41: {  	_ =	shalt  }
0x42: {  	_ =	shalt  }
0x43: {  	_ =	shalt  }
0x44: {  	_ =	shalt  }
0x45: {  	_ =	shalt  }
0x46: {  	_ =	shalt  }
0x47: {  	_ =	shalt  }
0x48: {  	_ =	shalt  }
0x49: {  	_ =	shalt  }
0x4a: {  	_ =	shalt  }
0x4b: {  	_ =	shalt  }
0x4c: {  	_ =	shalt  }
0x4d: {  	_ =	shalt  }
0x4e: {  	_ =	shalt  }
0x4f: {  	_ =	shalt  }
0x50: {  	_ =	shalt  }
0x51: {  	_ =	shalt  }
0x52: {  	_ =	shalt  }
0x53: {  	_ =	shalt  }
0x54: {  	_ =	shalt  }
0x55: {  	_ =	shalt  }
0x56: {  	_ =	shalt  }
0x57: {  	_ =	shalt  }
0x58: {  	_ =	shalt  }
0x59: {  	_ =	shalt  }
0x5a: {  	_ =	shalt  }
0x5b: {  	_ =	shalt  }
0x5c: {  	_ =	shalt  }
0x5d: {  	_ =	shalt  }
0x5e: {  	_ =	shalt  }
0x5f: {  	_ =	shalt  }
0x60: {  	_ =	shalt  }
0x61: {  	_ =	shalt  }
0x62: {  	_ =	shalt  }
0x63: {  	_ =	shalt  }
0x64: {  	_ =	shalt  }
0x65: {  	_ =	shalt  }
0x66: {  	_ =	shalt  }
0x67: {  	_ =	shalt  }
0x68: {  	_ =	shalt  }
0x69: {  	_ =	shalt  }
0x6a: {  	_ =	shalt  }
0x6b: {  	_ =	shalt  }
0x6c: {  	_ =	shalt  }
0x6d: {  	_ =	shalt  }
0x6e: {  	_ =	shalt  }
0x6f: {  	_ =	shalt  }
0x70: {  	_ =	shalt  }
0x71: {  	_ =	shalt  }
0x72: {  	_ =	shalt  }
0x73: {  	_ =	shalt  }
0x74: {  	_ =	shalt  }
0x75: {  	_ =	shalt  }
0x76: {  	_ =	shalt  }
0x77: {  	_ =	shalt  }
0x78: {  	_ =	shalt  }
0x79: {  	_ =	shalt  }
0x7a: {  	_ =	shalt  }
0x7b: {  	_ =	shalt  }
0x7c: {  	_ =	shalt  }
0x7d: {  	_ =	shalt  }
0x7e: {  	_ =	shalt  }
0x7f: {  	_ =	shalt  }
0x80: {  	_ =	shalt  }
0x81: {  	_ =	shalt  }
0x82: {  	_ =	shalt  }
0x83: {  	_ =	shalt  }
0x84: {  	_ =	shalt  }
0x85: {  	_ =	shalt  }
0x86: {  	_ =	shalt  }
0x87: {  	_ =	shalt  }
.Lfunc_end0:
.L_simem_size_0:
called_computation.3_lowered:
.L_overlay_start_0:
0x88: {  	s2 =	sld [smem:$0x3FD9]  }
0x89: {  	s3 =	sld [smem:$0x3FFE];
	_ =	sdelay $0x1  }
0x8a: {  	s1 =	srdreg.scid  }
0x8b: {  	s0 =	sand.u32 $0x1, s1  }
0x8c: {  	s16 =	sshll.u32 s0, $0xA;
	s2 =	sadd.s32 s3, s2  }
0x8d: {  	s2 =	sadd.s32 s2, s16  }
0x8e: {  	[smem:$0x3FBB] =	sst s2  }
0x8f: {  	_ = 	snop  }
0x90: {  	(tm) =	ssettm $0x1  }
0x91: {  	s17 =	sld [smem:$0x3FFB];
	_ =	sdelay $0x3  }
0x92: {  	_ =	strace s17  }
0x93: {  	s2 =	sld [smem:$0x3FFC];
	_ =	sdelay $0x3  }
0x94: {  	_ =	strace s2  }
0x95: {  	s2 =	sld [smem:$0x3FFD];
	_ =	sdelay $0x3  }
0x96: {  	_ =	strace s2  }
0x97: {  	_ =	strace $0x8FFFFFFF  }
0x98: {  	s18 =	sld [smem:$0x3FDB];
	_ =	sdelay $0x1  }
0x99: {  	s19 =	simm.s32 $_scs_section_size  }
0x9a: {  	s4 =	simm.s32 $_size__tile_overlayer_lowered;
	s5 =	simm.s32 $_tile_overlayer_lowered  }
0x9b: {  	s22 =	simm.s32 $0x1BFF;
	s21 =	sshll.u32 s5, $0x1;
	s2 =	sadd.s32 s19, s18  }
0x9c: {  	s6 =	simm.s32 $0x0;
	s20 =	sshll.u32 s4, $0x1;
	s4 =	sadd.s32 s21, s2  }
0x9d: {  	[timem:s6], [sflag:s22] =	dma.local [hbm:s4], s20  }
0x9e: {  	_ =	swait.ge [sflag:s22], s20  }
0x9f: {  	s3 =	ssub.s32 $0x0, s20;
	[sflag:s22] =	ssyncset.done $0x0  }
0xa0: {  	[sflag:s22] =	ssyncadd.s32 s3;
	_ =	sdelay $0x1  }
0xa1: {  	s23 =	simm.s32 $0x1B8B  }
0xa2: {  	_ =	swait.ge [sflag:s23], $0x1  }
0xa3: {  	[sflag:s23] =	ssyncset.done $0x0  }
0xa4: {  	s25 =	simm.s32 $0x1B8E;
	s24 =	sld [smem:$0x3FFE];
	[sflag:s23] =	ssyncadd.s32 $0xFFFFFFFF  }
0xa5: {  	s26 =	simm.s32 $execute0_lowered;
	[smem:$0x3FD2] =	sst s25  }
0xa6: {  	s4 =	sshll.u32 s26, $0x1;
	_ =	strace $0x8000004F;
	[dreg:$0x1] =	wrdreg $0xFFFFFFFF  }
0xa7: {  	s28 =	simm.s32 $_size_execute0_lowered;
	s2 =	sadd.s32 s2, s4;
	[dreg:$0x0] =	wrdreg $0x0  }
0xa8: {  	s4 =	sshll.u32 s28, $0x1;
	[dreg:$0x2] =	wrdreg s2  }
0xa9: {  	[dreg:$0x3] =	wrdreg s4  }
0xaa: {  	[dreg:$0x4] =	wrdreg $0xC0  }
0xab: {  	_ =	task [dreg:s6], $0x5FFFF  }
0xac: {  	[dreg:$0x1] =	wrdreg $0xFFFFFFFF  }
0xad: {  	[dreg:$0x0] =	wrdreg $0x60  }
0xae: {  	[dreg:$0x2] =	wrdreg s24  }
0xaf: {  	[dreg:$0x3] =	wrdreg $0x6C200  }
0xb0: {  	[dreg:$0x4] =	wrdreg $0x9  }
0xb1: {  	_ =	task.clear_ibuf [dreg:s6], $0x5FFFF;
	_ =	strace $0x9000004F  }
0xb2: {  	s29 =	simm.s32 $0x9;
	_ =	strace $0x80000051  }
0xb3: {  	_ =	swait.ge [sflag:s29], $0x1  }
0xb4: {  	[sflag:s29] =	ssyncadd.s32 $0xFFFFFFFF  }
0xb5: {  	_ =	strace $0x90000051  }
0xb6: {  	_ =	sfence  }
0xb7: {  	s30 =	sld [smem:$0x0];
	_ =	sdelay $0x2  }
0xb8: {  	s31 =	sshll.u32 s1, $0xD;
	s1 =	sshrl.u32 s1, $0x2  }
0xb9: {  	s3 =	sand.u32 $0x4000, s31;
	s1 =	sadd.s32 s1, s30  }
0xba: {  	s0 =	sor.u32 s3, s0;
	s1 =	sshll.u32 s1, $0x11  }
0xbb: {  	s0 =	sor.u32 s1, s0  }
0xbc: {  	s0 =	sadd.s32 $0x8F2B, s0  }
0xbd: {  	[sflag:s0] =	ssyncadd.remote.s32 $0x1  }
0xbe: {  	_ =	sfence.sel $0xFFFF  }
0xbf: {  	[dreg:$0x0] =	wrdreg $0xFFFFFFFF;
	(pc) =	sbr.abs _section_cstart, $3  }
0xc0: {  	[dreg:$0x1] =	wrdreg $0xFFFFFFFF  }
0xc1: {  	_ =	task.clear_ibuf [dreg:s6], $0x2FFFF;
	_ =	strace $0x9FFFFFFF  }
0xc2: {  	(tm) =	ssettm $0x7FFFFFFF  }
0xc3: {  	_ =	shalt  }
tec
execute0_lowered:
.L_overlay_start_1:
0x0: {  	(tag) =	ssettag $0x1  }
0x1: {  	s1 =	srdreg.scid;
	s5 =	rddreg [dreg:$0x0]  }
0x2: {  	s0 =	stileid.u32;
	s2 =	rddreg [dreg:$0x1];
	s3 =	simm.s32 $0x0  }
0x3: {  	s17 =	simm.s32 $0x4;
	s19 =	simm.s32 $0x4E20;
	s20 =	simm.s32 $0x50  }
0x4: {  	s21 =	simm.s32 $0x5820;
	s22 =	simm.s32 $0x6220;
	s23 =	simm.s32 $0x1  }
0x5: {  	s24 =	simm.s32 $0x2;
	s25 =	simm.s32 $0x3;
	s28 =	simm.s32 $0x4DD0  }
0x6: {  	s29 =	simm.s32 $0x0;
	s4 =	sand.u32 $0x1, s1;
	s7 =	smul.u32 $0x5000, s0  }
0x7: {  	s26 =	sshll.u32 s0, $0x1;
	[smem:$0x7FF] =	sst s3;
	s10 =	smul.u32 $0x14000, s0  }
0x8: {  	s1 =	sor.u32 s4, s26;
	s8 =	smul.u32 $0x50000, s4;
	_ =	strace $0x80000050  }
0x9: {  	s9 =	ssub.s32 $0x2, s4;
	s4 =	sadd.s32 $0x16000, s5;
	s26 =	simm.s32 $0x4D80  }
0xa: {  	s6 =	smul.u32 $0x4E2, s1;
	s30 =	sshrl.u32 s9, $0x1;
	s31 =	sshrl.u32 s10, $0x2  }
0xb: {  	s8 =	sadd.s32 s7, s8;
	s16 =	ssub.s32 s9, s30;
	s7 =	sadd.s32 s7, s2  }
0xc: {  	s14 =	sadd.s32 s31, s2;
	s6 =	sadd.s32 s6, s5;
	s8 =	sshrl.u32 s8, $0x3  }
0xd: {  	s9 =	sadd.s32 $0x1400, s14;
	s10 =	sadd.s32 $0x1E00, s14;
	s11 =	sadd.s32 $0x2800, s14  }
0xe: {  	s12 =	sadd.s32 $0x3200, s14;
	s13 =	sadd.s32 $0x3C00, s14;
	s16 =	smax.u32 s16, $0x1  }
0xf: {  	s15 =	sadd.s32 s8, s5;
	s5 =	sadd.s32 $0xC200, s6;
	s6 =	sadd.s32 $0x2400, s6  }
0x10: {  	v0 =	vimm.f32 $0.0e+00;
	s8 =	sadd.s32 $0xA00, s14;
	s14 =	sadd.s32 $0x4600, s14;
	s15 =	sadd.s32 $0x1FE00, s15  }
.LBB2_1:
0x11: {  	[tilespmem:s3], [sflag:$0x4] =	stream.linear.gather [hbm4b:s5+s3], $0x2710, $0x38;
	[tilespmem:$0xBC20] =	vst v63  }
0x12: {  	_ =	swait.ge [sflag:s17], $0x2710  }
0x13: {  	[sflag:s17] =	ssyncset.done $0x0  }
0x14: {  	s0 =	simm.s32 $0x2710;
	[sflag:s17] =	ssyncadd.s32 $0xFFFFD8F0  }
0x15: {  	[tilespmem:s0], [sflag:$0x4] =	stream.linear.gather [hbm4b:s6+s3], $0x2710, $0x38;
	[tilespmem:$0xBC20] =	vst v63  }
0x16: {  	_ =	swait.ge [sflag:s17], $0x2710  }
0x17: {  	[sflag:s17] =	ssyncset.done $0x0  }
0x18: {  	s30 =	simm.s32 $0x80;
	s31 =	simm.s32 $0x0;
	[sflag:s17] =	ssyncadd.s32 $0xFFFFD8F0  }
.LBB2_2:
0x19: {  	p0 =	sne.s32 s30, $0x2780;
	[tilespmem:s31+$0x4E20] =	vst v0;
	s1 =	smov.u32 s30;
	s30 =	sadd.s32 $0x80, s30  }
.Ltmp0:
0x1a: {  	[tilespmem:s31+$0x4E30] =	vst v0;
	(pc) =	sbr.rel @p0 .LBB2_2-.Ltmp0, $2  }
0x1b: {  	_ =	sdelay $0x2  }
0x1c: {  	s31 =	sshra.s32 s1, $0x2  }
0x1d: {  	[tilespmem:s31+$0x4E20] =	vst v0  }
0x1e: {  	[tilespmem:s31+$0x4E30] =	vst v0  }
0x1f: {  	[spmem:s7] =	stream.linear.scatter [tilespmem:s19], [sflag:$0x4], $0xA00, $0x38;
	[tilespmem:$0xBC20] =	vst v63  }
0x20: {  	_ =	swait.ge [sflag:s17], $0xA00  }
0x21: {  	[sflag:s17] =	ssyncset.done $0x0  }
0x22: {  	[sflag:s17] =	ssyncadd.s32 $0xFFFFF600  }
0x23: {  	[spmem:s8] =	stream.linear.scatter [tilespmem:s19], [sflag:$0x4], $0xA00, $0x38;
	[tilespmem:$0xBC20] =	vst v63  }
0x24: {  	_ =	swait.ge [sflag:s17], $0xA00  }
0x25: {  	[sflag:s17] =	ssyncset.done $0x0  }
0x26: {  	[sflag:s17] =	ssyncadd.s32 $0xFFFFF600  }
0x27: {  	[spmem:s9] =	stream.linear.scatter [tilespmem:s19], [sflag:$0x4], $0xA00, $0x38;
	[tilespmem:$0xBC20] =	vst v63  }
0x28: {  	_ =	swait.ge [sflag:s17], $0xA00  }
0x29: {  	[sflag:s17] =	ssyncset.done $0x0  }
0x2a: {  	[sflag:s17] =	ssyncadd.s32 $0xFFFFF600  }
0x2b: {  	[spmem:s10] =	stream.linear.scatter [tilespmem:s19], [sflag:$0x4], $0xA00, $0x38;
	[tilespmem:$0xBC20] =	vst v63  }
0x2c: {  	_ =	swait.ge [sflag:s17], $0xA00  }
0x2d: {  	[sflag:s17] =	ssyncset.done $0x0  }
0x2e: {  	[sflag:s17] =	ssyncadd.s32 $0xFFFFF600  }
0x2f: {  	[spmem:s11] =	stream.linear.scatter [tilespmem:s19], [sflag:$0x4], $0xA00, $0x38;
	[tilespmem:$0xBC20] =	vst v63  }
0x30: {  	_ =	swait.ge [sflag:s17], $0xA00  }
0x31: {  	[sflag:s17] =	ssyncset.done $0x0  }
0x32: {  	[sflag:s17] =	ssyncadd.s32 $0xFFFFF600  }
0x33: {  	[spmem:s12] =	stream.linear.scatter [tilespmem:s19], [sflag:$0x4], $0xA00, $0x38;
	[tilespmem:$0xBC20] =	vst v63  }
0x34: {  	_ =	swait.ge [sflag:s17], $0xA00  }
0x35: {  	[sflag:s17] =	ssyncset.done $0x0  }
0x36: {  	[sflag:s17] =	ssyncadd.s32 $0xFFFFF600  }
0x37: {  	[spmem:s13] =	stream.linear.scatter [tilespmem:s19], [sflag:$0x4], $0xA00, $0x38;
	[tilespmem:$0xBC20] =	vst v63  }
0x38: {  	_ =	swait.ge [sflag:s17], $0xA00  }
0x39: {  	[sflag:s17] =	ssyncset.done $0x0  }
0x3a: {  	[sflag:s17] =	ssyncadd.s32 $0xFFFFF600  }
0x3b: {  	[spmem:s14] =	stream.linear.scatter [tilespmem:s19], [sflag:$0x4], $0xA00, $0x38;
	[tilespmem:$0xBC20] =	vst v63  }
0x3c: {  	_ =	swait.ge [sflag:s17], $0xA00  }
0x3d: {  	[sflag:s17] =	ssyncset.done $0x0  }
0x3e: {  	[sflag:s17] =	ssyncadd.s32 $0xFFFFF600  }
0x3f: {  	s1 =	simm.s32 $0x0;
	[bflag:$0x0] =	sbarrier.arrive $0xFFFF  }
0x40: {  	[tilespmem:s19], [sflag:$0x1] =	stream.indirect.gather [hbm4b:s4+s20], $0x20, s1, s20, $0xb8;
	[tilespmem:$0xBC20] =	vst v63  }
0x41: {  	_ = 	snop  }
0x42: {  	[tilespmem:s21], [sflag:$0x2] =	stream.indirect.gather [hbm4b:s4+s20], $0x20, s20, s20, $0xb8;
	[tilespmem:$0xBC20] =	vst v63  }
0x43: {  	s0 =	simm.s32 $0xA0  }
0x44: {  	[tilespmem:s22], [sflag:$0x3] =	stream.indirect.gather [hbm4b:s4+s20], $0x20, s0, s20, $0xb8;
	[tilespmem:$0xBC20] =	vst v63  }
0x45: {  	_ =	swait.ge [sflag:s23], $0xA00  }
0x46: {  	[sflag:s23] =	ssyncset.done $0x0  }
0x47: {  	s18 =	simm.s32 $0x2710;
	[sflag:s23] =	ssyncadd.s32 $0xFFFFF600  }
0x48: {  	[spmem:s2] =	stream.indirect.scatter.add.f32 [tilespmem:s19], [sflag:$0x4], $0x20, s18, s20, $0xb8;
	[tilespmem:$0xBC20] =	vst v63  }
0x49: {  	_ =	swait.ge [sflag:s17], $0xA00  }
0x4a: {  	[sflag:s17] =	ssyncset.done $0x0  }
0x4b: {  	s0 =	simm.s32 $0xF0;
	[sflag:s17] =	ssyncadd.s32 $0xFFFFF600  }
0x4c: {  	[tilespmem:s19], [sflag:$0x1] =	stream.indirect.gather [hbm4b:s4+s20], $0x20, s0, s20, $0xb8;
	[tilespmem:$0xBC20] =	vst v63  }
0x4d: {  	_ =	swait.ge [sflag:s24], $0xA00  }
0x4e: {  	[sflag:s24] =	ssyncset.done $0x0  }
0x4f: {  	s18 =	simm.s32 $0x2760;
	[sflag:s24] =	ssyncadd.s32 $0xFFFFF600  }
0x50: {  	[spmem:s2] =	stream.indirect.scatter.add.f32 [tilespmem:s21], [sflag:$0x4], $0x20, s18, s20, $0xb8;
	[tilespmem:$0xBC20] =	vst v63  }
0x51: {  	_ =	swait.ge [sflag:s17], $0xA00  }
0x52: {  	[sflag:s17] =	ssyncset.done $0x0  }
0x53: {  	s0 =	simm.s32 $0x140;
	[sflag:s17] =	ssyncadd.s32 $0xFFFFF600  }
0x54: {  	[tilespmem:s21], [sflag:$0x2] =	stream.indirect.gather [hbm4b:s4+s20], $0x20, s0, s20, $0xb8;
	[tilespmem:$0xBC20] =	vst v63  }
0x55: {  	_ =	swait.ge [sflag:s25], $0xA00  }
0x56: {  	[sflag:s25] =	ssyncset.done $0x0  }
0x57: {  	s18 =	simm.s32 $0x27B0;
	[sflag:s25] =	ssyncadd.s32 $0xFFFFF600  }
0x58: {  	[spmem:s2] =	stream.indirect.scatter.add.f32 [tilespmem:s22], [sflag:$0x4], $0x20, s18, s20, $0xb8;
	[tilespmem:$0xBC20] =	vst v63  }
0x59: {  	_ =	swait.ge [sflag:s17], $0xA00  }
0x5a: {  	s31 =	simm.s32 $0x780;
	s30 =	simm.s32 $0xF0;
	[sflag:s17] =	ssyncset.done $0x0  }
.LBB2_4:
0x5b: {  	s1 =	sadd.s32 $0xA0, s30  }
0x5c: {  	[sflag:s17] =	ssyncadd.s32 $0xFFFFF600;
	s0 =	smov.u32 s31;
	s18 =	sadd.s32 $0x3C0, s31  }
0x5d: {  	[tilespmem:s22], [sflag:$0x3] =	stream.indirect.gather [hbm4b:s4+s20], $0x20, s1, s20, $0xb8;
	[tilespmem:$0xBC20] =	vst v63  }
0x5e: {  	p0 =	sne.s32 s31, $0x9600;
	_ =	swait.ge [sflag:s23], $0xA00  }
0x5f: {  	[sflag:s23] =	ssyncset.done $0x0  }
0x60: {  	s1 =	sadd.s32 $0x2710, s30;
	[sflag:s23] =	ssyncadd.s32 $0xFFFFF600  }
0x61: {  	[spmem:s2] =	stream.indirect.scatter.add.f32 [tilespmem:s19], [sflag:$0x4], $0x20, s1, s20, $0xb8;
	[tilespmem:$0xBC20] =	vst v63  }
0x62: {  	_ =	swait.ge [sflag:s17], $0xA00  }
0x63: {  	[sflag:s17] =	ssyncset.done $0x0  }
0x64: {  	s1 =	sadd.s32 $0xF0, s30;
	[sflag:s17] =	ssyncadd.s32 $0xFFFFF600  }
0x65: {  	[tilespmem:s19], [sflag:$0x1] =	stream.indirect.gather [hbm4b:s4+s20], $0x20, s1, s20, $0xb8;
	[tilespmem:$0xBC20] =	vst v63  }
0x66: {  	_ =	swait.ge [sflag:s24], $0xA00  }
0x67: {  	[sflag:s24] =	ssyncset.done $0x0  }
0x68: {  	s1 =	sadd.s32 $0x2760, s30;
	[sflag:s24] =	ssyncadd.s32 $0xFFFFF600  }
0x69: {  	[spmem:s2] =	stream.indirect.scatter.add.f32 [tilespmem:s21], [sflag:$0x4], $0x20, s1, s20, $0xb8;
	[tilespmem:$0xBC20] =	vst v63  }
0x6a: {  	_ =	swait.ge [sflag:s17], $0xA00  }
0x6b: {  	[sflag:s17] =	ssyncset.done $0x0  }
0x6c: {  	s1 =	sadd.s32 $0x140, s30;
	[sflag:s17] =	ssyncadd.s32 $0xFFFFF600  }
0x6d: {  	[tilespmem:s21], [sflag:$0x2] =	stream.indirect.gather [hbm4b:s4+s20], $0x20, s1, s20, $0xb8;
	[tilespmem:$0xBC20] =	vst v63  }
0x6e: {  	_ =	swait.ge [sflag:s25], $0xA00  }
.Ltmp1:
0x6f: {  	[sflag:s25] =	ssyncset.done $0x0;
	(pc) =	sbr.rel @p0 .LBB2_4-.Ltmp1, $4  }
0x70: {  	s1 =	sadd.s32 $0x27B0, s30;
	[sflag:s25] =	ssyncadd.s32 $0xFFFFF600  }
0x71: {  	[spmem:s2] =	stream.indirect.scatter.add.f32 [tilespmem:s22], [sflag:$0x4], $0x20, s1, s20, $0xb8;
	[tilespmem:$0xBC20] =	vst v63  }
0x72: {  	_ =	swait.ge [sflag:s17], $0xA00  }
0x73: {  	s31 =	smov.u32 s18;
	s30 =	sshra.s32 s0, $0x2;
	[sflag:s17] =	ssyncset.done $0x0  }
0x74: {  	s0 =	sadd.s32 $0xA0, s30;
	[sflag:s17] =	ssyncadd.s32 $0xFFFFF600  }
0x75: {  	[tilespmem:s22], [sflag:$0x3] =	stream.indirect.gather [hbm4b:s4+s20], $0x20, s0, s20, $0xb8;
	[tilespmem:$0xBC20] =	vst v63  }
0x76: {  	_ =	swait.ge [sflag:s23], $0xA00  }
0x77: {  	[sflag:s23] =	ssyncset.done $0x0  }
0x78: {  	s18 =	sadd.s32 $0x2710, s30;
	[sflag:s23] =	ssyncadd.s32 $0xFFFFF600  }
0x79: {  	[spmem:s2] =	stream.indirect.scatter.add.f32 [tilespmem:s19], [sflag:$0x4], $0x20, s18, s20, $0xb8;
	[tilespmem:$0xBC20] =	vst v63  }
0x7a: {  	_ =	swait.ge [sflag:s17], $0xA00  }
0x7b: {  	[sflag:s17] =	ssyncset.done $0x0  }
0x7c: {  	s31 =	sadd.s32 $0xF0, s30;
	[sflag:s17] =	ssyncadd.s32 $0xFFFFF600  }
0x7d: {  	[tilespmem:s19], [sflag:$0x1] =	stream.indirect.gather [hbm4b:s4+s20], $0x20, s31, s20, $0xb8;
	[tilespmem:$0xBC20] =	vst v63  }
0x7e: {  	_ =	swait.ge [sflag:s24], $0xA00  }
0x7f: {  	[sflag:s24] =	ssyncset.done $0x0  }
0x80: {  	s1 =	sadd.s32 $0x2760, s30;
	[sflag:s24] =	ssyncadd.s32 $0xFFFFF600  }
0x81: {  	[spmem:s2] =	stream.indirect.scatter.add.f32 [tilespmem:s21], [sflag:$0x4], $0x20, s1, s20, $0xb8;
	[tilespmem:$0xBC20] =	vst v63  }
0x82: {  	_ =	swait.ge [sflag:s17], $0xA00  }
0x83: {  	[sflag:s17] =	ssyncset.done $0x0  }
0x84: {  	s18 =	sadd.s32 $0x140, s30;
	[sflag:s17] =	ssyncadd.s32 $0xFFFFF600  }
0x85: {  	[tilespmem:s21], [sflag:$0x2] =	stream.indirect.gather [hbm4b:s4+s20], $0x20, s18, s20, $0xb8;
	[tilespmem:$0xBC20] =	vst v63  }
0x86: {  	_ =	swait.ge [sflag:s25], $0xA00  }
0x87: {  	[sflag:s25] =	ssyncset.done $0x0  }
0x88: {  	s30 =	sadd.s32 $0x27B0, s30;
	[sflag:s25] =	ssyncadd.s32 $0xFFFFF600  }
0x89: {  	[spmem:s2] =	stream.indirect.scatter.add.f32 [tilespmem:s22], [sflag:$0x4], $0x20, s30, s20, $0xb8;
	[tilespmem:$0xBC20] =	vst v63  }
0x8a: {  	_ =	swait.ge [sflag:s17], $0xA00  }
0x8b: {  	[sflag:s17] =	ssyncset.done $0x0  }
0x8c: {  	[sflag:s17] =	ssyncadd.s32 $0xFFFFF600  }
0x8d: {  	_ =	swait.ge [sflag:s23], $0xA00  }
0x8e: {  	[sflag:s23] =	ssyncset.done $0x0  }
0x8f: {  	[sflag:s23] =	ssyncadd.s32 $0xFFFFF600  }
0x90: {  	[spmem:s2] =	stream.indirect.scatter.add.f32 [tilespmem:s19], [sflag:$0x4], $0x20, s26, s20, $0xb8;
	[tilespmem:$0xBC20] =	vst v63  }
0x91: {  	_ =	swait.ge [sflag:s17], $0xA00  }
0x92: {  	[sflag:s17] =	ssyncset.done $0x0  }
0x93: {  	[sflag:s17] =	ssyncadd.s32 $0xFFFFF600  }
0x94: {  	_ =	swait.ge [sflag:s24], $0xA00  }
0x95: {  	[sflag:s24] =	ssyncset.done $0x0  }
0x96: {  	[sflag:s24] =	ssyncadd.s32 $0xFFFFF600  }
0x97: {  	[spmem:s2] =	stream.indirect.scatter.add.f32 [tilespmem:s21], [sflag:$0x4], $0x20, s28, s20, $0xb8;
	[tilespmem:$0xBC20] =	vst v63  }
0x98: {  	s31 =	stileid.u32;
	_ =	swait.ge [sflag:s17], $0xA00  }
0x99: {  	s29 =	sadd.s32 $0x1, s29;
	s0 =	sshll.u32 s31, $0x6;
	[sflag:s17] =	ssyncset.done $0x0  }
0x9a: {  	p0 =	sne.s32 s29, s16;
	s0 =	sor.u32 $0x1C04, s0;
	[sflag:s17] =	ssyncadd.s32 $0xFFFFF600  }
.Ltmp2:
0x9b: {  	s1 =	sshrl.u32 s7, $0x3;
	[bflag:$0x0] =	sbarrier.arrive $0xFFFF;
	(pc) =	sbr.rel @p0 .LBB2_1-.Ltmp2, $4  }
0x9c: {  	[hbm:s15], [sflag:s0] =	dma.local [spmem:s1], $0xA00  }
0x9d: {  	_ =	swait.ge [sflag:s17], $0xA00  }
0x9e: {  	[sflag:s17] =	ssyncset.done $0x0  }
0x9f: {  	[sflag:s17] =	ssyncadd.s32 $0xFFFFF600  }
0xa0: {  	_ =	sfence.sel $0x180000  }
0xa1: {  	[bflag:$0x0] =	sbarrier.arrive $0xFFFF  }
0xa2: {  	_ =	strace $0x90000050  }
0xa3: {  	s0 =	stileid.u32;
	[bflag:$0x2] =	sbarrier.arrive $0xFFFF  }
0xa4: {  	p0 =	sne.s32 s0, $0x0;
	s0 =	rddreg [dreg:$0x2]  }
0xa5: {  	s0 =	sadd.s32 @!p0 $0x100000, s0  }
0xa6: {  	[sflag:s0] =	ssyncadd.tile.s32 @!p0 $0x1;
	_ =	shalt  }
.Lfunc_end2:
_tile_overlayer_lowered:
.L_overlay_start_2:
0xa7: {  	(tag) =	ssettag $0x2  }
0xa8: {  	s0 =	rddreg [dreg:$0x0];
	s2 =	stileid.u32  }
0xa9: {  	s1 =	rddreg [dreg:$0x1];
	p0 =	sne.s32 s2, $0x0  }
0xaa: {  	s3 =	rddreg [dreg:$0x2];
	[bflag:$0x3] =	sbarrier.arrive $0xFFFF;
	s2 =	simm.s32 @!p0 $0x1C04  }
0xab: {  	[timem:s3], [sflag:s2] =	dma.local @!p0 [hbm:s0], s1  }
0xac: {  	s0 =	simm.s32 @!p0 $0x4  }
0xad: {  	_ =	swait.ge @!p0 [sflag:s0], s1  }
0xae: {  	s1 =	ssub.s32 @!p0 $0x0, s1;
	[sflag:s0] =	ssyncset.done @!p0 $0x0  }
0xaf: {  	[sflag:s0] =	ssyncadd.s32 @!p0 s1  }
0xb0: {  	[bflag:$0x3] =	sbarrier.arrive $0xFFFF  }
0xb1: {  	_ =	shalt  }

</sc_bundles>
